<compile_context>
chip_gen: v7x
topology: tpu7x:2x2x1
jax: 0.10.2.dev20260603
libtpu: 0.0.44.dev20260713+nightly
codegen_flags: <defaults>
</compile_context>

<pallas_src>
import functools

import jax
import jax.numpy as jnp
from jax import lax
from jax.experimental import pallas as pl
from jax.experimental.pallas import tpu as pltpu
from jax.experimental.pallas import tpu_sc as plsc

NC = 2
NS = 16
LN = 16

H = 4
F = 32
HF = H * F
CHUNK = 128
DENW = 16


def _prep_body(feat_ref, wt_ref, al_ref, ar_ref, h_ref, elp_ref, erp_ref):
    hb = jnp.dot(feat_ref[...], wt_ref[...], preferred_element_type=jnp.float32)
    h_ref[...] = hb
    elp_ref[...] = jnp.dot(hb, al_ref[...], preferred_element_type=jnp.float32)
    erp_ref[...] = jnp.dot(hb, ar_ref[...], preferred_element_type=jnp.float32)


def _finish_body(part_ref, pden_ref, r_ref, out_ref):
    p = part_ref[0] + part_ref[1]
    d = pden_ref[0] + pden_ref[1]
    db = jnp.dot(d, r_ref[...], preferred_element_type=jnp.float32)
    out_ref[...] = p / jnp.where(db > 0.0, db, 1.0)


def _sc_body(npad, n_edges, src_hbm, dst_hbm, elp_hbm, erp_hbm, h_hbm,
             zacc_hbm, zden_hbm, part_hbm, pden_hbm, hrows, bl0, bl1, br0,
             br1, w_v, src0, src1, dst0, dst1, sem, sem0, sem1, acc_sh,
             den_sh):
    srcs, dsts = (src0, src1), (dst0, dst1)
    bls, brs, sems = (bl0, bl1), (br0, br1), (sem0, sem1)
    c = lax.axis_index("c")
    s = lax.axis_index("s")
    wid = s * NC + c
    rows_per_tile = npad // NS

    row0 = s * rows_per_tile
    sizes = []
    left = rows_per_tile
    while left > 0:
        sz = min(left, CHUNK)
        sizes.append((rows_per_tile - left, sz))
        left -= sz
    pltpu.sync_copy(zacc_hbm.at[pl.ds(0, CHUNK)], hrows)
    pltpu.sync_copy(zden_hbm.at[pl.ds(0, CHUNK)], w_v)
    for off, sz in sizes:
        pltpu.sync_copy(hrows.at[pl.ds(0, sz)],
                        acc_sh.at[pl.ds(row0 + off, sz)])
        pltpu.sync_copy(w_v.at[pl.ds(0, sz)],
                        den_sh.at[pl.ds(row0 + off, sz)])
    plsc.subcore_barrier()

    n_chunks = n_edges // CHUNK
    n_workers = NC * NS
    iters = (n_chunks + n_workers - 1) // n_workers
    lane = lax.iota(jnp.int32, LN)

    def fire_small(cid, sb, db, bl, br, sm):
        off = cid * CHUNK
        pltpu.sync_copy(src_hbm.at[pl.ds(off, CHUNK)], sb)
        pltpu.sync_copy(dst_hbm.at[pl.ds(off, CHUNK)], db.at[0])
        pltpu.async_copy(elp_hbm.at[sb], bl, sm)
        pltpu.async_copy(erp_hbm.at[db.at[0]], br, sm)

    def process(cid, p):
        sb, db, bl, br, sm = srcs[p], dsts[p], bls[p], brs[p], sems[p]
        q = 1 - p
        pltpu.make_async_copy(elp_hbm.at[sb], bl, sm).wait()
        pltpu.make_async_copy(erp_hbm.at[db.at[0]], br, sm).wait()

        @plsc.parallel_loop(0, CHUNK, unroll=2)
        def _wloop(e):
            t = bl[e, :] + br[e, :]
            t = jnp.where(t > 0.0, t, 0.2 * t)
            w_v[e, :] = jnp.where(lane < H, jnp.exp(t), 0.0)

        nxt = cid + n_workers

        @pl.when(nxt < n_chunks)
        def _():
            fire_small(nxt, srcs[q], dsts[q], bls[q], brs[q], sems[q])

        pltpu.make_async_copy(h_hbm.at[sb], hrows, sem).wait()

        @plsc.parallel_loop(0, CHUNK, unroll=2)
        def _mloop(e):
            wrow = w_v[e, :]
            for head in range(H):
                ws = wrow[head]
                for half in range(F // LN):
                    col = head * F + half * LN
                    hrows[e, pl.ds(col, LN)] = hrows[e, pl.ds(col, LN)] * ws

        pltpu.sync_copy(hrows, acc_sh.at[db.at[0]], add=True)
        pltpu.sync_copy(w_v, den_sh.at[db.at[0]], add=True)

        @pl.when(nxt < n_chunks)
        def _():
            pltpu.async_copy(h_hbm.at[srcs[q]], hrows, sem)

    fire_small(wid, srcs[0], dsts[0], bls[0], brs[0], sems[0])
    pltpu.async_copy(h_hbm.at[srcs[0]], hrows, sem)

    @pl.loop(0, (iters + 1) // 2)
    def _pair(j):
        for p in range(2):
            cid = wid + (2 * j + p) * n_workers

            @pl.when(cid < n_chunks)
            def _(cid=cid, p=p):
                process(cid, p)

    plsc.subcore_barrier()
    for off, sz in sizes:
        pltpu.sync_copy(acc_sh.at[pl.ds(row0 + off, sz)],
                        hrows.at[pl.ds(0, sz)])
        pltpu.sync_copy(hrows.at[pl.ds(0, sz)],
                        part_hbm.at[c, pl.ds(row0 + off, sz)])
        pltpu.sync_copy(den_sh.at[pl.ds(row0 + off, sz)],
                        w_v.at[pl.ds(0, sz)])
        pltpu.sync_copy(w_v.at[pl.ds(0, sz)],
                        pden_hbm.at[c, pl.ds(row0 + off, sz)])


def kernel(feat, edge_index, W, attn_l, attn_r):
    n, in_feats = feat.shape
    e = edge_index.shape[1]
    f32 = jnp.float32

    wt = W.T.astype(f32)
    eye = jnp.eye(H, dtype=f32)
    pad = jnp.zeros((HF, DENW - H), f32)
    a_l = (attn_l[0][:, :, None] * eye[:, None, :]).reshape(HF, H)
    a_r = (attn_r[0][:, :, None] * eye[:, None, :]).reshape(HF, H)
    a_l = jnp.concatenate([a_l, pad], axis=1)
    a_r = jnp.concatenate([a_r, pad], axis=1)
    src = edge_index[0].astype(jnp.int32)
    dst = edge_index[1].astype(jnp.int32)
    npad = -(-n // (NS * 8)) * (NS * 8)
    zacc = jnp.zeros((npad // NS, HF), f32)
    zden = jnp.zeros((npad // NS, DENW), f32)

    bn = 1000
    h, elp, erp = pl.pallas_call(
        _prep_body,
        grid=(n // bn,),
        in_specs=[
            pl.BlockSpec((bn, in_feats), lambda i: (i, 0)),
            pl.BlockSpec((in_feats, HF), lambda i: (0, 0)),
            pl.BlockSpec((HF, DENW), lambda i: (0, 0)),
            pl.BlockSpec((HF, DENW), lambda i: (0, 0)),
        ],
        out_specs=[
            pl.BlockSpec((bn, HF), lambda i: (i, 0)),
            pl.BlockSpec((bn, DENW), lambda i: (i, 0)),
            pl.BlockSpec((bn, DENW), lambda i: (i, 0)),
        ],
        out_shape=[
            jax.ShapeDtypeStruct((n, HF), f32),
            jax.ShapeDtypeStruct((n, DENW), f32),
            jax.ShapeDtypeStruct((n, DENW), f32),
        ],
    )(feat.astype(f32), wt, a_l, a_r)

    mesh = plsc.VectorSubcoreMesh(core_axis_name="c", subcore_axis_name="s",
                                  num_cores=NC, num_subcores=NS)
    sc = pl.kernel(
        functools.partial(_sc_body, npad, e),
        out_type=(
            jax.ShapeDtypeStruct((NC, npad, HF), f32),
            jax.ShapeDtypeStruct((NC, npad, DENW), f32),
        ),
        mesh=mesh,
        scratch_types=(
            pltpu.VMEM((CHUNK, HF), f32),
            pltpu.VMEM((CHUNK, DENW), f32),
            pltpu.VMEM((CHUNK, DENW), f32),
            pltpu.VMEM((CHUNK, DENW), f32),
            pltpu.VMEM((CHUNK, DENW), f32),
            pltpu.VMEM((CHUNK, DENW), f32),
            pltpu.VMEM((CHUNK,), jnp.int32),
            pltpu.VMEM((CHUNK,), jnp.int32),
            pltpu.VMEM((1, CHUNK), jnp.int32),
            pltpu.VMEM((1, CHUNK), jnp.int32),
            pltpu.SemaphoreType.DMA,
            pltpu.SemaphoreType.DMA,
            pltpu.SemaphoreType.DMA,
            pltpu.VMEM_SHARED((npad, HF), f32),
            pltpu.VMEM_SHARED((npad, DENW), f32),
        ),
        compiler_params=pltpu.CompilerParams(
            needs_layout_passes=False, use_tc_tiling_on_sc=False),
    )
    part, pden = sc(src, dst, elp, erp, h, zacc, zden)

    r = jnp.concatenate(
        [jnp.kron(eye, jnp.ones((1, F), f32)),
         jnp.zeros((DENW - H, HF), f32)], axis=0)
    bo = npad // 8
    out = pl.pallas_call(
        _finish_body,
        grid=(npad // bo,),
        in_specs=[
            pl.BlockSpec((NC, bo, HF), lambda i: (0, i, 0)),
            pl.BlockSpec((NC, bo, DENW), lambda i: (0, i, 0)),
            pl.BlockSpec((DENW, HF), lambda i: (0, 0)),
        ],
        out_specs=pl.BlockSpec((bo, HF), lambda i: (i, 0)),
        out_shape=jax.ShapeDtypeStruct((npad, HF), f32),
    )(part, pden, r)
    return out[:n].reshape(n, H, F)

# --- scband reference (transcript-rebuilt; emitter-appended) ---
"""Pipeline reference for scband-gatlayer-15556371546272 (READ-ONLY COPY).

The authoritative reference and input builder live on the scoring server;
editing this copy changes nothing except your own understanding.
"""

import jax, jax.numpy as jnp
import numpy as np

N = 10000
E = 320000
IN_FEATS = 128
H = 4
F = 32

def setup_inputs(seed: int = 0) -> dict:
    key = jax.random.key(seed)
    k1, k2, k3, k4, k5 = jax.random.split(key, 5)
    feat = jax.random.normal(k1, (N, IN_FEATS), dtype=jnp.float32)
    edge_index = jax.random.randint(k2, (2, E), 0, N)
    # xavier_uniform for fc.weight of shape (H*F, IN_FEATS)
    bound_w = float(np.sqrt(6.0 / (IN_FEATS + H * F)))
    W = jax.random.uniform(k3, (H * F, IN_FEATS), dtype=jnp.float32, minval=-bound_w, maxval=bound_w)
    # xavier_uniform for attn params of shape (1, H, F): fan_in = F, fan_out = H (torch semantics for 3D: fan_in = size(1)*1? torch uses dims [1, H, F] -> fan_in = H*F? We follow torch: fan_in = num_input_fmaps * receptive = H * 1, fan_out = 1 * 1; practically just a small uniform)
    bound_a = float(np.sqrt(6.0 / (H + F)))
    attn_l = jax.random.uniform(k4, (1, H, F), dtype=jnp.float32, minval=-bound_a, maxval=bound_a)
    attn_r = jax.random.uniform(k5, (1, H, F), dtype=jnp.float32, minval=-bound_a, maxval=bound_a)
    return {"feat": feat, "edge_index": edge_index, "W": W, "attn_l": attn_l, "attn_r": attn_r}


def reference(feat, edge_index, W, attn_l, attn_r):
    # fc (no bias), dropout is identity (p=0.0)
    h = feat @ W.T                        # [N, H*F]
    h = h.reshape(-1, H, F)               # [N, H, F]
    el = (h * attn_l).sum(axis=-1)        # [N, H]
    er = (h * attn_r).sum(axis=-1)        # [N, H]
    src = edge_index[0]
    dst = edge_index[1]
    # u_add_v: e_ij = el[src] + er[dst]
    e = el[src] + er[dst]                 # [E, H]
    e = jnp.where(e > 0, e, 0.2 * e)      # LeakyReLU(0.2)
    # edge_softmax over incoming edges of each dst node
    emax = jax.ops.segment_max(e, dst, num_segments=N)          # [N, H]
    emax = jnp.where(jnp.isfinite(emax), emax, 0.0)
    ex = jnp.exp(e - emax[dst])                                  # [E, H]
    denom = jax.ops.segment_sum(ex, dst, num_segments=N)        # [N, H]
    alpha = ex / denom[dst]                                      # [E, H]
    # u_mul_e then sum over incoming edges
    m = h[src] * alpha[:, :, None]                               # [E, H, F]
    out = jax.ops.segment_sum(m, dst, num_segments=N)            # [N, H, F]
    return out

if __name__ == "__main__":
    import jax
    _d = setup_inputs()
    print(jax.jit(kernel)(*tuple(_d.values())))

</pallas_src>

<mosaic_0001>
#map = affine_map<(d0, d1) -> (0)>
#map1 = affine_map<(d0, d1) -> (0, 0)>
#map2 = affine_map<(d0, d1) -> (0, 0, 0)>
module attributes {stable_mosaic.version = 14 : i64} {
  func.func @_sc_body(%arg0: i32, %arg1: i32, %arg2: memref<320000xi32, #tpu.memory_space<hbm>>, %arg3: memref<320000xi32, #tpu.memory_space<hbm>>, %arg4: memref<10000x16xf32, #tpu.memory_space<hbm>>, %arg5: memref<10000x16xf32, #tpu.memory_space<hbm>>, %arg6: memref<10000x128xf32, #tpu.memory_space<hbm>>, %arg7: memref<632x128xf32, #tpu.memory_space<hbm>>, %arg8: memref<632x16xf32, #tpu.memory_space<hbm>>, %arg9: memref<2x10112x128xf32, #tpu.memory_space<hbm>>, %arg10: memref<2x10112x16xf32, #tpu.memory_space<hbm>>, %arg11: memref<128x128xf32, #tpu.memory_space<vmem>>, %arg12: memref<128x16xf32, #tpu.memory_space<vmem>>, %arg13: memref<128x16xf32, #tpu.memory_space<vmem>>, %arg14: memref<128x16xf32, #tpu.memory_space<vmem>>, %arg15: memref<128x16xf32, #tpu.memory_space<vmem>>, %arg16: memref<128x16xf32, #tpu.memory_space<vmem>>, %arg17: memref<128xi32, #tpu.memory_space<vmem>>, %arg18: memref<128xi32, #tpu.memory_space<vmem>>, %arg19: memref<1x128xi32, #tpu.memory_space<vmem>>, %arg20: memref<1x128xi32, #tpu.memory_space<vmem>>, %arg21: memref<!tpu.dma_semaphore, #tpu.memory_space<semaphore_mem>>, %arg22: memref<!tpu.dma_semaphore, #tpu.memory_space<semaphore_mem>>, %arg23: memref<!tpu.dma_semaphore, #tpu.memory_space<semaphore_mem>>, %arg24: memref<10112x128xf32, #tpu.memory_space<vmem_shared>>, %arg25: memref<10112x16xf32, #tpu.memory_space<vmem_shared>>) attributes {dimension_semantics = [#tpu.dimension_semantics<core_parallel>, #tpu.dimension_semantics<subcore_parallel>], iteration_bounds = array<i64: 2, 16>, scalar_prefetch = 0 : i64, scratch_operands = 15 : i64, tpu.core_type = #tpu.core_type<sc_vector_subcore>, window_params = [{transform_indices = #map}, {transform_indices = #map}, {transform_indices = #map1}, {transform_indices = #map1}, {transform_indices = #map1}, {transform_indices = #map1}, {transform_indices = #map1}, {transform_indices = #map2}, {transform_indices = #map2}]} {
    %mul3A = arith.constant 2 : i32
    %mul3A_0 = arith.muli %arg1, %mul3A : i32
    %add3A = arith.addi %mul3A_0, %arg0 : i32
    %mul3A_1 = arith.constant 632 : i32
    %mul3A_2 = arith.muli %arg1, %mul3A_1 : i32
    "tpu.region"() ({
      %run_scoped3A_82 = tpu.sem_alloc : memref<!tpu.dma_semaphore, #tpu.memory_space<semaphore_mem>>
      %dma_start3A_83 = arith.constant 0 : i32
      %dma_start3A_84 = arith.constant 0 : i32
      %dma_start3A_85 = tpu.memref_slice %arg7[%dma_start3A_83, %dma_start3A_84] : memref<632x128xf32, #tpu.memory_space<hbm>> -> memref<128x128xf32, #tpu.memory_space<hbm>>
      %dma_start3A_86 = arith.constant 0 : i32
      %dma_start3A_87 = arith.constant 0 : i32
      %dma_start3A_88 = tpu.memref_slice %arg7[%dma_start3A_86, %dma_start3A_87] : memref<632x128xf32, #tpu.memory_space<hbm>> -> memref<128x128xf32, #tpu.memory_space<hbm>>
      tpu.enqueue_dma source(%dma_start3A_88 : memref<128x128xf32, #tpu.memory_space<hbm>>) target(%arg11 : memref<128x128xf32, #tpu.memory_space<vmem>>) target_semaphore(%run_scoped3A_82 : memref<!tpu.dma_semaphore, #tpu.memory_space<semaphore_mem>>)
      %dma_wait3A = arith.constant 0 : i32
      %dma_wait3A_89 = arith.constant 0 : i32
      %dma_wait3A_90 = tpu.memref_slice %arg7[%dma_wait3A, %dma_wait3A_89] : memref<632x128xf32, #tpu.memory_space<hbm>> -> memref<128x128xf32, #tpu.memory_space<hbm>>
      %dma_wait3A_91 = arith.constant 0 : i32
      %dma_wait3A_92 = arith.constant 0 : i32
      %dma_wait3A_93 = tpu.memref_slice %arg7[%dma_wait3A_91, %dma_wait3A_92] : memref<632x128xf32, #tpu.memory_space<hbm>> -> memref<128x128xf32, #tpu.memory_space<hbm>>
      tpu.wait_dma2 semaphore(%run_scoped3A_82 : memref<!tpu.dma_semaphore, #tpu.memory_space<semaphore_mem>>) src(%dma_wait3A_93 : memref<128x128xf32, #tpu.memory_space<hbm>>) dst(%arg11 : memref<128x128xf32, #tpu.memory_space<vmem>>)
      tpu.yield
    }) : () -> ()
    "tpu.region"() ({
      %run_scoped3A_82 = tpu.sem_alloc : memref<!tpu.dma_semaphore, #tpu.memory_space<semaphore_mem>>
      %dma_start3A_83 = arith.constant 0 : i32
      %dma_start3A_84 = arith.constant 0 : i32
      %dma_start3A_85 = tpu.memref_slice %arg8[%dma_start3A_83, %dma_start3A_84] : memref<632x16xf32, #tpu.memory_space<hbm>> -> memref<128x16xf32, #tpu.memory_space<hbm>>
      %dma_start3A_86 = arith.constant 0 : i32
      %dma_start3A_87 = arith.constant 0 : i32
      %dma_start3A_88 = tpu.memref_slice %arg8[%dma_start3A_86, %dma_start3A_87] : memref<632x16xf32, #tpu.memory_space<hbm>> -> memref<128x16xf32, #tpu.memory_space<hbm>>
      tpu.enqueue_dma source(%dma_start3A_88 : memref<128x16xf32, #tpu.memory_space<hbm>>) target(%arg16 : memref<128x16xf32, #tpu.memory_space<vmem>>) target_semaphore(%run_scoped3A_82 : memref<!tpu.dma_semaphore, #tpu.memory_space<semaphore_mem>>)
      %dma_wait3A = arith.constant 0 : i32
      %dma_wait3A_89 = arith.constant 0 : i32
      %dma_wait3A_90 = tpu.memref_slice %arg8[%dma_wait3A, %dma_wait3A_89] : memref<632x16xf32, #tpu.memory_space<hbm>> -> memref<128x16xf32, #tpu.memory_space<hbm>>
      %dma_wait3A_91 = arith.constant 0 : i32
      %dma_wait3A_92 = arith.constant 0 : i32
      %dma_wait3A_93 = tpu.memref_slice %arg8[%dma_wait3A_91, %dma_wait3A_92] : memref<632x16xf32, #tpu.memory_space<hbm>> -> memref<128x16xf32, #tpu.memory_space<hbm>>
      tpu.wait_dma2 semaphore(%run_scoped3A_82 : memref<!tpu.dma_semaphore, #tpu.memory_space<semaphore_mem>>) src(%dma_wait3A_93 : memref<128x16xf32, #tpu.memory_space<hbm>>) dst(%arg16 : memref<128x16xf32, #tpu.memory_space<vmem>>)
      tpu.yield
    }) : () -> ()
    %add3A_3 = arith.constant 0 : i32
    %add3A_4 = arith.addi %mul3A_2, %add3A_3 : i32
    "tpu.region"() ({
      %run_scoped3A_82 = tpu.sem_alloc : memref<!tpu.dma_semaphore, #tpu.memory_space<semaphore_mem>>
      %dma_start3A_83 = arith.constant 0 : i32
      %dma_start3A_84 = arith.constant 0 : i32
      %dma_start3A_85 = tpu.memref_slice %arg11[%dma_start3A_83, %dma_start3A_84] : memref<128x128xf32, #tpu.memory_space<vmem>> -> memref<128x128xf32, #tpu.memory_space<vmem>>
      %dma_start3A_86 = arith.constant 0 : i32
      %dma_start3A_87 = tpu.memref_slice %arg24[%add3A_4, %dma_start3A_86] : memref<10112x128xf32, #tpu.memory_space<vmem_shared>> -> memref<128x128xf32, #tpu.memory_space<vmem_shared>>
      %dma_start3A_88 = arith.constant 0 : i32
      %dma_start3A_89 = tpu.memref_slice %arg24[%add3A_4, %dma_start3A_88] : memref<10112x128xf32, #tpu.memory_space<vmem_shared>> -> memref<128x128xf32, #tpu.memory_space<vmem_shared>>
      %dma_start3A_90 = arith.constant 0 : i32
      %dma_start3A_91 = arith.constant 0 : i32
      %dma_start3A_92 = tpu.memref_slice %arg11[%dma_start3A_90, %dma_start3A_91] : memref<128x128xf32, #tpu.memory_space<vmem>> -> memref<128x128xf32, #tpu.memory_space<vmem>>
      tpu.enqueue_dma source(%dma_start3A_92 : memref<128x128xf32, #tpu.memory_space<vmem>>) target(%dma_start3A_89 : memref<128x128xf32, #tpu.memory_space<vmem_shared>>) target_semaphore(%run_scoped3A_82 : memref<!tpu.dma_semaphore, #tpu.memory_space<semaphore_mem>>)
      %dma_wait3A = arith.constant 0 : i32
      %dma_wait3A_93 = arith.constant 0 : i32
      %dma_wait3A_94 = tpu.memref_slice %arg11[%dma_wait3A, %dma_wait3A_93] : memref<128x128xf32, #tpu.memory_space<vmem>> -> memref<128x128xf32, #tpu.memory_space<vmem>>
      %dma_wait3A_95 = arith.constant 0 : i32
      %dma_wait3A_96 = tpu.memref_slice %arg24[%add3A_4, %dma_wait3A_95] : memref<10112x128xf32, #tpu.memory_space<vmem_shared>> -> memref<128x128xf32, #tpu.memory_space<vmem_shared>>
      %dma_wait3A_97 = arith.constant 0 : i32
      %dma_wait3A_98 = tpu.memref_slice %arg24[%add3A_4, %dma_wait3A_97] : memref<10112x128xf32, #tpu.memory_space<vmem_shared>> -> memref<128x128xf32, #tpu.memory_space<vmem_shared>>
      %dma_wait3A_99 = arith.constant 0 : i32
      %dma_wait3A_100 = arith.constant 0 : i32
      %dma_wait3A_101 = tpu.memref_slice %arg11[%dma_wait3A_99, %dma_wait3A_100] : memref<128x128xf32, #tpu.memory_space<vmem>> -> memref<128x128xf32, #tpu.memory_space<vmem>>
      tpu.wait_dma2 semaphore(%run_scoped3A_82 : memref<!tpu.dma_semaphore, #tpu.memory_space<semaphore_mem>>) src(%dma_wait3A_101 : memref<128x128xf32, #tpu.memory_space<vmem>>) dst(%dma_wait3A_98 : memref<128x128xf32, #tpu.memory_space<vmem_shared>>)
      tpu.yield
    }) : () -> ()
    %add3A_5 = arith.constant 0 : i32
    %add3A_6 = arith.addi %mul3A_2, %add3A_5 : i32
    "tpu.region"() ({
      %run_scoped3A_82 = tpu.sem_alloc : memref<!tpu.dma_semaphore, #tpu.memory_space<semaphore_mem>>
      %dma_start3A_83 = arith.constant 0 : i32
      %dma_start3A_84 = arith.constant 0 : i32
      %dma_start3A_85 = tpu.memref_slice %arg16[%dma_start3A_83, %dma_start3A_84] : memref<128x16xf32, #tpu.memory_space<vmem>> -> memref<128x16xf32, #tpu.memory_space<vmem>>
      %dma_start3A_86 = arith.constant 0 : i32
      %dma_start3A_87 = tpu.memref_slice %arg25[%add3A_6, %dma_start3A_86] : memref<10112x16xf32, #tpu.memory_space<vmem_shared>> -> memref<128x16xf32, #tpu.memory_space<vmem_shared>>
      %dma_start3A_88 = arith.constant 0 : i32
      %dma_start3A_89 = tpu.memref_slice %arg25[%add3A_6, %dma_start3A_88] : memref<10112x16xf32, #tpu.memory_space<vmem_shared>> -> memref<128x16xf32, #tpu.memory_space<vmem_shared>>
      %dma_start3A_90 = arith.constant 0 : i32
      %dma_start3A_91 = arith.constant 0 : i32
      %dma_start3A_92 = tpu.memref_slice %arg16[%dma_start3A_90, %dma_start3A_91] : memref<128x16xf32, #tpu.memory_space<vmem>> -> memref<128x16xf32, #tpu.memory_space<vmem>>
      tpu.enqueue_dma source(%dma_start3A_92 : memref<128x16xf32, #tpu.memory_space<vmem>>) target(%dma_start3A_89 : memref<128x16xf32, #tpu.memory_space<vmem_shared>>) target_semaphore(%run_scoped3A_82 : memref<!tpu.dma_semaphore, #tpu.memory_space<semaphore_mem>>)
      %dma_wait3A = arith.constant 0 : i32
      %dma_wait3A_93 = arith.constant 0 : i32
      %dma_wait3A_94 = tpu.memref_slice %arg16[%dma_wait3A, %dma_wait3A_93] : memref<128x16xf32, #tpu.memory_space<vmem>> -> memref<128x16xf32, #tpu.memory_space<vmem>>
      %dma_wait3A_95 = arith.constant 0 : i32
      %dma_wait3A_96 = tpu.memref_slice %arg25[%add3A_6, %dma_wait3A_95] : memref<10112x16xf32, #tpu.memory_space<vmem_shared>> -> memref<128x16xf32, #tpu.memory_space<vmem_shared>>
      %dma_wait3A_97 = arith.constant 0 : i32
      %dma_wait3A_98 = tpu.memref_slice %arg25[%add3A_6, %dma_wait3A_97] : memref<10112x16xf32, #tpu.memory_space<vmem_shared>> -> memref<128x16xf32, #tpu.memory_space<vmem_shared>>
      %dma_wait3A_99 = arith.constant 0 : i32
      %dma_wait3A_100 = arith.constant 0 : i32
      %dma_wait3A_101 = tpu.memref_slice %arg16[%dma_wait3A_99, %dma_wait3A_100] : memref<128x16xf32, #tpu.memory_space<vmem>> -> memref<128x16xf32, #tpu.memory_space<vmem>>
      tpu.wait_dma2 semaphore(%run_scoped3A_82 : memref<!tpu.dma_semaphore, #tpu.memory_space<semaphore_mem>>) src(%dma_wait3A_101 : memref<128x16xf32, #tpu.memory_space<vmem>>) dst(%dma_wait3A_98 : memref<128x16xf32, #tpu.memory_space<vmem_shared>>)
      tpu.yield
    }) : () -> ()
    %add3A_7 = arith.constant 128 : i32
    %add3A_8 = arith.addi %mul3A_2, %add3A_7 : i32
    "tpu.region"() ({
      %run_scoped3A_82 = tpu.sem_alloc : memref<!tpu.dma_semaphore, #tpu.memory_space<semaphore_mem>>
      %dma_start3A_83 = arith.constant 0 : i32
      %dma_start3A_84 = arith.constant 0 : i32
      %dma_start3A_85 = tpu.memref_slice %arg11[%dma_start3A_83, %dma_start3A_84] : memref<128x128xf32, #tpu.memory_space<vmem>> -> memref<128x128xf32, #tpu.memory_space<vmem>>
      %dma_start3A_86 = arith.constant 0 : i32
      %dma_start3A_87 = tpu.memref_slice %arg24[%add3A_8, %dma_start3A_86] : memref<10112x128xf32, #tpu.memory_space<vmem_shared>> -> memref<128x128xf32, #tpu.memory_space<vmem_shared>>
      %dma_start3A_88 = arith.constant 0 : i32
      %dma_start3A_89 = tpu.memref_slice %arg24[%add3A_8, %dma_start3A_88] : memref<10112x128xf32, #tpu.memory_space<vmem_shared>> -> memref<128x128xf32, #tpu.memory_space<vmem_shared>>
      %dma_start3A_90 = arith.constant 0 : i32
      %dma_start3A_91 = arith.constant 0 : i32
      %dma_start3A_92 = tpu.memref_slice %arg11[%dma_start3A_90, %dma_start3A_91] : memref<128x128xf32, #tpu.memory_space<vmem>> -> memref<128x128xf32, #tpu.memory_space<vmem>>
      tpu.enqueue_dma source(%dma_start3A_92 : memref<128x128xf32, #tpu.memory_space<vmem>>) target(%dma_start3A_89 : memref<128x128xf32, #tpu.memory_space<vmem_shared>>) target_semaphore(%run_scoped3A_82 : memref<!tpu.dma_semaphore, #tpu.memory_space<semaphore_mem>>)
      %dma_wait3A = arith.constant 0 : i32
      %dma_wait3A_93 = arith.constant 0 : i32
      %dma_wait3A_94 = tpu.memref_slice %arg11[%dma_wait3A, %dma_wait3A_93] : memref<128x128xf32, #tpu.memory_space<vmem>> -> memref<128x128xf32, #tpu.memory_space<vmem>>
      %dma_wait3A_95 = arith.constant 0 : i32
      %dma_wait3A_96 = tpu.memref_slice %arg24[%add3A_8, %dma_wait3A_95] : memref<10112x128xf32, #tpu.memory_space<vmem_shared>> -> memref<128x128xf32, #tpu.memory_space<vmem_shared>>
      %dma_wait3A_97 = arith.constant 0 : i32
      %dma_wait3A_98 = tpu.memref_slice %arg24[%add3A_8, %dma_wait3A_97] : memref<10112x128xf32, #tpu.memory_space<vmem_shared>> -> memref<128x128xf32, #tpu.memory_space<vmem_shared>>
      %dma_wait3A_99 = arith.constant 0 : i32
      %dma_wait3A_100 = arith.constant 0 : i32
      %dma_wait3A_101 = tpu.memref_slice %arg11[%dma_wait3A_99, %dma_wait3A_100] : memref<128x128xf32, #tpu.memory_space<vmem>> -> memref<128x128xf32, #tpu.memory_space<vmem>>
      tpu.wait_dma2 semaphore(%run_scoped3A_82 : memref<!tpu.dma_semaphore, #tpu.memory_space<semaphore_mem>>) src(%dma_wait3A_101 : memref<128x128xf32, #tpu.memory_space<vmem>>) dst(%dma_wait3A_98 : memref<128x128xf32, #tpu.memory_space<vmem_shared>>)
      tpu.yield
    }) : () -> ()
    %add3A_9 = arith.constant 128 : i32
    %add3A_10 = arith.addi %mul3A_2, %add3A_9 : i32
    "tpu.region"() ({
      %run_scoped3A_82 = tpu.sem_alloc : memref<!tpu.dma_semaphore, #tpu.memory_space<semaphore_mem>>
      %dma_start3A_83 = arith.constant 0 : i32
      %dma_start3A_84 = arith.constant 0 : i32
      %dma_start3A_85 = tpu.memref_slice %arg16[%dma_start3A_83, %dma_start3A_84] : memref<128x16xf32, #tpu.memory_space<vmem>> -> memref<128x16xf32, #tpu.memory_space<vmem>>
      %dma_start3A_86 = arith.constant 0 : i32
      %dma_start3A_87 = tpu.memref_slice %arg25[%add3A_10, %dma_start3A_86] : memref<10112x16xf32, #tpu.memory_space<vmem_shared>> -> memref<128x16xf32, #tpu.memory_space<vmem_shared>>
      %dma_start3A_88 = arith.constant 0 : i32
      %dma_start3A_89 = tpu.memref_slice %arg25[%add3A_10, %dma_start3A_88] : memref<10112x16xf32, #tpu.memory_space<vmem_shared>> -> memref<128x16xf32, #tpu.memory_space<vmem_shared>>
      %dma_start3A_90 = arith.constant 0 : i32
      %dma_start3A_91 = arith.constant 0 : i32
      %dma_start3A_92 = tpu.memref_slice %arg16[%dma_start3A_90, %dma_start3A_91] : memref<128x16xf32, #tpu.memory_space<vmem>> -> memref<128x16xf32, #tpu.memory_space<vmem>>
      tpu.enqueue_dma source(%dma_start3A_92 : memref<128x16xf32, #tpu.memory_space<vmem>>) target(%dma_start3A_89 : memref<128x16xf32, #tpu.memory_space<vmem_shared>>) target_semaphore(%run_scoped3A_82 : memref<!tpu.dma_semaphore, #tpu.memory_space<semaphore_mem>>)
      %dma_wait3A = arith.constant 0 : i32
      %dma_wait3A_93 = arith.constant 0 : i32
      %dma_wait3A_94 = tpu.memref_slice %arg16[%dma_wait3A, %dma_wait3A_93] : memref<128x16xf32, #tpu.memory_space<vmem>> -> memref<128x16xf32, #tpu.memory_space<vmem>>
      %dma_wait3A_95 = arith.constant 0 : i32
      %dma_wait3A_96 = tpu.memref_slice %arg25[%add3A_10, %dma_wait3A_95] : memref<10112x16xf32, #tpu.memory_space<vmem_shared>> -> memref<128x16xf32, #tpu.memory_space<vmem_shared>>
      %dma_wait3A_97 = arith.constant 0 : i32
      %dma_wait3A_98 = tpu.memref_slice %arg25[%add3A_10, %dma_wait3A_97] : memref<10112x16xf32, #tpu.memory_space<vmem_shared>> -> memref<128x16xf32, #tpu.memory_space<vmem_shared>>
      %dma_wait3A_99 = arith.constant 0 : i32
      %dma_wait3A_100 = arith.constant 0 : i32
      %dma_wait3A_101 = tpu.memref_slice %arg16[%dma_wait3A_99, %dma_wait3A_100] : memref<128x16xf32, #tpu.memory_space<vmem>> -> memref<128x16xf32, #tpu.memory_space<vmem>>
      tpu.wait_dma2 semaphore(%run_scoped3A_82 : memref<!tpu.dma_semaphore, #tpu.memory_space<semaphore_mem>>) src(%dma_wait3A_101 : memref<128x16xf32, #tpu.memory_space<vmem>>) dst(%dma_wait3A_98 : memref<128x16xf32, #tpu.memory_space<vmem_shared>>)
      tpu.yield
    }) : () -> ()
    %add3A_11 = arith.constant 256 : i32
    %add3A_12 = arith.addi %mul3A_2, %add3A_11 : i32
    "tpu.region"() ({
      %run_scoped3A_82 = tpu.sem_alloc : memref<!tpu.dma_semaphore, #tpu.memory_space<semaphore_mem>>
      %dma_start3A_83 = arith.constant 0 : i32
      %dma_start3A_84 = arith.constant 0 : i32
      %dma_start3A_85 = tpu.memref_slice %arg11[%dma_start3A_83, %dma_start3A_84] : memref<128x128xf32, #tpu.memory_space<vmem>> -> memref<128x128xf32, #tpu.memory_space<vmem>>
      %dma_start3A_86 = arith.constant 0 : i32
      %dma_start3A_87 = tpu.memref_slice %arg24[%add3A_12, %dma_start3A_86] : memref<10112x128xf32, #tpu.memory_space<vmem_shared>> -> memref<128x128xf32, #tpu.memory_space<vmem_shared>>
      %dma_start3A_88 = arith.constant 0 : i32
      %dma_start3A_89 = tpu.memref_slice %arg24[%add3A_12, %dma_start3A_88] : memref<10112x128xf32, #tpu.memory_space<vmem_shared>> -> memref<128x128xf32, #tpu.memory_space<vmem_shared>>
      %dma_start3A_90 = arith.constant 0 : i32
      %dma_start3A_91 = arith.constant 0 : i32
      %dma_start3A_92 = tpu.memref_slice %arg11[%dma_start3A_90, %dma_start3A_91] : memref<128x128xf32, #tpu.memory_space<vmem>> -> memref<128x128xf32, #tpu.memory_space<vmem>>
      tpu.enqueue_dma source(%dma_start3A_92 : memref<128x128xf32, #tpu.memory_space<vmem>>) target(%dma_start3A_89 : memref<128x128xf32, #tpu.memory_space<vmem_shared>>) target_semaphore(%run_scoped3A_82 : memref<!tpu.dma_semaphore, #tpu.memory_space<semaphore_mem>>)
      %dma_wait3A = arith.constant 0 : i32
      %dma_wait3A_93 = arith.constant 0 : i32
      %dma_wait3A_94 = tpu.memref_slice %arg11[%dma_wait3A, %dma_wait3A_93] : memref<128x128xf32, #tpu.memory_space<vmem>> -> memref<128x128xf32, #tpu.memory_space<vmem>>
      %dma_wait3A_95 = arith.constant 0 : i32
      %dma_wait3A_96 = tpu.memref_slice %arg24[%add3A_12, %dma_wait3A_95] : memref<10112x128xf32, #tpu.memory_space<vmem_shared>> -> memref<128x128xf32, #tpu.memory_space<vmem_shared>>
      %dma_wait3A_97 = arith.constant 0 : i32
      %dma_wait3A_98 = tpu.memref_slice %arg24[%add3A_12, %dma_wait3A_97] : memref<10112x128xf32, #tpu.memory_space<vmem_shared>> -> memref<128x128xf32, #tpu.memory_space<vmem_shared>>
      %dma_wait3A_99 = arith.constant 0 : i32
      %dma_wait3A_100 = arith.constant 0 : i32
      %dma_wait3A_101 = tpu.memref_slice %arg11[%dma_wait3A_99, %dma_wait3A_100] : memref<128x128xf32, #tpu.memory_space<vmem>> -> memref<128x128xf32, #tpu.memory_space<vmem>>
      tpu.wait_dma2 semaphore(%run_scoped3A_82 : memref<!tpu.dma_semaphore, #tpu.memory_space<semaphore_mem>>) src(%dma_wait3A_101 : memref<128x128xf32, #tpu.memory_space<vmem>>) dst(%dma_wait3A_98 : memref<128x128xf32, #tpu.memory_space<vmem_shared>>)
      tpu.yield
    }) : () -> ()
    %add3A_13 = arith.constant 256 : i32
    %add3A_14 = arith.addi %mul3A_2, %add3A_13 : i32
    "tpu.region"() ({
      %run_scoped3A_82 = tpu.sem_alloc : memref<!tpu.dma_semaphore, #tpu.memory_space<semaphore_mem>>
      %dma_start3A_83 = arith.constant 0 : i32
      %dma_start3A_84 = arith.constant 0 : i32
      %dma_start3A_85 = tpu.memref_slice %arg16[%dma_start3A_83, %dma_start3A_84] : memref<128x16xf32, #tpu.memory_space<vmem>> -> memref<128x16xf32, #tpu.memory_space<vmem>>
      %dma_start3A_86 = arith.constant 0 : i32
      %dma_start3A_87 = tpu.memref_slice %arg25[%add3A_14, %dma_start3A_86] : memref<10112x16xf32, #tpu.memory_space<vmem_shared>> -> memref<128x16xf32, #tpu.memory_space<vmem_shared>>
      %dma_start3A_88 = arith.constant 0 : i32
      %dma_start3A_89 = tpu.memref_slice %arg25[%add3A_14, %dma_start3A_88] : memref<10112x16xf32, #tpu.memory_space<vmem_shared>> -> memref<128x16xf32, #tpu.memory_space<vmem_shared>>
      %dma_start3A_90 = arith.constant 0 : i32
      %dma_start3A_91 = arith.constant 0 : i32
      %dma_start3A_92 = tpu.memref_slice %arg16[%dma_start3A_90, %dma_start3A_91] : memref<128x16xf32, #tpu.memory_space<vmem>> -> memref<128x16xf32, #tpu.memory_space<vmem>>
      tpu.enqueue_dma source(%dma_start3A_92 : memref<128x16xf32, #tpu.memory_space<vmem>>) target(%dma_start3A_89 : memref<128x16xf32, #tpu.memory_space<vmem_shared>>) target_semaphore(%run_scoped3A_82 : memref<!tpu.dma_semaphore, #tpu.memory_space<semaphore_mem>>)
      %dma_wait3A = arith.constant 0 : i32
      %dma_wait3A_93 = arith.constant 0 : i32
      %dma_wait3A_94 = tpu.memref_slice %arg16[%dma_wait3A, %dma_wait3A_93] : memref<128x16xf32, #tpu.memory_space<vmem>> -> memref<128x16xf32, #tpu.memory_space<vmem>>
      %dma_wait3A_95 = arith.constant 0 : i32
      %dma_wait3A_96 = tpu.memref_slice %arg25[%add3A_14, %dma_wait3A_95] : memref<10112x16xf32, #tpu.memory_space<vmem_shared>> -> memref<128x16xf32, #tpu.memory_space<vmem_shared>>
      %dma_wait3A_97 = arith.constant 0 : i32
      %dma_wait3A_98 = tpu.memref_slice %arg25[%add3A_14, %dma_wait3A_97] : memref<10112x16xf32, #tpu.memory_space<vmem_shared>> -> memref<128x16xf32, #tpu.memory_space<vmem_shared>>
      %dma_wait3A_99 = arith.constant 0 : i32
      %dma_wait3A_100 = arith.constant 0 : i32
      %dma_wait3A_101 = tpu.memref_slice %arg16[%dma_wait3A_99, %dma_wait3A_100] : memref<128x16xf32, #tpu.memory_space<vmem>> -> memref<128x16xf32, #tpu.memory_space<vmem>>
      tpu.wait_dma2 semaphore(%run_scoped3A_82 : memref<!tpu.dma_semaphore, #tpu.memory_space<semaphore_mem>>) src(%dma_wait3A_101 : memref<128x16xf32, #tpu.memory_space<vmem>>) dst(%dma_wait3A_98 : memref<128x16xf32, #tpu.memory_space<vmem_shared>>)
      tpu.yield
    }) : () -> ()
    %add3A_15 = arith.constant 384 : i32
    %add3A_16 = arith.addi %mul3A_2, %add3A_15 : i32
    "tpu.region"() ({
      %run_scoped3A_82 = tpu.sem_alloc : memref<!tpu.dma_semaphore, #tpu.memory_space<semaphore_mem>>
      %dma_start3A_83 = arith.constant 0 : i32
      %dma_start3A_84 = arith.constant 0 : i32
      %dma_start3A_85 = tpu.memref_slice %arg11[%dma_start3A_83, %dma_start3A_84] : memref<128x128xf32, #tpu.memory_space<vmem>> -> memref<128x128xf32, #tpu.memory_space<vmem>>
      %dma_start3A_86 = arith.constant 0 : i32
      %dma_start3A_87 = tpu.memref_slice %arg24[%add3A_16, %dma_start3A_86] : memref<10112x128xf32, #tpu.memory_space<vmem_shared>> -> memref<128x128xf32, #tpu.memory_space<vmem_shared>>
      %dma_start3A_88 = arith.constant 0 : i32
      %dma_start3A_89 = tpu.memref_slice %arg24[%add3A_16, %dma_start3A_88] : memref<10112x128xf32, #tpu.memory_space<vmem_shared>> -> memref<128x128xf32, #tpu.memory_space<vmem_shared>>
      %dma_start3A_90 = arith.constant 0 : i32
      %dma_start3A_91 = arith.constant 0 : i32
      %dma_start3A_92 = tpu.memref_slice %arg11[%dma_start3A_90, %dma_start3A_91] : memref<128x128xf32, #tpu.memory_space<vmem>> -> memref<128x128xf32, #tpu.memory_space<vmem>>
      tpu.enqueue_dma source(%dma_start3A_92 : memref<128x128xf32, #tpu.memory_space<vmem>>) target(%dma_start3A_89 : memref<128x128xf32, #tpu.memory_space<vmem_shared>>) target_semaphore(%run_scoped3A_82 : memref<!tpu.dma_semaphore, #tpu.memory_space<semaphore_mem>>)
      %dma_wait3A = arith.constant 0 : i32
      %dma_wait3A_93 = arith.constant 0 : i32
      %dma_wait3A_94 = tpu.memref_slice %arg11[%dma_wait3A, %dma_wait3A_93] : memref<128x128xf32, #tpu.memory_space<vmem>> -> memref<128x128xf32, #tpu.memory_space<vmem>>
      %dma_wait3A_95 = arith.constant 0 : i32
      %dma_wait3A_96 = tpu.memref_slice %arg24[%add3A_16, %dma_wait3A_95] : memref<10112x128xf32, #tpu.memory_space<vmem_shared>> -> memref<128x128xf32, #tpu.memory_space<vmem_shared>>
      %dma_wait3A_97 = arith.constant 0 : i32
      %dma_wait3A_98 = tpu.memref_slice %arg24[%add3A_16, %dma_wait3A_97] : memref<10112x128xf32, #tpu.memory_space<vmem_shared>> -> memref<128x128xf32, #tpu.memory_space<vmem_shared>>
      %dma_wait3A_99 = arith.constant 0 : i32
      %dma_wait3A_100 = arith.constant 0 : i32
      %dma_wait3A_101 = tpu.memref_slice %arg11[%dma_wait3A_99, %dma_wait3A_100] : memref<128x128xf32, #tpu.memory_space<vmem>> -> memref<128x128xf32, #tpu.memory_space<vmem>>
      tpu.wait_dma2 semaphore(%run_scoped3A_82 : memref<!tpu.dma_semaphore, #tpu.memory_space<semaphore_mem>>) src(%dma_wait3A_101 : memref<128x128xf32, #tpu.memory_space<vmem>>) dst(%dma_wait3A_98 : memref<128x128xf32, #tpu.memory_space<vmem_shared>>)
      tpu.yield
    }) : () -> ()
    %add3A_17 = arith.constant 384 : i32
    %add3A_18 = arith.addi %mul3A_2, %add3A_17 : i32
    "tpu.region"() ({
      %run_scoped3A_82 = tpu.sem_alloc : memref<!tpu.dma_semaphore, #tpu.memory_space<semaphore_mem>>
      %dma_start3A_83 = arith.constant 0 : i32
      %dma_start3A_84 = arith.constant 0 : i32
      %dma_start3A_85 = tpu.memref_slice %arg16[%dma_start3A_83, %dma_start3A_84] : memref<128x16xf32, #tpu.memory_space<vmem>> -> memref<128x16xf32, #tpu.memory_space<vmem>>
      %dma_start3A_86 = arith.constant 0 : i32
      %dma_start3A_87 = tpu.memref_slice %arg25[%add3A_18, %dma_start3A_86] : memref<10112x16xf32, #tpu.memory_space<vmem_shared>> -> memref<128x16xf32, #tpu.memory_space<vmem_shared>>
      %dma_start3A_88 = arith.constant 0 : i32
      %dma_start3A_89 = tpu.memref_slice %arg25[%add3A_18, %dma_start3A_88] : memref<10112x16xf32, #tpu.memory_space<vmem_shared>> -> memref<128x16xf32, #tpu.memory_space<vmem_shared>>
      %dma_start3A_90 = arith.constant 0 : i32
      %dma_start3A_91 = arith.constant 0 : i32
      %dma_start3A_92 = tpu.memref_slice %arg16[%dma_start3A_90, %dma_start3A_91] : memref<128x16xf32, #tpu.memory_space<vmem>> -> memref<128x16xf32, #tpu.memory_space<vmem>>
      tpu.enqueue_dma source(%dma_start3A_92 : memref<128x16xf32, #tpu.memory_space<vmem>>) target(%dma_start3A_89 : memref<128x16xf32, #tpu.memory_space<vmem_shared>>) target_semaphore(%run_scoped3A_82 : memref<!tpu.dma_semaphore, #tpu.memory_space<semaphore_mem>>)
      %dma_wait3A = arith.constant 0 : i32
      %dma_wait3A_93 = arith.constant 0 : i32
      %dma_wait3A_94 = tpu.memref_slice %arg16[%dma_wait3A, %dma_wait3A_93] : memref<128x16xf32, #tpu.memory_space<vmem>> -> memref<128x16xf32, #tpu.memory_space<vmem>>
      %dma_wait3A_95 = arith.constant 0 : i32
      %dma_wait3A_96 = tpu.memref_slice %arg25[%add3A_18, %dma_wait3A_95] : memref<10112x16xf32, #tpu.memory_space<vmem_shared>> -> memref<128x16xf32, #tpu.memory_space<vmem_shared>>
      %dma_wait3A_97 = arith.constant 0 : i32
      %dma_wait3A_98 = tpu.memref_slice %arg25[%add3A_18, %dma_wait3A_97] : memref<10112x16xf32, #tpu.memory_space<vmem_shared>> -> memref<128x16xf32, #tpu.memory_space<vmem_shared>>
      %dma_wait3A_99 = arith.constant 0 : i32
      %dma_wait3A_100 = arith.constant 0 : i32
      %dma_wait3A_101 = tpu.memref_slice %arg16[%dma_wait3A_99, %dma_wait3A_100] : memref<128x16xf32, #tpu.memory_space<vmem>> -> memref<128x16xf32, #tpu.memory_space<vmem>>
      tpu.wait_dma2 semaphore(%run_scoped3A_82 : memref<!tpu.dma_semaphore, #tpu.memory_space<semaphore_mem>>) src(%dma_wait3A_101 : memref<128x16xf32, #tpu.memory_space<vmem>>) dst(%dma_wait3A_98 : memref<128x16xf32, #tpu.memory_space<vmem_shared>>)
      tpu.yield
    }) : () -> ()
    %add3A_19 = arith.constant 512 : i32
    %add3A_20 = arith.addi %mul3A_2, %add3A_19 : i32
    "tpu.region"() ({
      %run_scoped3A_82 = tpu.sem_alloc : memref<!tpu.dma_semaphore, #tpu.memory_space<semaphore_mem>>
      %dma_start3A_83 = arith.constant 0 : i32
      %dma_start3A_84 = arith.constant 0 : i32
      %dma_start3A_85 = tpu.memref_slice %arg11[%dma_start3A_83, %dma_start3A_84] : memref<128x128xf32, #tpu.memory_space<vmem>> -> memref<120x128xf32, #tpu.memory_space<vmem>>
      %dma_start3A_86 = arith.constant 0 : i32
      %dma_start3A_87 = tpu.memref_slice %arg24[%add3A_20, %dma_start3A_86] : memref<10112x128xf32, #tpu.memory_space<vmem_shared>> -> memref<120x128xf32, #tpu.memory_space<vmem_shared>>
      %dma_start3A_88 = arith.constant 0 : i32
      %dma_start3A_89 = tpu.memref_slice %arg24[%add3A_20, %dma_start3A_88] : memref<10112x128xf32, #tpu.memory_space<vmem_shared>> -> memref<120x128xf32, #tpu.memory_space<vmem_shared>>
      %dma_start3A_90 = arith.constant 0 : i32
      %dma_start3A_91 = arith.constant 0 : i32
      %dma_start3A_92 = tpu.memref_slice %arg11[%dma_start3A_90, %dma_start3A_91] : memref<128x128xf32, #tpu.memory_space<vmem>> -> memref<120x128xf32, #tpu.memory_space<vmem>>
      tpu.enqueue_dma source(%dma_start3A_92 : memref<120x128xf32, #tpu.memory_space<vmem>>) target(%dma_start3A_89 : memref<120x128xf32, #tpu.memory_space<vmem_shared>>) target_semaphore(%run_scoped3A_82 : memref<!tpu.dma_semaphore, #tpu.memory_space<semaphore_mem>>)
      %dma_wait3A = arith.constant 0 : i32
      %dma_wait3A_93 = arith.constant 0 : i32
      %dma_wait3A_94 = tpu.memref_slice %arg11[%dma_wait3A, %dma_wait3A_93] : memref<128x128xf32, #tpu.memory_space<vmem>> -> memref<120x128xf32, #tpu.memory_space<vmem>>
      %dma_wait3A_95 = arith.constant 0 : i32
      %dma_wait3A_96 = tpu.memref_slice %arg24[%add3A_20, %dma_wait3A_95] : memref<10112x128xf32, #tpu.memory_space<vmem_shared>> -> memref<120x128xf32, #tpu.memory_space<vmem_shared>>
      %dma_wait3A_97 = arith.constant 0 : i32
      %dma_wait3A_98 = tpu.memref_slice %arg24[%add3A_20, %dma_wait3A_97] : memref<10112x128xf32, #tpu.memory_space<vmem_shared>> -> memref<120x128xf32, #tpu.memory_space<vmem_shared>>
      %dma_wait3A_99 = arith.constant 0 : i32
      %dma_wait3A_100 = arith.constant 0 : i32
      %dma_wait3A_101 = tpu.memref_slice %arg11[%dma_wait3A_99, %dma_wait3A_100] : memref<128x128xf32, #tpu.memory_space<vmem>> -> memref<120x128xf32, #tpu.memory_space<vmem>>
      tpu.wait_dma2 semaphore(%run_scoped3A_82 : memref<!tpu.dma_semaphore, #tpu.memory_space<semaphore_mem>>) src(%dma_wait3A_101 : memref<120x128xf32, #tpu.memory_space<vmem>>) dst(%dma_wait3A_98 : memref<120x128xf32, #tpu.memory_space<vmem_shared>>)
      tpu.yield
    }) : () -> ()
    %add3A_21 = arith.constant 512 : i32
    %add3A_22 = arith.addi %mul3A_2, %add3A_21 : i32
    "tpu.region"() ({
      %run_scoped3A_82 = tpu.sem_alloc : memref<!tpu.dma_semaphore, #tpu.memory_space<semaphore_mem>>
      %dma_start3A_83 = arith.constant 0 : i32
      %dma_start3A_84 = arith.constant 0 : i32
      %dma_start3A_85 = tpu.memref_slice %arg16[%dma_start3A_83, %dma_start3A_84] : memref<128x16xf32, #tpu.memory_space<vmem>> -> memref<120x16xf32, #tpu.memory_space<vmem>>
      %dma_start3A_86 = arith.constant 0 : i32
      %dma_start3A_87 = tpu.memref_slice %arg25[%add3A_22, %dma_start3A_86] : memref<10112x16xf32, #tpu.memory_space<vmem_shared>> -> memref<120x16xf32, #tpu.memory_space<vmem_shared>>
      %dma_start3A_88 = arith.constant 0 : i32
      %dma_start3A_89 = tpu.memref_slice %arg25[%add3A_22, %dma_start3A_88] : memref<10112x16xf32, #tpu.memory_space<vmem_shared>> -> memref<120x16xf32, #tpu.memory_space<vmem_shared>>
      %dma_start3A_90 = arith.constant 0 : i32
      %dma_start3A_91 = arith.constant 0 : i32
      %dma_start3A_92 = tpu.memref_slice %arg16[%dma_start3A_90, %dma_start3A_91] : memref<128x16xf32, #tpu.memory_space<vmem>> -> memref<120x16xf32, #tpu.memory_space<vmem>>
      tpu.enqueue_dma source(%dma_start3A_92 : memref<120x16xf32, #tpu.memory_space<vmem>>) target(%dma_start3A_89 : memref<120x16xf32, #tpu.memory_space<vmem_shared>>) target_semaphore(%run_scoped3A_82 : memref<!tpu.dma_semaphore, #tpu.memory_space<semaphore_mem>>)
      %dma_wait3A = arith.constant 0 : i32
      %dma_wait3A_93 = arith.constant 0 : i32
      %dma_wait3A_94 = tpu.memref_slice %arg16[%dma_wait3A, %dma_wait3A_93] : memref<128x16xf32, #tpu.memory_space<vmem>> -> memref<120x16xf32, #tpu.memory_space<vmem>>
      %dma_wait3A_95 = arith.constant 0 : i32
      %dma_wait3A_96 = tpu.memref_slice %arg25[%add3A_22, %dma_wait3A_95] : memref<10112x16xf32, #tpu.memory_space<vmem_shared>> -> memref<120x16xf32, #tpu.memory_space<vmem_shared>>
      %dma_wait3A_97 = arith.constant 0 : i32
      %dma_wait3A_98 = tpu.memref_slice %arg25[%add3A_22, %dma_wait3A_97] : memref<10112x16xf32, #tpu.memory_space<vmem_shared>> -> memref<120x16xf32, #tpu.memory_space<vmem_shared>>
      %dma_wait3A_99 = arith.constant 0 : i32
      %dma_wait3A_100 = arith.constant 0 : i32
      %dma_wait3A_101 = tpu.memref_slice %arg16[%dma_wait3A_99, %dma_wait3A_100] : memref<128x16xf32, #tpu.memory_space<vmem>> -> memref<120x16xf32, #tpu.memory_space<vmem>>
      tpu.wait_dma2 semaphore(%run_scoped3A_82 : memref<!tpu.dma_semaphore, #tpu.memory_space<semaphore_mem>>) src(%dma_wait3A_101 : memref<120x16xf32, #tpu.memory_space<vmem>>) dst(%dma_wait3A_98 : memref<120x16xf32, #tpu.memory_space<vmem_shared>>)
      tpu.yield
    }) : () -> ()
    %barrier3A = arith.constant 0 : index
    tpu.barrier barrier_id(%barrier3A)
    %iota3A = tpu.iota {dimensions = array<i32: 0>} : vector<16xi32>
    %mul3A_23 = arith.constant 128 : i32
    %mul3A_24 = arith.muli %add3A, %mul3A_23 : i32
    "tpu.region"() ({
      %run_scoped3A_82 = tpu.sem_alloc : memref<!tpu.dma_semaphore, #tpu.memory_space<semaphore_mem>>
      %dma_start3A_83 = tpu.memref_slice %arg2[%mul3A_24] : memref<320000xi32, #tpu.memory_space<hbm>> -> memref<128xi32, #tpu.memory_space<hbm>>
      %dma_start3A_84 = tpu.memref_slice %arg2[%mul3A_24] : memref<320000xi32, #tpu.memory_space<hbm>> -> memref<128xi32, #tpu.memory_space<hbm>>
      tpu.enqueue_dma source(%dma_start3A_84 : memref<128xi32, #tpu.memory_space<hbm>>) target(%arg17 : memref<128xi32, #tpu.memory_space<vmem>>) target_semaphore(%run_scoped3A_82 : memref<!tpu.dma_semaphore, #tpu.memory_space<semaphore_mem>>)
      %dma_wait3A = tpu.memref_slice %arg2[%mul3A_24] : memref<320000xi32, #tpu.memory_space<hbm>> -> memref<128xi32, #tpu.memory_space<hbm>>
      %dma_wait3A_85 = tpu.memref_slice %arg2[%mul3A_24] : memref<320000xi32, #tpu.memory_space<hbm>> -> memref<128xi32, #tpu.memory_space<hbm>>
      tpu.wait_dma2 semaphore(%run_scoped3A_82 : memref<!tpu.dma_semaphore, #tpu.memory_space<semaphore_mem>>) src(%dma_wait3A_85 : memref<128xi32, #tpu.memory_space<hbm>>) dst(%arg17 : memref<128xi32, #tpu.memory_space<vmem>>)
      tpu.yield
    }) : () -> ()
    %run_scoped3A = arith.constant 0 : i32
    "tpu.region"() ({
      %run_scoped3A_82 = tpu.sem_alloc : memref<!tpu.dma_semaphore, #tpu.memory_space<semaphore_mem>>
      %dma_start3A_83 = arith.constant 0 : i32
      %dma_start3A_84 = tpu.memref_slice %arg19[%run_scoped3A, %dma_start3A_83] : memref<1x128xi32, #tpu.memory_space<vmem>> -> memref<1x128xi32, #tpu.memory_space<vmem>>
      %dma_start3A_85 = tpu.memref_squeeze %dma_start3A_84 : memref<1x128xi32, #tpu.memory_space<vmem>> -> memref<128xi32, #tpu.memory_space<vmem>>
      %dma_start3A_86 = tpu.memref_slice %arg3[%mul3A_24] : memref<320000xi32, #tpu.memory_space<hbm>> -> memref<128xi32, #tpu.memory_space<hbm>>
      %dma_start3A_87 = arith.constant 0 : i32
      %dma_start3A_88 = tpu.memref_slice %arg19[%run_scoped3A, %dma_start3A_87] : memref<1x128xi32, #tpu.memory_space<vmem>> -> memref<1x128xi32, #tpu.memory_space<vmem>>
      %dma_start3A_89 = tpu.memref_squeeze %dma_start3A_88 : memref<1x128xi32, #tpu.memory_space<vmem>> -> memref<128xi32, #tpu.memory_space<vmem>>
      %dma_start3A_90 = tpu.memref_slice %arg3[%mul3A_24] : memref<320000xi32, #tpu.memory_space<hbm>> -> memref<128xi32, #tpu.memory_space<hbm>>
      tpu.enqueue_dma source(%dma_start3A_90 : memref<128xi32, #tpu.memory_space<hbm>>) target(%dma_start3A_89 : memref<128xi32, #tpu.memory_space<vmem>>) target_semaphore(%run_scoped3A_82 : memref<!tpu.dma_semaphore, #tpu.memory_space<semaphore_mem>>)
      %dma_wait3A = arith.constant 0 : i32
      %dma_wait3A_91 = tpu.memref_slice %arg19[%run_scoped3A, %dma_wait3A] : memref<1x128xi32, #tpu.memory_space<vmem>> -> memref<1x128xi32, #tpu.memory_space<vmem>>
      %dma_wait3A_92 = tpu.memref_squeeze %dma_wait3A_91 : memref<1x128xi32, #tpu.memory_space<vmem>> -> memref<128xi32, #tpu.memory_space<vmem>>
      %dma_wait3A_93 = tpu.memref_slice %arg3[%mul3A_24] : memref<320000xi32, #tpu.memory_space<hbm>> -> memref<128xi32, #tpu.memory_space<hbm>>
      %dma_wait3A_94 = arith.constant 0 : i32
      %dma_wait3A_95 = tpu.memref_slice %arg19[%run_scoped3A, %dma_wait3A_94] : memref<1x128xi32, #tpu.memory_space<vmem>> -> memref<1x128xi32, #tpu.memory_space<vmem>>
      %dma_wait3A_96 = tpu.memref_squeeze %dma_wait3A_95 : memref<1x128xi32, #tpu.memory_space<vmem>> -> memref<128xi32, #tpu.memory_space<vmem>>
      %dma_wait3A_97 = tpu.memref_slice %arg3[%mul3A_24] : memref<320000xi32, #tpu.memory_space<hbm>> -> memref<128xi32, #tpu.memory_space<hbm>>
      tpu.wait_dma2 semaphore(%run_scoped3A_82 : memref<!tpu.dma_semaphore, #tpu.memory_space<semaphore_mem>>) src(%dma_wait3A_97 : memref<128xi32, #tpu.memory_space<hbm>>) dst(%dma_wait3A_96 : memref<128xi32, #tpu.memory_space<vmem>>)
      tpu.yield
    }) : () -> ()
    %dma_start3A = arith.constant 0 : i32
    %dma_start3A_25 = arith.constant 0 : i32
    %dma_start3A_26 = tpu.memref_slice %arg4[%dma_start3A, %dma_start3A_25] : memref<10000x16xf32, #tpu.memory_space<hbm>> -> memref<10000x16xf32, #tpu.memory_space<hbm>>
    tpu.enqueue_indirect_dma source(%dma_start3A_26 : memref<10000x16xf32, #tpu.memory_space<hbm>>) target(%arg12 : memref<128x16xf32, #tpu.memory_space<vmem>>) offsets(%arg17 : memref<128xi32, #tpu.memory_space<vmem>>) semaphore(%arg22 : memref<!tpu.dma_semaphore, #tpu.memory_space<semaphore_mem>>)
    %dma_start3A_27 = arith.constant 0 : i32
    %dma_start3A_28 = arith.constant 0 : i32
    %dma_start3A_29 = tpu.memref_slice %arg19[%dma_start3A_27, %dma_start3A_28] : memref<1x128xi32, #tpu.memory_space<vmem>> -> memref<1x128xi32, #tpu.memory_space<vmem>>
    %dma_start3A_30 = tpu.memref_squeeze %dma_start3A_29 : memref<1x128xi32, #tpu.memory_space<vmem>> -> memref<128xi32, #tpu.memory_space<vmem>>
    %dma_start3A_31 = arith.constant 0 : i32
    %dma_start3A_32 = arith.constant 0 : i32
    %dma_start3A_33 = tpu.memref_slice %arg5[%dma_start3A_31, %dma_start3A_32] : memref<10000x16xf32, #tpu.memory_space<hbm>> -> memref<10000x16xf32, #tpu.memory_space<hbm>>
    tpu.enqueue_indirect_dma source(%dma_start3A_33 : memref<10000x16xf32, #tpu.memory_space<hbm>>) target(%arg14 : memref<128x16xf32, #tpu.memory_space<vmem>>) offsets(%dma_start3A_30 : memref<128xi32, #tpu.memory_space<vmem>>) semaphore(%arg22 : memref<!tpu.dma_semaphore, #tpu.memory_space<semaphore_mem>>)
    %dma_start3A_34 = arith.constant 0 : i32
    %dma_start3A_35 = arith.constant 0 : i32
    %dma_start3A_36 = tpu.memref_slice %arg6[%dma_start3A_34, %dma_start3A_35] : memref<10000x128xf32, #tpu.memory_space<hbm>> -> memref<10000x128xf32, #tpu.memory_space<hbm>>
    tpu.enqueue_indirect_dma source(%dma_start3A_36 : memref<10000x128xf32, #tpu.memory_space<hbm>>) target(%arg11 : memref<128x128xf32, #tpu.memory_space<vmem>>) offsets(%arg17 : memref<128xi32, #tpu.memory_space<vmem>>) semaphore(%arg21 : memref<!tpu.dma_semaphore, #tpu.memory_space<semaphore_mem>>)
    %scan3A = arith.constant 0 : i32
    %scan3A_37 = arith.constant 40 : i32
    %scan3A_38 = arith.addi %scan3A, %scan3A_37 : i32
    %scan3A_39 = arith.constant 1 : i32
    scf.for %scan3A_82 = %scan3A to %scan3A_38 step %scan3A_39  : i32 {
      %mul3A_83 = arith.constant 1 : i32
      %mul3A_84 = arith.muli %scan3A_82, %mul3A_83 : i32
      %add3A_85 = arith.constant 0 : i32
      %add3A_86 = arith.addi %add3A_85, %mul3A_84 : i32
      %mul3A_87 = arith.constant 2 : i32
      %mul3A_88 = arith.muli %mul3A_87, %add3A_86 : i32
      %add3A_89 = arith.constant 0 : i32
      %add3A_90 = arith.addi %mul3A_88, %add3A_89 : i32
      %mul3A_91 = arith.constant 32 : i32
      %mul3A_92 = arith.muli %add3A_90, %mul3A_91 : i32
      %add3A_93 = arith.addi %add3A, %mul3A_92 : i32
      %lt3A = arith.constant 2500 : i32
      %lt3A_94 = arith.cmpi slt, %add3A_93, %lt3A : i32
      %convert_element_type3A = arith.extui %lt3A_94 : i1 to i32
      %cond3A = arith.constant 0 : i32
      %cond3A_95 = arith.cmpi ne, %convert_element_type3A, %cond3A : i32
      scf.if %cond3A_95 {
        %dma_wait3A = arith.constant 0 : i32
        %dma_wait3A_108 = arith.constant 0 : i32
        %dma_wait3A_109 = tpu.memref_slice %arg4[%dma_wait3A, %dma_wait3A_108] : memref<10000x16xf32, #tpu.memory_space<hbm>> -> memref<10000x16xf32, #tpu.memory_space<hbm>>
        tpu.wait_indirect_dma semaphore(%arg22 : memref<!tpu.dma_semaphore, #tpu.memory_space<semaphore_mem>>) src(%dma_wait3A_109 : memref<10000x16xf32, #tpu.memory_space<hbm>>) dst(%arg12 : memref<128x16xf32, #tpu.memory_space<vmem>>)
        %dma_wait3A_110 = arith.constant 0 : i32
        %dma_wait3A_111 = arith.constant 0 : i32
        %dma_wait3A_112 = tpu.memref_slice %arg19[%dma_wait3A_110, %dma_wait3A_111] : memref<1x128xi32, #tpu.memory_space<vmem>> -> memref<1x128xi32, #tpu.memory_space<vmem>>
        %dma_wait3A_113 = tpu.memref_squeeze %dma_wait3A_112 : memref<1x128xi32, #tpu.memory_space<vmem>> -> memref<128xi32, #tpu.memory_space<vmem>>
        %dma_wait3A_114 = arith.constant 0 : i32
        %dma_wait3A_115 = arith.constant 0 : i32
        %dma_wait3A_116 = tpu.memref_slice %arg5[%dma_wait3A_114, %dma_wait3A_115] : memref<10000x16xf32, #tpu.memory_space<hbm>> -> memref<10000x16xf32, #tpu.memory_space<hbm>>
        tpu.wait_indirect_dma semaphore(%arg22 : memref<!tpu.dma_semaphore, #tpu.memory_space<semaphore_mem>>) src(%dma_wait3A_116 : memref<10000x16xf32, #tpu.memory_space<hbm>>) dst(%arg14 : memref<128x16xf32, #tpu.memory_space<vmem>>)
        %parallel_loop3A = arith.constant 0 : i32
        %parallel_loop3A_117 = arith.constant 128 : i32
        %parallel_loop3A_118 = arith.constant 1 : i32
        scf.for %parallel_loop3A_139 = %parallel_loop3A to %parallel_loop3A_117 step %parallel_loop3A_118  : i32 {
          %parallel_loop3A_140 = arith.index_cast %parallel_loop3A_139 : i32 to index
          %parallel_loop3A_141 = arith.constant 0 : index
          %parallel_loop3A_142 = tpu.vector_load %arg12[%parallel_loop3A_140, %parallel_loop3A_141] {strides = array<i32>} : memref<128x16xf32, #tpu.memory_space<vmem>>, vector<16xf32>,
          %parallel_loop3A_143 = arith.index_cast %parallel_loop3A_139 : i32 to index
          %parallel_loop3A_144 = arith.constant 0 : index
          %parallel_loop3A_145 = tpu.vector_load %arg14[%parallel_loop3A_143, %parallel_loop3A_144] {strides = array<i32>} : memref<128x16xf32, #tpu.memory_space<vmem>>, vector<16xf32>,
          %parallel_loop3A_146 = arith.addf %parallel_loop3A_142, %parallel_loop3A_145 : vector<16xf32>
          %parallel_loop3A_147 = arith.constant 0.000000e+00 : f32
          %parallel_loop3A_148 = vector.broadcast %parallel_loop3A_147 : f32 to vector<16xf32>
          %parallel_loop3A_149 = arith.cmpf ogt, %parallel_loop3A_146, %parallel_loop3A_148 : vector<16xf32>
          %parallel_loop3A_150 = arith.constant 2.000000e-01 : f32
          %parallel_loop3A_151 = vector.broadcast %parallel_loop3A_150 : f32 to vector<16xf32>
          %parallel_loop3A_152 = arith.mulf %parallel_loop3A_151, %parallel_loop3A_146 : vector<16xf32>
          %parallel_loop3A_153 = arith.select %parallel_loop3A_149, %parallel_loop3A_146, %parallel_loop3A_152 : vector<16xi1>, vector<16xf32>
          %parallel_loop3A_154 = arith.constant 4 : i32
          %parallel_loop3A_155 = vector.broadcast %parallel_loop3A_154 : i32 to vector<16xi32>
          %parallel_loop3A_156 = arith.cmpi slt, %iota3A, %parallel_loop3A_155 : vector<16xi32>
          %parallel_loop3A_157 = math.exp %parallel_loop3A_153 : vector<16xf32>
          %parallel_loop3A_158 = arith.constant 0.000000e+00 : f32
          %parallel_loop3A_159 = vector.broadcast %parallel_loop3A_158 : f32 to vector<16xf32>
          %parallel_loop3A_160 = arith.select %parallel_loop3A_156, %parallel_loop3A_157, %parallel_loop3A_159 : vector<16xi1>, vector<16xf32>
          %parallel_loop3A_161 = arith.index_cast %parallel_loop3A_139 : i32 to index
          %parallel_loop3A_162 = arith.constant 0 : index
          %parallel_loop3A_163 = tpu.vector_load %arg16[%parallel_loop3A_161, %parallel_loop3A_162] {strides = array<i32>} : memref<128x16xf32, #tpu.memory_space<vmem>>, vector<16xf32>,
          tpu.vector_store %arg16[%parallel_loop3A_161, %parallel_loop3A_162], %parallel_loop3A_160 {strides = array<i32>} : memref<128x16xf32, #tpu.memory_space<vmem>>, vector<16xf32>,
        } {sc.loop_unroll_factor = 2 : i64, sc.parallel_access}
        %add3A_119 = arith.constant 32 : i32
        %add3A_120 = arith.addi %add3A_93, %add3A_119 : i32
        %lt3A_121 = arith.constant 2500 : i32
        %lt3A_122 = arith.cmpi slt, %add3A_120, %lt3A_121 : i32
        %convert_element_type3A_123 = arith.extui %lt3A_122 : i1 to i32
        %cond3A_124 = arith.constant 0 : i32
        %cond3A_125 = arith.cmpi ne, %convert_element_type3A_123, %cond3A_124 : i32
        scf.if %cond3A_125 {
          %mul3A_139 = arith.constant 128 : i32
          %mul3A_140 = arith.muli %add3A_120, %mul3A_139 : i32
          "tpu.region"() ({
            %run_scoped3A_152 = tpu.sem_alloc : memref<!tpu.dma_semaphore, #tpu.memory_space<semaphore_mem>>
            %dma_start3A_153 = tpu.memref_slice %arg2[%mul3A_140] : memref<320000xi32, #tpu.memory_space<hbm>> -> memref<128xi32, #tpu.memory_space<hbm>>
            %dma_start3A_154 = tpu.memref_slice %arg2[%mul3A_140] : memref<320000xi32, #tpu.memory_space<hbm>> -> memref<128xi32, #tpu.memory_space<hbm>>
            tpu.enqueue_dma source(%dma_start3A_154 : memref<128xi32, #tpu.memory_space<hbm>>) target(%arg18 : memref<128xi32, #tpu.memory_space<vmem>>) target_semaphore(%run_scoped3A_152 : memref<!tpu.dma_semaphore, #tpu.memory_space<semaphore_mem>>)
            %dma_wait3A_155 = tpu.memref_slice %arg2[%mul3A_140] : memref<320000xi32, #tpu.memory_space<hbm>> -> memref<128xi32, #tpu.memory_space<hbm>>
            %dma_wait3A_156 = tpu.memref_slice %arg2[%mul3A_140] : memref<320000xi32, #tpu.memory_space<hbm>> -> memref<128xi32, #tpu.memory_space<hbm>>
            tpu.wait_dma2 semaphore(%run_scoped3A_152 : memref<!tpu.dma_semaphore, #tpu.memory_space<semaphore_mem>>) src(%dma_wait3A_156 : memref<128xi32, #tpu.memory_space<hbm>>) dst(%arg18 : memref<128xi32, #tpu.memory_space<vmem>>)
            tpu.yield
          }) : () -> ()
          %run_scoped3A_141 = arith.constant 0 : i32
          "tpu.region"() ({
            %run_scoped3A_152 = tpu.sem_alloc : memref<!tpu.dma_semaphore, #tpu.memory_space<semaphore_mem>>
            %dma_start3A_153 = arith.constant 0 : i32
            %dma_start3A_154 = tpu.memref_slice %arg20[%run_scoped3A_141, %dma_start3A_153] : memref<1x128xi32, #tpu.memory_space<vmem>> -> memref<1x128xi32, #tpu.memory_space<vmem>>
            %dma_start3A_155 = tpu.memref_squeeze %dma_start3A_154 : memref<1x128xi32, #tpu.memory_space<vmem>> -> memref<128xi32, #tpu.memory_space<vmem>>
            %dma_start3A_156 = tpu.memref_slice %arg3[%mul3A_140] : memref<320000xi32, #tpu.memory_space<hbm>> -> memref<128xi32, #tpu.memory_space<hbm>>
            %dma_start3A_157 = arith.constant 0 : i32
            %dma_start3A_158 = tpu.memref_slice %arg20[%run_scoped3A_141, %dma_start3A_157] : memref<1x128xi32, #tpu.memory_space<vmem>> -> memref<1x128xi32, #tpu.memory_space<vmem>>
            %dma_start3A_159 = tpu.memref_squeeze %dma_start3A_158 : memref<1x128xi32, #tpu.memory_space<vmem>> -> memref<128xi32, #tpu.memory_space<vmem>>
            %dma_start3A_160 = tpu.memref_slice %arg3[%mul3A_140] : memref<320000xi32, #tpu.memory_space<hbm>> -> memref<128xi32, #tpu.memory_space<hbm>>
            tpu.enqueue_dma source(%dma_start3A_160 : memref<128xi32, #tpu.memory_space<hbm>>) target(%dma_start3A_159 : memref<128xi32, #tpu.memory_space<vmem>>) target_semaphore(%run_scoped3A_152 : memref<!tpu.dma_semaphore, #tpu.memory_space<semaphore_mem>>)
            %dma_wait3A_161 = arith.constant 0 : i32
            %dma_wait3A_162 = tpu.memref_slice %arg20[%run_scoped3A_141, %dma_wait3A_161] : memref<1x128xi32, #tpu.memory_space<vmem>> -> memref<1x128xi32, #tpu.memory_space<vmem>>
            %dma_wait3A_163 = tpu.memref_squeeze %dma_wait3A_162 : memref<1x128xi32, #tpu.memory_space<vmem>> -> memref<128xi32, #tpu.memory_space<vmem>>
            %dma_wait3A_164 = tpu.memref_slice %arg3[%mul3A_140] : memref<320000xi32, #tpu.memory_space<hbm>> -> memref<128xi32, #tpu.memory_space<hbm>>
            %dma_wait3A_165 = arith.constant 0 : i32
            %dma_wait3A_166 = tpu.memref_slice %arg20[%run_scoped3A_141, %dma_wait3A_165] : memref<1x128xi32, #tpu.memory_space<vmem>> -> memref<1x128xi32, #tpu.memory_space<vmem>>
            %dma_wait3A_167 = tpu.memref_squeeze %dma_wait3A_166 : memref<1x128xi32, #tpu.memory_space<vmem>> -> memref<128xi32, #tpu.memory_space<vmem>>
            %dma_wait3A_168 = tpu.memref_slice %arg3[%mul3A_140] : memref<320000xi32, #tpu.memory_space<hbm>> -> memref<128xi32, #tpu.memory_space<hbm>>
            tpu.wait_dma2 semaphore(%run_scoped3A_152 : memref<!tpu.dma_semaphore, #tpu.memory_space<semaphore_mem>>) src(%dma_wait3A_168 : memref<128xi32, #tpu.memory_space<hbm>>) dst(%dma_wait3A_167 : memref<128xi32, #tpu.memory_space<vmem>>)
            tpu.yield
          }) : () -> ()
          %dma_start3A_142 = arith.constant 0 : i32
          %dma_start3A_143 = arith.constant 0 : i32
          %dma_start3A_144 = tpu.memref_slice %arg4[%dma_start3A_142, %dma_start3A_143] : memref<10000x16xf32, #tpu.memory_space<hbm>> -> memref<10000x16xf32, #tpu.memory_space<hbm>>
          tpu.enqueue_indirect_dma source(%dma_start3A_144 : memref<10000x16xf32, #tpu.memory_space<hbm>>) target(%arg13 : memref<128x16xf32, #tpu.memory_space<vmem>>) offsets(%arg18 : memref<128xi32, #tpu.memory_space<vmem>>) semaphore(%arg23 : memref<!tpu.dma_semaphore, #tpu.memory_space<semaphore_mem>>)
          %dma_start3A_145 = arith.constant 0 : i32
          %dma_start3A_146 = arith.constant 0 : i32
          %dma_start3A_147 = tpu.memref_slice %arg20[%dma_start3A_145, %dma_start3A_146] : memref<1x128xi32, #tpu.memory_space<vmem>> -> memref<1x128xi32, #tpu.memory_space<vmem>>
          %dma_start3A_148 = tpu.memref_squeeze %dma_start3A_147 : memref<1x128xi32, #tpu.memory_space<vmem>> -> memref<128xi32, #tpu.memory_space<vmem>>
          %dma_start3A_149 = arith.constant 0 : i32
          %dma_start3A_150 = arith.constant 0 : i32
          %dma_start3A_151 = tpu.memref_slice %arg5[%dma_start3A_149, %dma_start3A_150] : memref<10000x16xf32, #tpu.memory_space<hbm>> -> memref<10000x16xf32, #tpu.memory_space<hbm>>
          tpu.enqueue_indirect_dma source(%dma_start3A_151 : memref<10000x16xf32, #tpu.memory_space<hbm>>) target(%arg15 : memref<128x16xf32, #tpu.memory_space<vmem>>) offsets(%dma_start3A_148 : memref<128xi32, #tpu.memory_space<vmem>>) semaphore(%arg23 : memref<!tpu.dma_semaphore, #tpu.memory_space<semaphore_mem>>)
        } else {
        }
        %dma_wait3A_126 = arith.constant 0 : i32
        %dma_wait3A_127 = arith.constant 0 : i32
        %dma_wait3A_128 = tpu.memref_slice %arg6[%dma_wait3A_126, %dma_wait3A_127] : memref<10000x128xf32, #tpu.memory_space<hbm>> -> memref<10000x128xf32, #tpu.memory_space<hbm>>
        tpu.wait_indirect_dma semaphore(%arg21 : memref<!tpu.dma_semaphore, #tpu.memory_space<semaphore_mem>>) src(%dma_wait3A_128 : memref<10000x128xf32, #tpu.memory_space<hbm>>) dst(%arg11 : memref<128x128xf32, #tpu.memory_space<vmem>>)
        %parallel_loop3A_129 = arith.constant 0 : i32
        %parallel_loop3A_130 = arith.constant 128 : i32
        %parallel_loop3A_131 = arith.constant 1 : i32
        scf.for %parallel_loop3A_139 = %parallel_loop3A_129 to %parallel_loop3A_130 step %parallel_loop3A_131  : i32 {
          %parallel_loop3A_140 = arith.index_cast %parallel_loop3A_139 : i32 to index
          %parallel_loop3A_141 = arith.constant 0 : index
          %parallel_loop3A_142 = tpu.vector_load %arg16[%parallel_loop3A_140, %parallel_loop3A_141] {strides = array<i32>} : memref<128x16xf32, #tpu.memory_space<vmem>>, vector<16xf32>,
          %parallel_loop3A_143 = vector.extract_strided_slice %parallel_loop3A_142 {offsets = [0], sizes = [1], strides = [1]} : vector<16xf32> to vector<1xf32>
          %parallel_loop3A_144 = vector.extract %parallel_loop3A_143[0] : f32 from vector<1xf32>
          %parallel_loop3A_145 = arith.index_cast %parallel_loop3A_139 : i32 to index
          %parallel_loop3A_146 = arith.constant 0 : index
          %parallel_loop3A_147 = tpu.vector_load %arg11[%parallel_loop3A_145, %parallel_loop3A_146] {strides = array<i32>} : memref<128x128xf32, #tpu.memory_space<vmem>>, vector<16xf32>,
          %parallel_loop3A_148 = vector.broadcast %parallel_loop3A_144 : f32 to vector<16xf32>
          %parallel_loop3A_149 = arith.mulf %parallel_loop3A_147, %parallel_loop3A_148 : vector<16xf32>
          %parallel_loop3A_150 = arith.index_cast %parallel_loop3A_139 : i32 to index
          %parallel_loop3A_151 = arith.constant 0 : index
          %parallel_loop3A_152 = tpu.vector_load %arg11[%parallel_loop3A_150, %parallel_loop3A_151] {strides = array<i32>} : memref<128x128xf32, #tpu.memory_space<vmem>>, vector<16xf32>,
          tpu.vector_store %arg11[%parallel_loop3A_150, %parallel_loop3A_151], %parallel_loop3A_149 {strides = array<i32>} : memref<128x128xf32, #tpu.memory_space<vmem>>, vector<16xf32>,
          %parallel_loop3A_153 = arith.index_cast %parallel_loop3A_139 : i32 to index
          %parallel_loop3A_154 = arith.constant 16 : index
          %parallel_loop3A_155 = tpu.vector_load %arg11[%parallel_loop3A_153, %parallel_loop3A_154] {strides = array<i32>} : memref<128x128xf32, #tpu.memory_space<vmem>>, vector<16xf32>,
          %parallel_loop3A_156 = vector.broadcast %parallel_loop3A_144 : f32 to vector<16xf32>
          %parallel_loop3A_157 = arith.mulf %parallel_loop3A_155, %parallel_loop3A_156 : vector<16xf32>
          %parallel_loop3A_158 = arith.index_cast %parallel_loop3A_139 : i32 to index
          %parallel_loop3A_159 = arith.constant 16 : index
          %parallel_loop3A_160 = tpu.vector_load %arg11[%parallel_loop3A_158, %parallel_loop3A_159] {strides = array<i32>} : memref<128x128xf32, #tpu.memory_space<vmem>>, vector<16xf32>,
          tpu.vector_store %arg11[%parallel_loop3A_158, %parallel_loop3A_159], %parallel_loop3A_157 {strides = array<i32>} : memref<128x128xf32, #tpu.memory_space<vmem>>, vector<16xf32>,
          %parallel_loop3A_161 = vector.extract_strided_slice %parallel_loop3A_142 {offsets = [1], sizes = [1], strides = [1]} : vector<16xf32> to vector<1xf32>
          %parallel_loop3A_162 = vector.extract %parallel_loop3A_161[0] : f32 from vector<1xf32>
          %parallel_loop3A_163 = arith.index_cast %parallel_loop3A_139 : i32 to index
          %parallel_loop3A_164 = arith.constant 32 : index
          %parallel_loop3A_165 = tpu.vector_load %arg11[%parallel_loop3A_163, %parallel_loop3A_164] {strides = array<i32>} : memref<128x128xf32, #tpu.memory_space<vmem>>, vector<16xf32>,
          %parallel_loop3A_166 = vector.broadcast %parallel_loop3A_162 : f32 to vector<16xf32>
          %parallel_loop3A_167 = arith.mulf %parallel_loop3A_165, %parallel_loop3A_166 : vector<16xf32>
          %parallel_loop3A_168 = arith.index_cast %parallel_loop3A_139 : i32 to index
          %parallel_loop3A_169 = arith.constant 32 : index
          %parallel_loop3A_170 = tpu.vector_load %arg11[%parallel_loop3A_168, %parallel_loop3A_169] {strides = array<i32>} : memref<128x128xf32, #tpu.memory_space<vmem>>, vector<16xf32>,
          tpu.vector_store %arg11[%parallel_loop3A_168, %parallel_loop3A_169], %parallel_loop3A_167 {strides = array<i32>} : memref<128x128xf32, #tpu.memory_space<vmem>>, vector<16xf32>,
          %parallel_loop3A_171 = arith.index_cast %parallel_loop3A_139 : i32 to index
          %parallel_loop3A_172 = arith.constant 48 : index
          %parallel_loop3A_173 = tpu.vector_load %arg11[%parallel_loop3A_171, %parallel_loop3A_172] {strides = array<i32>} : memref<128x128xf32, #tpu.memory_space<vmem>>, vector<16xf32>,
          %parallel_loop3A_174 = vector.broadcast %parallel_loop3A_162 : f32 to vector<16xf32>
          %parallel_loop3A_175 = arith.mulf %parallel_loop3A_173, %parallel_loop3A_174 : vector<16xf32>
          %parallel_loop3A_176 = arith.index_cast %parallel_loop3A_139 : i32 to index
          %parallel_loop3A_177 = arith.constant 48 : index
          %parallel_loop3A_178 = tpu.vector_load %arg11[%parallel_loop3A_176, %parallel_loop3A_177] {strides = array<i32>} : memref<128x128xf32, #tpu.memory_space<vmem>>, vector<16xf32>,
          tpu.vector_store %arg11[%parallel_loop3A_176, %parallel_loop3A_177], %parallel_loop3A_175 {strides = array<i32>} : memref<128x128xf32, #tpu.memory_space<vmem>>, vector<16xf32>,
          %parallel_loop3A_179 = vector.extract_strided_slice %parallel_loop3A_142 {offsets = [2], sizes = [1], strides = [1]} : vector<16xf32> to vector<1xf32>
          %parallel_loop3A_180 = vector.extract %parallel_loop3A_179[0] : f32 from vector<1xf32>
          %parallel_loop3A_181 = arith.index_cast %parallel_loop3A_139 : i32 to index
          %parallel_loop3A_182 = arith.constant 64 : index
          %parallel_loop3A_183 = tpu.vector_load %arg11[%parallel_loop3A_181, %parallel_loop3A_182] {strides = array<i32>} : memref<128x128xf32, #tpu.memory_space<vmem>>, vector<16xf32>,
          %parallel_loop3A_184 = vector.broadcast %parallel_loop3A_180 : f32 to vector<16xf32>
          %parallel_loop3A_185 = arith.mulf %parallel_loop3A_183, %parallel_loop3A_184 : vector<16xf32>
          %parallel_loop3A_186 = arith.index_cast %parallel_loop3A_139 : i32 to index
          %parallel_loop3A_187 = arith.constant 64 : index
          %parallel_loop3A_188 = tpu.vector_load %arg11[%parallel_loop3A_186, %parallel_loop3A_187] {strides = array<i32>} : memref<128x128xf32, #tpu.memory_space<vmem>>, vector<16xf32>,
          tpu.vector_store %arg11[%parallel_loop3A_186, %parallel_loop3A_187], %parallel_loop3A_185 {strides = array<i32>} : memref<128x128xf32, #tpu.memory_space<vmem>>, vector<16xf32>,
          %parallel_loop3A_189 = arith.index_cast %parallel_loop3A_139 : i32 to index
          %parallel_loop3A_190 = arith.constant 80 : index
          %parallel_loop3A_191 = tpu.vector_load %arg11[%parallel_loop3A_189, %parallel_loop3A_190] {strides = array<i32>} : memref<128x128xf32, #tpu.memory_space<vmem>>, vector<16xf32>,
          %parallel_loop3A_192 = vector.broadcast %parallel_loop3A_180 : f32 to vector<16xf32>
          %parallel_loop3A_193 = arith.mulf %parallel_loop3A_191, %parallel_loop3A_192 : vector<16xf32>
          %parallel_loop3A_194 = arith.index_cast %parallel_loop3A_139 : i32 to index
          %parallel_loop3A_195 = arith.constant 80 : index
          %parallel_loop3A_196 = tpu.vector_load %arg11[%parallel_loop3A_194, %parallel_loop3A_195] {strides = array<i32>} : memref<128x128xf32, #tpu.memory_space<vmem>>, vector<16xf32>,
          tpu.vector_store %arg11[%parallel_loop3A_194, %parallel_loop3A_195], %parallel_loop3A_193 {strides = array<i32>} : memref<128x128xf32, #tpu.memory_space<vmem>>, vector<16xf32>,
          %parallel_loop3A_197 = vector.extract_strided_slice %parallel_loop3A_142 {offsets = [3], sizes = [1], strides = [1]} : vector<16xf32> to vector<1xf32>
          %parallel_loop3A_198 = vector.extract %parallel_loop3A_197[0] : f32 from vector<1xf32>
          %parallel_loop3A_199 = arith.index_cast %parallel_loop3A_139 : i32 to index
          %parallel_loop3A_200 = arith.constant 96 : index
          %parallel_loop3A_201 = tpu.vector_load %arg11[%parallel_loop3A_199, %parallel_loop3A_200] {strides = array<i32>} : memref<128x128xf32, #tpu.memory_space<vmem>>, vector<16xf32>,
          %parallel_loop3A_202 = vector.broadcast %parallel_loop3A_198 : f32 to vector<16xf32>
          %parallel_loop3A_203 = arith.mulf %parallel_loop3A_201, %parallel_loop3A_202 : vector<16xf32>
          %parallel_loop3A_204 = arith.index_cast %parallel_loop3A_139 : i32 to index
          %parallel_loop3A_205 = arith.constant 96 : index
          %parallel_loop3A_206 = tpu.vector_load %arg11[%parallel_loop3A_204, %parallel_loop3A_205] {strides = array<i32>} : memref<128x128xf32, #tpu.memory_space<vmem>>, vector<16xf32>,
          tpu.vector_store %arg11[%parallel_loop3A_204, %parallel_loop3A_205], %parallel_loop3A_203 {strides = array<i32>} : memref<128x128xf32, #tpu.memory_space<vmem>>, vector<16xf32>,
          %parallel_loop3A_207 = arith.index_cast %parallel_loop3A_139 : i32 to index
          %parallel_loop3A_208 = arith.constant 112 : index
          %parallel_loop3A_209 = tpu.vector_load %arg11[%parallel_loop3A_207, %parallel_loop3A_208] {strides = array<i32>} : memref<128x128xf32, #tpu.memory_space<vmem>>, vector<16xf32>,
          %parallel_loop3A_210 = vector.broadcast %parallel_loop3A_198 : f32 to vector<16xf32>
          %parallel_loop3A_211 = arith.mulf %parallel_loop3A_209, %parallel_loop3A_210 : vector<16xf32>
          %parallel_loop3A_212 = arith.index_cast %parallel_loop3A_139 : i32 to index
          %parallel_loop3A_213 = arith.constant 112 : index
          %parallel_loop3A_214 = tpu.vector_load %arg11[%parallel_loop3A_212, %parallel_loop3A_213] {strides = array<i32>} : memref<128x128xf32, #tpu.memory_space<vmem>>, vector<16xf32>,
          tpu.vector_store %arg11[%parallel_loop3A_212, %parallel_loop3A_213], %parallel_loop3A_211 {strides = array<i32>} : memref<128x128xf32, #tpu.memory_space<vmem>>, vector<16xf32>,
        } {sc.loop_unroll_factor = 2 : i64, sc.parallel_access}
        %run_scoped3A_132 = arith.constant 0 : i32
        "tpu.region"() ({
          %run_scoped3A_139 = tpu.sem_alloc : memref<!tpu.dma_semaphore, #tpu.memory_space<semaphore_mem>>
          %dma_start3A_140 = arith.constant 0 : i32
          %dma_start3A_141 = tpu.memref_slice %arg19[%run_scoped3A_132, %dma_start3A_140] : memref<1x128xi32, #tpu.memory_space<vmem>> -> memref<1x128xi32, #tpu.memory_space<vmem>>
          %dma_start3A_142 = tpu.memref_squeeze %dma_start3A_141 : memref<1x128xi32, #tpu.memory_space<vmem>> -> memref<128xi32, #tpu.memory_space<vmem>>
          %dma_start3A_143 = arith.constant 0 : i32
          %dma_start3A_144 = arith.constant 0 : i32
          %dma_start3A_145 = tpu.memref_slice %arg24[%dma_start3A_143, %dma_start3A_144] : memref<10112x128xf32, #tpu.memory_space<vmem_shared>> -> memref<10112x128xf32, #tpu.memory_space<vmem_shared>>
          tpu.enqueue_indirect_dma source(%arg11 : memref<128x128xf32, #tpu.memory_space<vmem>>) target(%dma_start3A_145 : memref<10112x128xf32, #tpu.memory_space<vmem_shared>>) offsets(%dma_start3A_142 : memref<128xi32, #tpu.memory_space<vmem>>) semaphore(%run_scoped3A_139 : memref<!tpu.dma_semaphore, #tpu.memory_space<semaphore_mem>>) {add = true}
          %dma_wait3A_146 = arith.constant 0 : i32
          %dma_wait3A_147 = tpu.memref_slice %arg19[%run_scoped3A_132, %dma_wait3A_146] : memref<1x128xi32, #tpu.memory_space<vmem>> -> memref<1x128xi32, #tpu.memory_space<vmem>>
          %dma_wait3A_148 = tpu.memref_squeeze %dma_wait3A_147 : memref<1x128xi32, #tpu.memory_space<vmem>> -> memref<128xi32, #tpu.memory_space<vmem>>
          %dma_wait3A_149 = arith.constant 0 : i32
          %dma_wait3A_150 = arith.constant 0 : i32
          %dma_wait3A_151 = tpu.memref_slice %arg24[%dma_wait3A_149, %dma_wait3A_150] : memref<10112x128xf32, #tpu.memory_space<vmem_shared>> -> memref<10112x128xf32, #tpu.memory_space<vmem_shared>>
          tpu.wait_indirect_dma semaphore(%run_scoped3A_139 : memref<!tpu.dma_semaphore, #tpu.memory_space<semaphore_mem>>) src(%arg11 : memref<128x128xf32, #tpu.memory_space<vmem>>) dst(%dma_wait3A_151 : memref<10112x128xf32, #tpu.memory_space<vmem_shared>>)
          tpu.yield
        }) : () -> ()
        %run_scoped3A_133 = arith.constant 0 : i32
        "tpu.region"() ({
          %run_scoped3A_139 = tpu.sem_alloc : memref<!tpu.dma_semaphore, #tpu.memory_space<semaphore_mem>>
          %dma_start3A_140 = arith.constant 0 : i32
          %dma_start3A_141 = tpu.memref_slice %arg19[%run_scoped3A_133, %dma_start3A_140] : memref<1x128xi32, #tpu.memory_space<vmem>> -> memref<1x128xi32, #tpu.memory_space<vmem>>
          %dma_start3A_142 = tpu.memref_squeeze %dma_start3A_141 : memref<1x128xi32, #tpu.memory_space<vmem>> -> memref<128xi32, #tpu.memory_space<vmem>>
          %dma_start3A_143 = arith.constant 0 : i32
          %dma_start3A_144 = arith.constant 0 : i32
          %dma_start3A_145 = tpu.memref_slice %arg25[%dma_start3A_143, %dma_start3A_144] : memref<10112x16xf32, #tpu.memory_space<vmem_shared>> -> memref<10112x16xf32, #tpu.memory_space<vmem_shared>>
          tpu.enqueue_indirect_dma source(%arg16 : memref<128x16xf32, #tpu.memory_space<vmem>>) target(%dma_start3A_145 : memref<10112x16xf32, #tpu.memory_space<vmem_shared>>) offsets(%dma_start3A_142 : memref<128xi32, #tpu.memory_space<vmem>>) semaphore(%run_scoped3A_139 : memref<!tpu.dma_semaphore, #tpu.memory_space<semaphore_mem>>) {add = true}
          %dma_wait3A_146 = arith.constant 0 : i32
          %dma_wait3A_147 = tpu.memref_slice %arg19[%run_scoped3A_133, %dma_wait3A_146] : memref<1x128xi32, #tpu.memory_space<vmem>> -> memref<1x128xi32, #tpu.memory_space<vmem>>
          %dma_wait3A_148 = tpu.memref_squeeze %dma_wait3A_147 : memref<1x128xi32, #tpu.memory_space<vmem>> -> memref<128xi32, #tpu.memory_space<vmem>>
          %dma_wait3A_149 = arith.constant 0 : i32
          %dma_wait3A_150 = arith.constant 0 : i32
          %dma_wait3A_151 = tpu.memref_slice %arg25[%dma_wait3A_149, %dma_wait3A_150] : memref<10112x16xf32, #tpu.memory_space<vmem_shared>> -> memref<10112x16xf32, #tpu.memory_space<vmem_shared>>
          tpu.wait_indirect_dma semaphore(%run_scoped3A_139 : memref<!tpu.dma_semaphore, #tpu.memory_space<semaphore_mem>>) src(%arg16 : memref<128x16xf32, #tpu.memory_space<vmem>>) dst(%dma_wait3A_151 : memref<10112x16xf32, #tpu.memory_space<vmem_shared>>)
          tpu.yield
        }) : () -> ()
        %lt3A_134 = arith.constant 2500 : i32
        %lt3A_135 = arith.cmpi slt, %add3A_120, %lt3A_134 : i32
        %convert_element_type3A_136 = arith.extui %lt3A_135 : i1 to i32
        %cond3A_137 = arith.constant 0 : i32
        %cond3A_138 = arith.cmpi ne, %convert_element_type3A_136, %cond3A_137 : i32
        scf.if %cond3A_138 {
          %dma_start3A_139 = arith.constant 0 : i32
          %dma_start3A_140 = arith.constant 0 : i32
          %dma_start3A_141 = tpu.memref_slice %arg6[%dma_start3A_139, %dma_start3A_140] : memref<10000x128xf32, #tpu.memory_space<hbm>> -> memref<10000x128xf32, #tpu.memory_space<hbm>>
          tpu.enqueue_indirect_dma source(%dma_start3A_141 : memref<10000x128xf32, #tpu.memory_space<hbm>>) target(%arg11 : memref<128x128xf32, #tpu.memory_space<vmem>>) offsets(%arg18 : memref<128xi32, #tpu.memory_space<vmem>>) semaphore(%arg21 : memref<!tpu.dma_semaphore, #tpu.memory_space<semaphore_mem>>)
        } else {
        }
      } else {
      }
      %mul3A_96 = arith.constant 2 : i32
      %mul3A_97 = arith.muli %mul3A_96, %add3A_86 : i32
      %add3A_98 = arith.constant 1 : i32
      %add3A_99 = arith.addi %mul3A_97, %add3A_98 : i32
      %mul3A_100 = arith.constant 32 : i32
      %mul3A_101 = arith.muli %add3A_99, %mul3A_100 : i32
      %add3A_102 = arith.addi %add3A, %mul3A_101 : i32
      %lt3A_103 = arith.constant 2500 : i32
      %lt3A_104 = arith.cmpi slt, %add3A_102, %lt3A_103 : i32
      %convert_element_type3A_105 = arith.extui %lt3A_104 : i1 to i32
      %cond3A_106 = arith.constant 0 : i32
      %cond3A_107 = arith.cmpi ne, %convert_element_type3A_105, %cond3A_106 : i32
      scf.if %cond3A_107 {
        %dma_wait3A = arith.constant 0 : i32
        %dma_wait3A_108 = arith.constant 0 : i32
        %dma_wait3A_109 = tpu.memref_slice %arg4[%dma_wait3A, %dma_wait3A_108] : memref<10000x16xf32, #tpu.memory_space<hbm>> -> memref<10000x16xf32, #tpu.memory_space<hbm>>
        tpu.wait_indirect_dma semaphore(%arg23 : memref<!tpu.dma_semaphore, #tpu.memory_space<semaphore_mem>>) src(%dma_wait3A_109 : memref<10000x16xf32, #tpu.memory_space<hbm>>) dst(%arg13 : memref<128x16xf32, #tpu.memory_space<vmem>>)
        %dma_wait3A_110 = arith.constant 0 : i32
        %dma_wait3A_111 = arith.constant 0 : i32
        %dma_wait3A_112 = tpu.memref_slice %arg20[%dma_wait3A_110, %dma_wait3A_111] : memref<1x128xi32, #tpu.memory_space<vmem>> -> memref<1x128xi32, #tpu.memory_space<vmem>>
        %dma_wait3A_113 = tpu.memref_squeeze %dma_wait3A_112 : memref<1x128xi32, #tpu.memory_space<vmem>> -> memref<128xi32, #tpu.memory_space<vmem>>
        %dma_wait3A_114 = arith.constant 0 : i32
        %dma_wait3A_115 = arith.constant 0 : i32
        %dma_wait3A_116 = tpu.memref_slice %arg5[%dma_wait3A_114, %dma_wait3A_115] : memref<10000x16xf32, #tpu.memory_space<hbm>> -> memref<10000x16xf32, #tpu.memory_space<hbm>>
        tpu.wait_indirect_dma semaphore(%arg23 : memref<!tpu.dma_semaphore, #tpu.memory_space<semaphore_mem>>) src(%dma_wait3A_116 : memref<10000x16xf32, #tpu.memory_space<hbm>>) dst(%arg15 : memref<128x16xf32, #tpu.memory_space<vmem>>)
        %parallel_loop3A = arith.constant 0 : i32
        %parallel_loop3A_117 = arith.constant 128 : i32
        %parallel_loop3A_118 = arith.constant 1 : i32
        scf.for %parallel_loop3A_139 = %parallel_loop3A to %parallel_loop3A_117 step %parallel_loop3A_118  : i32 {
          %parallel_loop3A_140 = arith.index_cast %parallel_loop3A_139 : i32 to index
          %parallel_loop3A_141 = arith.constant 0 : index
          %parallel_loop3A_142 = tpu.vector_load %arg13[%parallel_loop3A_140, %parallel_loop3A_141] {strides = array<i32>} : memref<128x16xf32, #tpu.memory_space<vmem>>, vector<16xf32>,
          %parallel_loop3A_143 = arith.index_cast %parallel_loop3A_139 : i32 to index
          %parallel_loop3A_144 = arith.constant 0 : index
          %parallel_loop3A_145 = tpu.vector_load %arg15[%parallel_loop3A_143, %parallel_loop3A_144] {strides = array<i32>} : memref<128x16xf32, #tpu.memory_space<vmem>>, vector<16xf32>,
          %parallel_loop3A_146 = arith.addf %parallel_loop3A_142, %parallel_loop3A_145 : vector<16xf32>
          %parallel_loop3A_147 = arith.constant 0.000000e+00 : f32
          %parallel_loop3A_148 = vector.broadcast %parallel_loop3A_147 : f32 to vector<16xf32>
          %parallel_loop3A_149 = arith.cmpf ogt, %parallel_loop3A_146, %parallel_loop3A_148 : vector<16xf32>
          %parallel_loop3A_150 = arith.constant 2.000000e-01 : f32
          %parallel_loop3A_151 = vector.broadcast %parallel_loop3A_150 : f32 to vector<16xf32>
          %parallel_loop3A_152 = arith.mulf %parallel_loop3A_151, %parallel_loop3A_146 : vector<16xf32>
          %parallel_loop3A_153 = arith.select %parallel_loop3A_149, %parallel_loop3A_146, %parallel_loop3A_152 : vector<16xi1>, vector<16xf32>
          %parallel_loop3A_154 = arith.constant 4 : i32
          %parallel_loop3A_155 = vector.broadcast %parallel_loop3A_154 : i32 to vector<16xi32>
          %parallel_loop3A_156 = arith.cmpi slt, %iota3A, %parallel_loop3A_155 : vector<16xi32>
          %parallel_loop3A_157 = math.exp %parallel_loop3A_153 : vector<16xf32>
          %parallel_loop3A_158 = arith.constant 0.000000e+00 : f32
          %parallel_loop3A_159 = vector.broadcast %parallel_loop3A_158 : f32 to vector<16xf32>
          %parallel_loop3A_160 = arith.select %parallel_loop3A_156, %parallel_loop3A_157, %parallel_loop3A_159 : vector<16xi1>, vector<16xf32>
          %parallel_loop3A_161 = arith.index_cast %parallel_loop3A_139 : i32 to index
          %parallel_loop3A_162 = arith.constant 0 : index
          %parallel_loop3A_163 = tpu.vector_load %arg16[%parallel_loop3A_161, %parallel_loop3A_162] {strides = array<i32>} : memref<128x16xf32, #tpu.memory_space<vmem>>, vector<16xf32>,
          tpu.vector_store %arg16[%parallel_loop3A_161, %parallel_loop3A_162], %parallel_loop3A_160 {strides = array<i32>} : memref<128x16xf32, #tpu.memory_space<vmem>>, vector<16xf32>,
        } {sc.loop_unroll_factor = 2 : i64, sc.parallel_access}
        %add3A_119 = arith.constant 32 : i32
        %add3A_120 = arith.addi %add3A_102, %add3A_119 : i32
        %lt3A_121 = arith.constant 2500 : i32
        %lt3A_122 = arith.cmpi slt, %add3A_120, %lt3A_121 : i32
        %convert_element_type3A_123 = arith.extui %lt3A_122 : i1 to i32
        %cond3A_124 = arith.constant 0 : i32
        %cond3A_125 = arith.cmpi ne, %convert_element_type3A_123, %cond3A_124 : i32
        scf.if %cond3A_125 {
          %mul3A_139 = arith.constant 128 : i32
          %mul3A_140 = arith.muli %add3A_120, %mul3A_139 : i32
          "tpu.region"() ({
            %run_scoped3A_152 = tpu.sem_alloc : memref<!tpu.dma_semaphore, #tpu.memory_space<semaphore_mem>>
            %dma_start3A_153 = tpu.memref_slice %arg2[%mul3A_140] : memref<320000xi32, #tpu.memory_space<hbm>> -> memref<128xi32, #tpu.memory_space<hbm>>
            %dma_start3A_154 = tpu.memref_slice %arg2[%mul3A_140] : memref<320000xi32, #tpu.memory_space<hbm>> -> memref<128xi32, #tpu.memory_space<hbm>>
            tpu.enqueue_dma source(%dma_start3A_154 : memref<128xi32, #tpu.memory_space<hbm>>) target(%arg17 : memref<128xi32, #tpu.memory_space<vmem>>) target_semaphore(%run_scoped3A_152 : memref<!tpu.dma_semaphore, #tpu.memory_space<semaphore_mem>>)
            %dma_wait3A_155 = tpu.memref_slice %arg2[%mul3A_140] : memref<320000xi32, #tpu.memory_space<hbm>> -> memref<128xi32, #tpu.memory_space<hbm>>
            %dma_wait3A_156 = tpu.memref_slice %arg2[%mul3A_140] : memref<320000xi32, #tpu.memory_space<hbm>> -> memref<128xi32, #tpu.memory_space<hbm>>
            tpu.wait_dma2 semaphore(%run_scoped3A_152 : memref<!tpu.dma_semaphore, #tpu.memory_space<semaphore_mem>>) src(%dma_wait3A_156 : memref<128xi32, #tpu.memory_space<hbm>>) dst(%arg17 : memref<128xi32, #tpu.memory_space<vmem>>)
            tpu.yield
          }) : () -> ()
          %run_scoped3A_141 = arith.constant 0 : i32
          "tpu.region"() ({
            %run_scoped3A_152 = tpu.sem_alloc : memref<!tpu.dma_semaphore, #tpu.memory_space<semaphore_mem>>
            %dma_start3A_153 = arith.constant 0 : i32
            %dma_start3A_154 = tpu.memref_slice %arg19[%run_scoped3A_141, %dma_start3A_153] : memref<1x128xi32, #tpu.memory_space<vmem>> -> memref<1x128xi32, #tpu.memory_space<vmem>>
            %dma_start3A_155 = tpu.memref_squeeze %dma_start3A_154 : memref<1x128xi32, #tpu.memory_space<vmem>> -> memref<128xi32, #tpu.memory_space<vmem>>
            %dma_start3A_156 = tpu.memref_slice %arg3[%mul3A_140] : memref<320000xi32, #tpu.memory_space<hbm>> -> memref<128xi32, #tpu.memory_space<hbm>>
            %dma_start3A_157 = arith.constant 0 : i32
            %dma_start3A_158 = tpu.memref_slice %arg19[%run_scoped3A_141, %dma_start3A_157] : memref<1x128xi32, #tpu.memory_space<vmem>> -> memref<1x128xi32, #tpu.memory_space<vmem>>
            %dma_start3A_159 = tpu.memref_squeeze %dma_start3A_158 : memref<1x128xi32, #tpu.memory_space<vmem>> -> memref<128xi32, #tpu.memory_space<vmem>>
            %dma_start3A_160 = tpu.memref_slice %arg3[%mul3A_140] : memref<320000xi32, #tpu.memory_space<hbm>> -> memref<128xi32, #tpu.memory_space<hbm>>
            tpu.enqueue_dma source(%dma_start3A_160 : memref<128xi32, #tpu.memory_space<hbm>>) target(%dma_start3A_159 : memref<128xi32, #tpu.memory_space<vmem>>) target_semaphore(%run_scoped3A_152 : memref<!tpu.dma_semaphore, #tpu.memory_space<semaphore_mem>>)
            %dma_wait3A_161 = arith.constant 0 : i32
            %dma_wait3A_162 = tpu.memref_slice %arg19[%run_scoped3A_141, %dma_wait3A_161] : memref<1x128xi32, #tpu.memory_space<vmem>> -> memref<1x128xi32, #tpu.memory_space<vmem>>
            %dma_wait3A_163 = tpu.memref_squeeze %dma_wait3A_162 : memref<1x128xi32, #tpu.memory_space<vmem>> -> memref<128xi32, #tpu.memory_space<vmem>>
            %dma_wait3A_164 = tpu.memref_slice %arg3[%mul3A_140] : memref<320000xi32, #tpu.memory_space<hbm>> -> memref<128xi32, #tpu.memory_space<hbm>>
            %dma_wait3A_165 = arith.constant 0 : i32
            %dma_wait3A_166 = tpu.memref_slice %arg19[%run_scoped3A_141, %dma_wait3A_165] : memref<1x128xi32, #tpu.memory_space<vmem>> -> memref<1x128xi32, #tpu.memory_space<vmem>>
            %dma_wait3A_167 = tpu.memref_squeeze %dma_wait3A_166 : memref<1x128xi32, #tpu.memory_space<vmem>> -> memref<128xi32, #tpu.memory_space<vmem>>
            %dma_wait3A_168 = tpu.memref_slice %arg3[%mul3A_140] : memref<320000xi32, #tpu.memory_space<hbm>> -> memref<128xi32, #tpu.memory_space<hbm>>
            tpu.wait_dma2 semaphore(%run_scoped3A_152 : memref<!tpu.dma_semaphore, #tpu.memory_space<semaphore_mem>>) src(%dma_wait3A_168 : memref<128xi32, #tpu.memory_space<hbm>>) dst(%dma_wait3A_167 : memref<128xi32, #tpu.memory_space<vmem>>)
            tpu.yield
          }) : () -> ()
          %dma_start3A_142 = arith.constant 0 : i32
          %dma_start3A_143 = arith.constant 0 : i32
          %dma_start3A_144 = tpu.memref_slice %arg4[%dma_start3A_142, %dma_start3A_143] : memref<10000x16xf32, #tpu.memory_space<hbm>> -> memref<10000x16xf32, #tpu.memory_space<hbm>>
          tpu.enqueue_indirect_dma source(%dma_start3A_144 : memref<10000x16xf32, #tpu.memory_space<hbm>>) target(%arg12 : memref<128x16xf32, #tpu.memory_space<vmem>>) offsets(%arg17 : memref<128xi32, #tpu.memory_space<vmem>>) semaphore(%arg22 : memref<!tpu.dma_semaphore, #tpu.memory_space<semaphore_mem>>)
          %dma_start3A_145 = arith.constant 0 : i32
          %dma_start3A_146 = arith.constant 0 : i32
          %dma_start3A_147 = tpu.memref_slice %arg19[%dma_start3A_145, %dma_start3A_146] : memref<1x128xi32, #tpu.memory_space<vmem>> -> memref<1x128xi32, #tpu.memory_space<vmem>>
          %dma_start3A_148 = tpu.memref_squeeze %dma_start3A_147 : memref<1x128xi32, #tpu.memory_space<vmem>> -> memref<128xi32, #tpu.memory_space<vmem>>
          %dma_start3A_149 = arith.constant 0 : i32
          %dma_start3A_150 = arith.constant 0 : i32
          %dma_start3A_151 = tpu.memref_slice %arg5[%dma_start3A_149, %dma_start3A_150] : memref<10000x16xf32, #tpu.memory_space<hbm>> -> memref<10000x16xf32, #tpu.memory_space<hbm>>
          tpu.enqueue_indirect_dma source(%dma_start3A_151 : memref<10000x16xf32, #tpu.memory_space<hbm>>) target(%arg14 : memref<128x16xf32, #tpu.memory_space<vmem>>) offsets(%dma_start3A_148 : memref<128xi32, #tpu.memory_space<vmem>>) semaphore(%arg22 : memref<!tpu.dma_semaphore, #tpu.memory_space<semaphore_mem>>)
        } else {
        }
        %dma_wait3A_126 = arith.constant 0 : i32
        %dma_wait3A_127 = arith.constant 0 : i32
        %dma_wait3A_128 = tpu.memref_slice %arg6[%dma_wait3A_126, %dma_wait3A_127] : memref<10000x128xf32, #tpu.memory_space<hbm>> -> memref<10000x128xf32, #tpu.memory_space<hbm>>
        tpu.wait_indirect_dma semaphore(%arg21 : memref<!tpu.dma_semaphore, #tpu.memory_space<semaphore_mem>>) src(%dma_wait3A_128 : memref<10000x128xf32, #tpu.memory_space<hbm>>) dst(%arg11 : memref<128x128xf32, #tpu.memory_space<vmem>>)
        %parallel_loop3A_129 = arith.constant 0 : i32
        %parallel_loop3A_130 = arith.constant 128 : i32
        %parallel_loop3A_131 = arith.constant 1 : i32
        scf.for %parallel_loop3A_139 = %parallel_loop3A_129 to %parallel_loop3A_130 step %parallel_loop3A_131  : i32 {
          %parallel_loop3A_140 = arith.index_cast %parallel_loop3A_139 : i32 to index
          %parallel_loop3A_141 = arith.constant 0 : index
          %parallel_loop3A_142 = tpu.vector_load %arg16[%parallel_loop3A_140, %parallel_loop3A_141] {strides = array<i32>} : memref<128x16xf32, #tpu.memory_space<vmem>>, vector<16xf32>,
          %parallel_loop3A_143 = vector.extract_strided_slice %parallel_loop3A_142 {offsets = [0], sizes = [1], strides = [1]} : vector<16xf32> to vector<1xf32>
          %parallel_loop3A_144 = vector.extract %parallel_loop3A_143[0] : f32 from vector<1xf32>
          %parallel_loop3A_145 = arith.index_cast %parallel_loop3A_139 : i32 to index
          %parallel_loop3A_146 = arith.constant 0 : index
          %parallel_loop3A_147 = tpu.vector_load %arg11[%parallel_loop3A_145, %parallel_loop3A_146] {strides = array<i32>} : memref<128x128xf32, #tpu.memory_space<vmem>>, vector<16xf32>,
          %parallel_loop3A_148 = vector.broadcast %parallel_loop3A_144 : f32 to vector<16xf32>
          %parallel_loop3A_149 = arith.mulf %parallel_loop3A_147, %parallel_loop3A_148 : vector<16xf32>
          %parallel_loop3A_150 = arith.index_cast %parallel_loop3A_139 : i32 to index
          %parallel_loop3A_151 = arith.constant 0 : index
          %parallel_loop3A_152 = tpu.vector_load %arg11[%parallel_loop3A_150, %parallel_loop3A_151] {strides = array<i32>} : memref<128x128xf32, #tpu.memory_space<vmem>>, vector<16xf32>,
          tpu.vector_store %arg11[%parallel_loop3A_150, %parallel_loop3A_151], %parallel_loop3A_149 {strides = array<i32>} : memref<128x128xf32, #tpu.memory_space<vmem>>, vector<16xf32>,
          %parallel_loop3A_153 = arith.index_cast %parallel_loop3A_139 : i32 to index
          %parallel_loop3A_154 = arith.constant 16 : index
          %parallel_loop3A_155 = tpu.vector_load %arg11[%parallel_loop3A_153, %parallel_loop3A_154] {strides = array<i32>} : memref<128x128xf32, #tpu.memory_space<vmem>>, vector<16xf32>,
          %parallel_loop3A_156 = vector.broadcast %parallel_loop3A_144 : f32 to vector<16xf32>
          %parallel_loop3A_157 = arith.mulf %parallel_loop3A_155, %parallel_loop3A_156 : vector<16xf32>
          %parallel_loop3A_158 = arith.index_cast %parallel_loop3A_139 : i32 to index
          %parallel_loop3A_159 = arith.constant 16 : index
          %parallel_loop3A_160 = tpu.vector_load %arg11[%parallel_loop3A_158, %parallel_loop3A_159] {strides = array<i32>} : memref<128x128xf32, #tpu.memory_space<vmem>>, vector<16xf32>,
          tpu.vector_store %arg11[%parallel_loop3A_158, %parallel_loop3A_159], %parallel_loop3A_157 {strides = array<i32>} : memref<128x128xf32, #tpu.memory_space<vmem>>, vector<16xf32>,
          %parallel_loop3A_161 = vector.extract_strided_slice %parallel_loop3A_142 {offsets = [1], sizes = [1], strides = [1]} : vector<16xf32> to vector<1xf32>
          %parallel_loop3A_162 = vector.extract %parallel_loop3A_161[0] : f32 from vector<1xf32>
          %parallel_loop3A_163 = arith.index_cast %parallel_loop3A_139 : i32 to index
          %parallel_loop3A_164 = arith.constant 32 : index
          %parallel_loop3A_165 = tpu.vector_load %arg11[%parallel_loop3A_163, %parallel_loop3A_164] {strides = array<i32>} : memref<128x128xf32, #tpu.memory_space<vmem>>, vector<16xf32>,
          %parallel_loop3A_166 = vector.broadcast %parallel_loop3A_162 : f32 to vector<16xf32>
          %parallel_loop3A_167 = arith.mulf %parallel_loop3A_165, %parallel_loop3A_166 : vector<16xf32>
          %parallel_loop3A_168 = arith.index_cast %parallel_loop3A_139 : i32 to index
          %parallel_loop3A_169 = arith.constant 32 : index
          %parallel_loop3A_170 = tpu.vector_load %arg11[%parallel_loop3A_168, %parallel_loop3A_169] {strides = array<i32>} : memref<128x128xf32, #tpu.memory_space<vmem>>, vector<16xf32>,
          tpu.vector_store %arg11[%parallel_loop3A_168, %parallel_loop3A_169], %parallel_loop3A_167 {strides = array<i32>} : memref<128x128xf32, #tpu.memory_space<vmem>>, vector<16xf32>,
          %parallel_loop3A_171 = arith.index_cast %parallel_loop3A_139 : i32 to index
          %parallel_loop3A_172 = arith.constant 48 : index
          %parallel_loop3A_173 = tpu.vector_load %arg11[%parallel_loop3A_171, %parallel_loop3A_172] {strides = array<i32>} : memref<128x128xf32, #tpu.memory_space<vmem>>, vector<16xf32>,
          %parallel_loop3A_174 = vector.broadcast %parallel_loop3A_162 : f32 to vector<16xf32>
          %parallel_loop3A_175 = arith.mulf %parallel_loop3A_173, %parallel_loop3A_174 : vector<16xf32>
          %parallel_loop3A_176 = arith.index_cast %parallel_loop3A_139 : i32 to index
          %parallel_loop3A_177 = arith.constant 48 : index
          %parallel_loop3A_178 = tpu.vector_load %arg11[%parallel_loop3A_176, %parallel_loop3A_177] {strides = array<i32>} : memref<128x128xf32, #tpu.memory_space<vmem>>, vector<16xf32>,
          tpu.vector_store %arg11[%parallel_loop3A_176, %parallel_loop3A_177], %parallel_loop3A_175 {strides = array<i32>} : memref<128x128xf32, #tpu.memory_space<vmem>>, vector<16xf32>,
          %parallel_loop3A_179 = vector.extract_strided_slice %parallel_loop3A_142 {offsets = [2], sizes = [1], strides = [1]} : vector<16xf32> to vector<1xf32>
          %parallel_loop3A_180 = vector.extract %parallel_loop3A_179[0] : f32 from vector<1xf32>
          %parallel_loop3A_181 = arith.index_cast %parallel_loop3A_139 : i32 to index
          %parallel_loop3A_182 = arith.constant 64 : index
          %parallel_loop3A_183 = tpu.vector_load %arg11[%parallel_loop3A_181, %parallel_loop3A_182] {strides = array<i32>} : memref<128x128xf32, #tpu.memory_space<vmem>>, vector<16xf32>,
          %parallel_loop3A_184 = vector.broadcast %parallel_loop3A_180 : f32 to vector<16xf32>
          %parallel_loop3A_185 = arith.mulf %parallel_loop3A_183, %parallel_loop3A_184 : vector<16xf32>
          %parallel_loop3A_186 = arith.index_cast %parallel_loop3A_139 : i32 to index
          %parallel_loop3A_187 = arith.constant 64 : index
          %parallel_loop3A_188 = tpu.vector_load %arg11[%parallel_loop3A_186, %parallel_loop3A_187] {strides = array<i32>} : memref<128x128xf32, #tpu.memory_space<vmem>>, vector<16xf32>,
          tpu.vector_store %arg11[%parallel_loop3A_186, %parallel_loop3A_187], %parallel_loop3A_185 {strides = array<i32>} : memref<128x128xf32, #tpu.memory_space<vmem>>, vector<16xf32>,
          %parallel_loop3A_189 = arith.index_cast %parallel_loop3A_139 : i32 to index
          %parallel_loop3A_190 = arith.constant 80 : index
          %parallel_loop3A_191 = tpu.vector_load %arg11[%parallel_loop3A_189, %parallel_loop3A_190] {strides = array<i32>} : memref<128x128xf32, #tpu.memory_space<vmem>>, vector<16xf32>,
          %parallel_loop3A_192 = vector.broadcast %parallel_loop3A_180 : f32 to vector<16xf32>
          %parallel_loop3A_193 = arith.mulf %parallel_loop3A_191, %parallel_loop3A_192 : vector<16xf32>
          %parallel_loop3A_194 = arith.index_cast %parallel_loop3A_139 : i32 to index
          %parallel_loop3A_195 = arith.constant 80 : index
          %parallel_loop3A_196 = tpu.vector_load %arg11[%parallel_loop3A_194, %parallel_loop3A_195] {strides = array<i32>} : memref<128x128xf32, #tpu.memory_space<vmem>>, vector<16xf32>,
          tpu.vector_store %arg11[%parallel_loop3A_194, %parallel_loop3A_195], %parallel_loop3A_193 {strides = array<i32>} : memref<128x128xf32, #tpu.memory_space<vmem>>, vector<16xf32>,
          %parallel_loop3A_197 = vector.extract_strided_slice %parallel_loop3A_142 {offsets = [3], sizes = [1], strides = [1]} : vector<16xf32> to vector<1xf32>
          %parallel_loop3A_198 = vector.extract %parallel_loop3A_197[0] : f32 from vector<1xf32>
          %parallel_loop3A_199 = arith.index_cast %parallel_loop3A_139 : i32 to index
          %parallel_loop3A_200 = arith.constant 96 : index
          %parallel_loop3A_201 = tpu.vector_load %arg11[%parallel_loop3A_199, %parallel_loop3A_200] {strides = array<i32>} : memref<128x128xf32, #tpu.memory_space<vmem>>, vector<16xf32>,
          %parallel_loop3A_202 = vector.broadcast %parallel_loop3A_198 : f32 to vector<16xf32>
          %parallel_loop3A_203 = arith.mulf %parallel_loop3A_201, %parallel_loop3A_202 : vector<16xf32>
          %parallel_loop3A_204 = arith.index_cast %parallel_loop3A_139 : i32 to index
          %parallel_loop3A_205 = arith.constant 96 : index
          %parallel_loop3A_206 = tpu.vector_load %arg11[%parallel_loop3A_204, %parallel_loop3A_205] {strides = array<i32>} : memref<128x128xf32, #tpu.memory_space<vmem>>, vector<16xf32>,
          tpu.vector_store %arg11[%parallel_loop3A_204, %parallel_loop3A_205], %parallel_loop3A_203 {strides = array<i32>} : memref<128x128xf32, #tpu.memory_space<vmem>>, vector<16xf32>,
          %parallel_loop3A_207 = arith.index_cast %parallel_loop3A_139 : i32 to index
          %parallel_loop3A_208 = arith.constant 112 : index
          %parallel_loop3A_209 = tpu.vector_load %arg11[%parallel_loop3A_207, %parallel_loop3A_208] {strides = array<i32>} : memref<128x128xf32, #tpu.memory_space<vmem>>, vector<16xf32>,
          %parallel_loop3A_210 = vector.broadcast %parallel_loop3A_198 : f32 to vector<16xf32>
          %parallel_loop3A_211 = arith.mulf %parallel_loop3A_209, %parallel_loop3A_210 : vector<16xf32>
          %parallel_loop3A_212 = arith.index_cast %parallel_loop3A_139 : i32 to index
          %parallel_loop3A_213 = arith.constant 112 : index
          %parallel_loop3A_214 = tpu.vector_load %arg11[%parallel_loop3A_212, %parallel_loop3A_213] {strides = array<i32>} : memref<128x128xf32, #tpu.memory_space<vmem>>, vector<16xf32>,
          tpu.vector_store %arg11[%parallel_loop3A_212, %parallel_loop3A_213], %parallel_loop3A_211 {strides = array<i32>} : memref<128x128xf32, #tpu.memory_space<vmem>>, vector<16xf32>,
        } {sc.loop_unroll_factor = 2 : i64, sc.parallel_access}
        %run_scoped3A_132 = arith.constant 0 : i32
        "tpu.region"() ({
          %run_scoped3A_139 = tpu.sem_alloc : memref<!tpu.dma_semaphore, #tpu.memory_space<semaphore_mem>>
          %dma_start3A_140 = arith.constant 0 : i32
          %dma_start3A_141 = tpu.memref_slice %arg20[%run_scoped3A_132, %dma_start3A_140] : memref<1x128xi32, #tpu.memory_space<vmem>> -> memref<1x128xi32, #tpu.memory_space<vmem>>
          %dma_start3A_142 = tpu.memref_squeeze %dma_start3A_141 : memref<1x128xi32, #tpu.memory_space<vmem>> -> memref<128xi32, #tpu.memory_space<vmem>>
          %dma_start3A_143 = arith.constant 0 : i32
          %dma_start3A_144 = arith.constant 0 : i32
          %dma_start3A_145 = tpu.memref_slice %arg24[%dma_start3A_143, %dma_start3A_144] : memref<10112x128xf32, #tpu.memory_space<vmem_shared>> -> memref<10112x128xf32, #tpu.memory_space<vmem_shared>>
          tpu.enqueue_indirect_dma source(%arg11 : memref<128x128xf32, #tpu.memory_space<vmem>>) target(%dma_start3A_145 : memref<10112x128xf32, #tpu.memory_space<vmem_shared>>) offsets(%dma_start3A_142 : memref<128xi32, #tpu.memory_space<vmem>>) semaphore(%run_scoped3A_139 : memref<!tpu.dma_semaphore, #tpu.memory_space<semaphore_mem>>) {add = true}
          %dma_wait3A_146 = arith.constant 0 : i32
          %dma_wait3A_147 = tpu.memref_slice %arg20[%run_scoped3A_132, %dma_wait3A_146] : memref<1x128xi32, #tpu.memory_space<vmem>> -> memref<1x128xi32, #tpu.memory_space<vmem>>
          %dma_wait3A_148 = tpu.memref_squeeze %dma_wait3A_147 : memref<1x128xi32, #tpu.memory_space<vmem>> -> memref<128xi32, #tpu.memory_space<vmem>>
          %dma_wait3A_149 = arith.constant 0 : i32
          %dma_wait3A_150 = arith.constant 0 : i32
          %dma_wait3A_151 = tpu.memref_slice %arg24[%dma_wait3A_149, %dma_wait3A_150] : memref<10112x128xf32, #tpu.memory_space<vmem_shared>> -> memref<10112x128xf32, #tpu.memory_space<vmem_shared>>
          tpu.wait_indirect_dma semaphore(%run_scoped3A_139 : memref<!tpu.dma_semaphore, #tpu.memory_space<semaphore_mem>>) src(%arg11 : memref<128x128xf32, #tpu.memory_space<vmem>>) dst(%dma_wait3A_151 : memref<10112x128xf32, #tpu.memory_space<vmem_shared>>)
          tpu.yield
        }) : () -> ()
        %run_scoped3A_133 = arith.constant 0 : i32
        "tpu.region"() ({
          %run_scoped3A_139 = tpu.sem_alloc : memref<!tpu.dma_semaphore, #tpu.memory_space<semaphore_mem>>
          %dma_start3A_140 = arith.constant 0 : i32
          %dma_start3A_141 = tpu.memref_slice %arg20[%run_scoped3A_133, %dma_start3A_140] : memref<1x128xi32, #tpu.memory_space<vmem>> -> memref<1x128xi32, #tpu.memory_space<vmem>>
          %dma_start3A_142 = tpu.memref_squeeze %dma_start3A_141 : memref<1x128xi32, #tpu.memory_space<vmem>> -> memref<128xi32, #tpu.memory_space<vmem>>
          %dma_start3A_143 = arith.constant 0 : i32
          %dma_start3A_144 = arith.constant 0 : i32
          %dma_start3A_145 = tpu.memref_slice %arg25[%dma_start3A_143, %dma_start3A_144] : memref<10112x16xf32, #tpu.memory_space<vmem_shared>> -> memref<10112x16xf32, #tpu.memory_space<vmem_shared>>
          tpu.enqueue_indirect_dma source(%arg16 : memref<128x16xf32, #tpu.memory_space<vmem>>) target(%dma_start3A_145 : memref<10112x16xf32, #tpu.memory_space<vmem_shared>>) offsets(%dma_start3A_142 : memref<128xi32, #tpu.memory_space<vmem>>) semaphore(%run_scoped3A_139 : memref<!tpu.dma_semaphore, #tpu.memory_space<semaphore_mem>>) {add = true}
          %dma_wait3A_146 = arith.constant 0 : i32
          %dma_wait3A_147 = tpu.memref_slice %arg20[%run_scoped3A_133, %dma_wait3A_146] : memref<1x128xi32, #tpu.memory_space<vmem>> -> memref<1x128xi32, #tpu.memory_space<vmem>>
          %dma_wait3A_148 = tpu.memref_squeeze %dma_wait3A_147 : memref<1x128xi32, #tpu.memory_space<vmem>> -> memref<128xi32, #tpu.memory_space<vmem>>
          %dma_wait3A_149 = arith.constant 0 : i32
          %dma_wait3A_150 = arith.constant 0 : i32
          %dma_wait3A_151 = tpu.memref_slice %arg25[%dma_wait3A_149, %dma_wait3A_150] : memref<10112x16xf32, #tpu.memory_space<vmem_shared>> -> memref<10112x16xf32, #tpu.memory_space<vmem_shared>>
          tpu.wait_indirect_dma semaphore(%run_scoped3A_139 : memref<!tpu.dma_semaphore, #tpu.memory_space<semaphore_mem>>) src(%arg16 : memref<128x16xf32, #tpu.memory_space<vmem>>) dst(%dma_wait3A_151 : memref<10112x16xf32, #tpu.memory_space<vmem_shared>>)
          tpu.yield
        }) : () -> ()
        %lt3A_134 = arith.constant 2500 : i32
        %lt3A_135 = arith.cmpi slt, %add3A_120, %lt3A_134 : i32
        %convert_element_type3A_136 = arith.extui %lt3A_135 : i1 to i32
        %cond3A_137 = arith.constant 0 : i32
        %cond3A_138 = arith.cmpi ne, %convert_element_type3A_136, %cond3A_137 : i32
        scf.if %cond3A_138 {
          %dma_start3A_139 = arith.constant 0 : i32
          %dma_start3A_140 = arith.constant 0 : i32
          %dma_start3A_141 = tpu.memref_slice %arg6[%dma_start3A_139, %dma_start3A_140] : memref<10000x128xf32, #tpu.memory_space<hbm>> -> memref<10000x128xf32, #tpu.memory_space<hbm>>
          tpu.enqueue_indirect_dma source(%dma_start3A_141 : memref<10000x128xf32, #tpu.memory_space<hbm>>) target(%arg11 : memref<128x128xf32, #tpu.memory_space<vmem>>) offsets(%arg17 : memref<128xi32, #tpu.memory_space<vmem>>) semaphore(%arg21 : memref<!tpu.dma_semaphore, #tpu.memory_space<semaphore_mem>>)
        } else {
        }
      } else {
      }
    }
    %scan3A_40 = arith.constant 40 : i32
    %barrier3A_41 = arith.constant 0 : index
    tpu.barrier barrier_id(%barrier3A_41)
    %add3A_42 = arith.constant 0 : i32
    %add3A_43 = arith.addi %mul3A_2, %add3A_42 : i32
    "tpu.region"() ({
      %run_scoped3A_82 = tpu.sem_alloc : memref<!tpu.dma_semaphore, #tpu.memory_space<semaphore_mem>>
      %dma_start3A_83 = arith.constant 0 : i32
      %dma_start3A_84 = arith.constant 0 : i32
      %dma_start3A_85 = tpu.memref_slice %arg11[%dma_start3A_83, %dma_start3A_84] : memref<128x128xf32, #tpu.memory_space<vmem>> -> memref<128x128xf32, #tpu.memory_space<vmem>>
      %dma_start3A_86 = arith.constant 0 : i32
      %dma_start3A_87 = tpu.memref_slice %arg24[%add3A_43, %dma_start3A_86] : memref<10112x128xf32, #tpu.memory_space<vmem_shared>> -> memref<128x128xf32, #tpu.memory_space<vmem_shared>>
      %dma_start3A_88 = arith.constant 0 : i32
      %dma_start3A_89 = arith.constant 0 : i32
      %dma_start3A_90 = tpu.memref_slice %arg11[%dma_start3A_88, %dma_start3A_89] : memref<128x128xf32, #tpu.memory_space<vmem>> -> memref<128x128xf32, #tpu.memory_space<vmem>>
      %dma_start3A_91 = arith.constant 0 : i32
      %dma_start3A_92 = tpu.memref_slice %arg24[%add3A_43, %dma_start3A_91] : memref<10112x128xf32, #tpu.memory_space<vmem_shared>> -> memref<128x128xf32, #tpu.memory_space<vmem_shared>>
      tpu.enqueue_dma source(%dma_start3A_92 : memref<128x128xf32, #tpu.memory_space<vmem_shared>>) target(%dma_start3A_90 : memref<128x128xf32, #tpu.memory_space<vmem>>) target_semaphore(%run_scoped3A_82 : memref<!tpu.dma_semaphore, #tpu.memory_space<semaphore_mem>>)
      %dma_wait3A = arith.constant 0 : i32
      %dma_wait3A_93 = arith.constant 0 : i32
      %dma_wait3A_94 = tpu.memref_slice %arg11[%dma_wait3A, %dma_wait3A_93] : memref<128x128xf32, #tpu.memory_space<vmem>> -> memref<128x128xf32, #tpu.memory_space<vmem>>
      %dma_wait3A_95 = arith.constant 0 : i32
      %dma_wait3A_96 = tpu.memref_slice %arg24[%add3A_43, %dma_wait3A_95] : memref<10112x128xf32, #tpu.memory_space<vmem_shared>> -> memref<128x128xf32, #tpu.memory_space<vmem_shared>>
      %dma_wait3A_97 = arith.constant 0 : i32
      %dma_wait3A_98 = arith.constant 0 : i32
      %dma_wait3A_99 = tpu.memref_slice %arg11[%dma_wait3A_97, %dma_wait3A_98] : memref<128x128xf32, #tpu.memory_space<vmem>> -> memref<128x128xf32, #tpu.memory_space<vmem>>
      %dma_wait3A_100 = arith.constant 0 : i32
      %dma_wait3A_101 = tpu.memref_slice %arg24[%add3A_43, %dma_wait3A_100] : memref<10112x128xf32, #tpu.memory_space<vmem_shared>> -> memref<128x128xf32, #tpu.memory_space<vmem_shared>>
      tpu.wait_dma2 semaphore(%run_scoped3A_82 : memref<!tpu.dma_semaphore, #tpu.memory_space<semaphore_mem>>) src(%dma_wait3A_101 : memref<128x128xf32, #tpu.memory_space<vmem_shared>>) dst(%dma_wait3A_99 : memref<128x128xf32, #tpu.memory_space<vmem>>)
      tpu.yield
    }) : () -> ()
    %add3A_44 = arith.constant 0 : i32
    %add3A_45 = arith.addi %mul3A_2, %add3A_44 : i32
    "tpu.region"() ({
      %run_scoped3A_82 = tpu.sem_alloc : memref<!tpu.dma_semaphore, #tpu.memory_space<semaphore_mem>>
      %dma_start3A_83 = arith.constant 0 : i32
      %dma_start3A_84 = arith.constant 0 : i32
      %dma_start3A_85 = tpu.memref_slice %arg11[%dma_start3A_83, %dma_start3A_84] : memref<128x128xf32, #tpu.memory_space<vmem>> -> memref<128x128xf32, #tpu.memory_space<vmem>>
      %dma_start3A_86 = arith.constant 0 : i32
      %dma_start3A_87 = tpu.memref_slice %arg9[%arg0, %add3A_45, %dma_start3A_86] : memref<2x10112x128xf32, #tpu.memory_space<hbm>> -> memref<1x128x128xf32, #tpu.memory_space<hbm>>
      %dma_start3A_88 = tpu.memref_squeeze %dma_start3A_87 : memref<1x128x128xf32, #tpu.memory_space<hbm>> -> memref<128x128xf32, #tpu.memory_space<hbm>>
      %dma_start3A_89 = arith.constant 0 : i32
      %dma_start3A_90 = tpu.memref_slice %arg9[%arg0, %add3A_45, %dma_start3A_89] : memref<2x10112x128xf32, #tpu.memory_space<hbm>> -> memref<1x128x128xf32, #tpu.memory_space<hbm>>
      %dma_start3A_91 = tpu.memref_squeeze %dma_start3A_90 : memref<1x128x128xf32, #tpu.memory_space<hbm>> -> memref<128x128xf32, #tpu.memory_space<hbm>>
      %dma_start3A_92 = arith.constant 0 : i32
      %dma_start3A_93 = arith.constant 0 : i32
      %dma_start3A_94 = tpu.memref_slice %arg11[%dma_start3A_92, %dma_start3A_93] : memref<128x128xf32, #tpu.memory_space<vmem>> -> memref<128x128xf32, #tpu.memory_space<vmem>>
      tpu.enqueue_dma source(%dma_start3A_94 : memref<128x128xf32, #tpu.memory_space<vmem>>) target(%dma_start3A_91 : memref<128x128xf32, #tpu.memory_space<hbm>>) target_semaphore(%run_scoped3A_82 : memref<!tpu.dma_semaphore, #tpu.memory_space<semaphore_mem>>)
      %dma_wait3A = arith.constant 0 : i32
      %dma_wait3A_95 = arith.constant 0 : i32
      %dma_wait3A_96 = tpu.memref_slice %arg11[%dma_wait3A, %dma_wait3A_95] : memref<128x128xf32, #tpu.memory_space<vmem>> -> memref<128x128xf32, #tpu.memory_space<vmem>>
      %dma_wait3A_97 = arith.constant 0 : i32
      %dma_wait3A_98 = tpu.memref_slice %arg9[%arg0, %add3A_45, %dma_wait3A_97] : memref<2x10112x128xf32, #tpu.memory_space<hbm>> -> memref<1x128x128xf32, #tpu.memory_space<hbm>>
      %dma_wait3A_99 = tpu.memref_squeeze %dma_wait3A_98 : memref<1x128x128xf32, #tpu.memory_space<hbm>> -> memref<128x128xf32, #tpu.memory_space<hbm>>
      %dma_wait3A_100 = arith.constant 0 : i32
      %dma_wait3A_101 = tpu.memref_slice %arg9[%arg0, %add3A_45, %dma_wait3A_100] : memref<2x10112x128xf32, #tpu.memory_space<hbm>> -> memref<1x128x128xf32, #tpu.memory_space<hbm>>
      %dma_wait3A_102 = tpu.memref_squeeze %dma_wait3A_101 : memref<1x128x128xf32, #tpu.memory_space<hbm>> -> memref<128x128xf32, #tpu.memory_space<hbm>>
      %dma_wait3A_103 = arith.constant 0 : i32
      %dma_wait3A_104 = arith.constant 0 : i32
      %dma_wait3A_105 = tpu.memref_slice %arg11[%dma_wait3A_103, %dma_wait3A_104] : memref<128x128xf32, #tpu.memory_space<vmem>> -> memref<128x128xf32, #tpu.memory_space<vmem>>
      tpu.wait_dma2 semaphore(%run_scoped3A_82 : memref<!tpu.dma_semaphore, #tpu.memory_space<semaphore_mem>>) src(%dma_wait3A_105 : memref<128x128xf32, #tpu.memory_space<vmem>>) dst(%dma_wait3A_102 : memref<128x128xf32, #tpu.memory_space<hbm>>)
      tpu.yield
    }) : () -> ()
    %add3A_46 = arith.constant 0 : i32
    %add3A_47 = arith.addi %mul3A_2, %add3A_46 : i32
    "tpu.region"() ({
      %run_scoped3A_82 = tpu.sem_alloc : memref<!tpu.dma_semaphore, #tpu.memory_space<semaphore_mem>>
      %dma_start3A_83 = arith.constant 0 : i32
      %dma_start3A_84 = arith.constant 0 : i32
      %dma_start3A_85 = tpu.memref_slice %arg16[%dma_start3A_83, %dma_start3A_84] : memref<128x16xf32, #tpu.memory_space<vmem>> -> memref<128x16xf32, #tpu.memory_space<vmem>>
      %dma_start3A_86 = arith.constant 0 : i32
      %dma_start3A_87 = tpu.memref_slice %arg25[%add3A_47, %dma_start3A_86] : memref<10112x16xf32, #tpu.memory_space<vmem_shared>> -> memref<128x16xf32, #tpu.memory_space<vmem_shared>>
      %dma_start3A_88 = arith.constant 0 : i32
      %dma_start3A_89 = arith.constant 0 : i32
      %dma_start3A_90 = tpu.memref_slice %arg16[%dma_start3A_88, %dma_start3A_89] : memref<128x16xf32, #tpu.memory_space<vmem>> -> memref<128x16xf32, #tpu.memory_space<vmem>>
      %dma_start3A_91 = arith.constant 0 : i32
      %dma_start3A_92 = tpu.memref_slice %arg25[%add3A_47, %dma_start3A_91] : memref<10112x16xf32, #tpu.memory_space<vmem_shared>> -> memref<128x16xf32, #tpu.memory_space<vmem_shared>>
      tpu.enqueue_dma source(%dma_start3A_92 : memref<128x16xf32, #tpu.memory_space<vmem_shared>>) target(%dma_start3A_90 : memref<128x16xf32, #tpu.memory_space<vmem>>) target_semaphore(%run_scoped3A_82 : memref<!tpu.dma_semaphore, #tpu.memory_space<semaphore_mem>>)
      %dma_wait3A = arith.constant 0 : i32
      %dma_wait3A_93 = arith.constant 0 : i32
      %dma_wait3A_94 = tpu.memref_slice %arg16[%dma_wait3A, %dma_wait3A_93] : memref<128x16xf32, #tpu.memory_space<vmem>> -> memref<128x16xf32, #tpu.memory_space<vmem>>
      %dma_wait3A_95 = arith.constant 0 : i32
      %dma_wait3A_96 = tpu.memref_slice %arg25[%add3A_47, %dma_wait3A_95] : memref<10112x16xf32, #tpu.memory_space<vmem_shared>> -> memref<128x16xf32, #tpu.memory_space<vmem_shared>>
      %dma_wait3A_97 = arith.constant 0 : i32
      %dma_wait3A_98 = arith.constant 0 : i32
      %dma_wait3A_99 = tpu.memref_slice %arg16[%dma_wait3A_97, %dma_wait3A_98] : memref<128x16xf32, #tpu.memory_space<vmem>> -> memref<128x16xf32, #tpu.memory_space<vmem>>
      %dma_wait3A_100 = arith.constant 0 : i32
      %dma_wait3A_101 = tpu.memref_slice %arg25[%add3A_47, %dma_wait3A_100] : memref<10112x16xf32, #tpu.memory_space<vmem_shared>> -> memref<128x16xf32, #tpu.memory_space<vmem_shared>>
      tpu.wait_dma2 semaphore(%run_scoped3A_82 : memref<!tpu.dma_semaphore, #tpu.memory_space<semaphore_mem>>) src(%dma_wait3A_101 : memref<128x16xf32, #tpu.memory_space<vmem_shared>>) dst(%dma_wait3A_99 : memref<128x16xf32, #tpu.memory_space<vmem>>)
      tpu.yield
    }) : () -> ()
    %add3A_48 = arith.constant 0 : i32
    %add3A_49 = arith.addi %mul3A_2, %add3A_48 : i32
    "tpu.region"() ({
      %run_scoped3A_82 = tpu.sem_alloc : memref<!tpu.dma_semaphore, #tpu.memory_space<semaphore_mem>>
      %dma_start3A_83 = arith.constant 0 : i32
      %dma_start3A_84 = arith.constant 0 : i32
      %dma_start3A_85 = tpu.memref_slice %arg16[%dma_start3A_83, %dma_start3A_84] : memref<128x16xf32, #tpu.memory_space<vmem>> -> memref<128x16xf32, #tpu.memory_space<vmem>>
      %dma_start3A_86 = arith.constant 0 : i32
      %dma_start3A_87 = tpu.memref_slice %arg10[%arg0, %add3A_49, %dma_start3A_86] : memref<2x10112x16xf32, #tpu.memory_space<hbm>> -> memref<1x128x16xf32, #tpu.memory_space<hbm>>
      %dma_start3A_88 = tpu.memref_squeeze %dma_start3A_87 : memref<1x128x16xf32, #tpu.memory_space<hbm>> -> memref<128x16xf32, #tpu.memory_space<hbm>>
      %dma_start3A_89 = arith.constant 0 : i32
      %dma_start3A_90 = tpu.memref_slice %arg10[%arg0, %add3A_49, %dma_start3A_89] : memref<2x10112x16xf32, #tpu.memory_space<hbm>> -> memref<1x128x16xf32, #tpu.memory_space<hbm>>
      %dma_start3A_91 = tpu.memref_squeeze %dma_start3A_90 : memref<1x128x16xf32, #tpu.memory_space<hbm>> -> memref<128x16xf32, #tpu.memory_space<hbm>>
      %dma_start3A_92 = arith.constant 0 : i32
      %dma_start3A_93 = arith.constant 0 : i32
      %dma_start3A_94 = tpu.memref_slice %arg16[%dma_start3A_92, %dma_start3A_93] : memref<128x16xf32, #tpu.memory_space<vmem>> -> memref<128x16xf32, #tpu.memory_space<vmem>>
      tpu.enqueue_dma source(%dma_start3A_94 : memref<128x16xf32, #tpu.memory_space<vmem>>) target(%dma_start3A_91 : memref<128x16xf32, #tpu.memory_space<hbm>>) target_semaphore(%run_scoped3A_82 : memref<!tpu.dma_semaphore, #tpu.memory_space<semaphore_mem>>)
      %dma_wait3A = arith.constant 0 : i32
      %dma_wait3A_95 = arith.constant 0 : i32
      %dma_wait3A_96 = tpu.memref_slice %arg16[%dma_wait3A, %dma_wait3A_95] : memref<128x16xf32, #tpu.memory_space<vmem>> -> memref<128x16xf32, #tpu.memory_space<vmem>>
      %dma_wait3A_97 = arith.constant 0 : i32
      %dma_wait3A_98 = tpu.memref_slice %arg10[%arg0, %add3A_49, %dma_wait3A_97] : memref<2x10112x16xf32, #tpu.memory_space<hbm>> -> memref<1x128x16xf32, #tpu.memory_space<hbm>>
      %dma_wait3A_99 = tpu.memref_squeeze %dma_wait3A_98 : memref<1x128x16xf32, #tpu.memory_space<hbm>> -> memref<128x16xf32, #tpu.memory_space<hbm>>
      %dma_wait3A_100 = arith.constant 0 : i32
      %dma_wait3A_101 = tpu.memref_slice %arg10[%arg0, %add3A_49, %dma_wait3A_100] : memref<2x10112x16xf32, #tpu.memory_space<hbm>> -> memref<1x128x16xf32, #tpu.memory_space<hbm>>
      %dma_wait3A_102 = tpu.memref_squeeze %dma_wait3A_101 : memref<1x128x16xf32, #tpu.memory_space<hbm>> -> memref<128x16xf32, #tpu.memory_space<hbm>>
      %dma_wait3A_103 = arith.constant 0 : i32
      %dma_wait3A_104 = arith.constant 0 : i32
      %dma_wait3A_105 = tpu.memref_slice %arg16[%dma_wait3A_103, %dma_wait3A_104] : memref<128x16xf32, #tpu.memory_space<vmem>> -> memref<128x16xf32, #tpu.memory_space<vmem>>
      tpu.wait_dma2 semaphore(%run_scoped3A_82 : memref<!tpu.dma_semaphore, #tpu.memory_space<semaphore_mem>>) src(%dma_wait3A_105 : memref<128x16xf32, #tpu.memory_space<vmem>>) dst(%dma_wait3A_102 : memref<128x16xf32, #tpu.memory_space<hbm>>)
      tpu.yield
    }) : () -> ()
    %add3A_50 = arith.constant 128 : i32
    %add3A_51 = arith.addi %mul3A_2, %add3A_50 : i32
    "tpu.region"() ({
      %run_scoped3A_82 = tpu.sem_alloc : memref<!tpu.dma_semaphore, #tpu.memory_space<semaphore_mem>>
      %dma_start3A_83 = arith.constant 0 : i32
      %dma_start3A_84 = arith.constant 0 : i32
      %dma_start3A_85 = tpu.memref_slice %arg11[%dma_start3A_83, %dma_start3A_84] : memref<128x128xf32, #tpu.memory_space<vmem>> -> memref<128x128xf32, #tpu.memory_space<vmem>>
      %dma_start3A_86 = arith.constant 0 : i32
      %dma_start3A_87 = tpu.memref_slice %arg24[%add3A_51, %dma_start3A_86] : memref<10112x128xf32, #tpu.memory_space<vmem_shared>> -> memref<128x128xf32, #tpu.memory_space<vmem_shared>>
      %dma_start3A_88 = arith.constant 0 : i32
      %dma_start3A_89 = arith.constant 0 : i32
      %dma_start3A_90 = tpu.memref_slice %arg11[%dma_start3A_88, %dma_start3A_89] : memref<128x128xf32, #tpu.memory_space<vmem>> -> memref<128x128xf32, #tpu.memory_space<vmem>>
      %dma_start3A_91 = arith.constant 0 : i32
      %dma_start3A_92 = tpu.memref_slice %arg24[%add3A_51, %dma_start3A_91] : memref<10112x128xf32, #tpu.memory_space<vmem_shared>> -> memref<128x128xf32, #tpu.memory_space<vmem_shared>>
      tpu.enqueue_dma source(%dma_start3A_92 : memref<128x128xf32, #tpu.memory_space<vmem_shared>>) target(%dma_start3A_90 : memref<128x128xf32, #tpu.memory_space<vmem>>) target_semaphore(%run_scoped3A_82 : memref<!tpu.dma_semaphore, #tpu.memory_space<semaphore_mem>>)
      %dma_wait3A = arith.constant 0 : i32
      %dma_wait3A_93 = arith.constant 0 : i32
      %dma_wait3A_94 = tpu.memref_slice %arg11[%dma_wait3A, %dma_wait3A_93] : memref<128x128xf32, #tpu.memory_space<vmem>> -> memref<128x128xf32, #tpu.memory_space<vmem>>
      %dma_wait3A_95 = arith.constant 0 : i32
      %dma_wait3A_96 = tpu.memref_slice %arg24[%add3A_51, %dma_wait3A_95] : memref<10112x128xf32, #tpu.memory_space<vmem_shared>> -> memref<128x128xf32, #tpu.memory_space<vmem_shared>>
      %dma_wait3A_97 = arith.constant 0 : i32
      %dma_wait3A_98 = arith.constant 0 : i32
      %dma_wait3A_99 = tpu.memref_slice %arg11[%dma_wait3A_97, %dma_wait3A_98] : memref<128x128xf32, #tpu.memory_space<vmem>> -> memref<128x128xf32, #tpu.memory_space<vmem>>
      %dma_wait3A_100 = arith.constant 0 : i32
      %dma_wait3A_101 = tpu.memref_slice %arg24[%add3A_51, %dma_wait3A_100] : memref<10112x128xf32, #tpu.memory_space<vmem_shared>> -> memref<128x128xf32, #tpu.memory_space<vmem_shared>>
      tpu.wait_dma2 semaphore(%run_scoped3A_82 : memref<!tpu.dma_semaphore, #tpu.memory_space<semaphore_mem>>) src(%dma_wait3A_101 : memref<128x128xf32, #tpu.memory_space<vmem_shared>>) dst(%dma_wait3A_99 : memref<128x128xf32, #tpu.memory_space<vmem>>)
      tpu.yield
    }) : () -> ()
    %add3A_52 = arith.constant 128 : i32
    %add3A_53 = arith.addi %mul3A_2, %add3A_52 : i32
    "tpu.region"() ({
      %run_scoped3A_82 = tpu.sem_alloc : memref<!tpu.dma_semaphore, #tpu.memory_space<semaphore_mem>>
      %dma_start3A_83 = arith.constant 0 : i32
      %dma_start3A_84 = arith.constant 0 : i32
      %dma_start3A_85 = tpu.memref_slice %arg11[%dma_start3A_83, %dma_start3A_84] : memref<128x128xf32, #tpu.memory_space<vmem>> -> memref<128x128xf32, #tpu.memory_space<vmem>>
      %dma_start3A_86 = arith.constant 0 : i32
      %dma_start3A_87 = tpu.memref_slice %arg9[%arg0, %add3A_53, %dma_start3A_86] : memref<2x10112x128xf32, #tpu.memory_space<hbm>> -> memref<1x128x128xf32, #tpu.memory_space<hbm>>
      %dma_start3A_88 = tpu.memref_squeeze %dma_start3A_87 : memref<1x128x128xf32, #tpu.memory_space<hbm>> -> memref<128x128xf32, #tpu.memory_space<hbm>>
      %dma_start3A_89 = arith.constant 0 : i32
      %dma_start3A_90 = tpu.memref_slice %arg9[%arg0, %add3A_53, %dma_start3A_89] : memref<2x10112x128xf32, #tpu.memory_space<hbm>> -> memref<1x128x128xf32, #tpu.memory_space<hbm>>
      %dma_start3A_91 = tpu.memref_squeeze %dma_start3A_90 : memref<1x128x128xf32, #tpu.memory_space<hbm>> -> memref<128x128xf32, #tpu.memory_space<hbm>>
      %dma_start3A_92 = arith.constant 0 : i32
      %dma_start3A_93 = arith.constant 0 : i32
      %dma_start3A_94 = tpu.memref_slice %arg11[%dma_start3A_92, %dma_start3A_93] : memref<128x128xf32, #tpu.memory_space<vmem>> -> memref<128x128xf32, #tpu.memory_space<vmem>>
      tpu.enqueue_dma source(%dma_start3A_94 : memref<128x128xf32, #tpu.memory_space<vmem>>) target(%dma_start3A_91 : memref<128x128xf32, #tpu.memory_space<hbm>>) target_semaphore(%run_scoped3A_82 : memref<!tpu.dma_semaphore, #tpu.memory_space<semaphore_mem>>)
      %dma_wait3A = arith.constant 0 : i32
      %dma_wait3A_95 = arith.constant 0 : i32
      %dma_wait3A_96 = tpu.memref_slice %arg11[%dma_wait3A, %dma_wait3A_95] : memref<128x128xf32, #tpu.memory_space<vmem>> -> memref<128x128xf32, #tpu.memory_space<vmem>>
      %dma_wait3A_97 = arith.constant 0 : i32
      %dma_wait3A_98 = tpu.memref_slice %arg9[%arg0, %add3A_53, %dma_wait3A_97] : memref<2x10112x128xf32, #tpu.memory_space<hbm>> -> memref<1x128x128xf32, #tpu.memory_space<hbm>>
      %dma_wait3A_99 = tpu.memref_squeeze %dma_wait3A_98 : memref<1x128x128xf32, #tpu.memory_space<hbm>> -> memref<128x128xf32, #tpu.memory_space<hbm>>
      %dma_wait3A_100 = arith.constant 0 : i32
      %dma_wait3A_101 = tpu.memref_slice %arg9[%arg0, %add3A_53, %dma_wait3A_100] : memref<2x10112x128xf32, #tpu.memory_space<hbm>> -> memref<1x128x128xf32, #tpu.memory_space<hbm>>
      %dma_wait3A_102 = tpu.memref_squeeze %dma_wait3A_101 : memref<1x128x128xf32, #tpu.memory_space<hbm>> -> memref<128x128xf32, #tpu.memory_space<hbm>>
      %dma_wait3A_103 = arith.constant 0 : i32
      %dma_wait3A_104 = arith.constant 0 : i32
      %dma_wait3A_105 = tpu.memref_slice %arg11[%dma_wait3A_103, %dma_wait3A_104] : memref<128x128xf32, #tpu.memory_space<vmem>> -> memref<128x128xf32, #tpu.memory_space<vmem>>
      tpu.wait_dma2 semaphore(%run_scoped3A_82 : memref<!tpu.dma_semaphore, #tpu.memory_space<semaphore_mem>>) src(%dma_wait3A_105 : memref<128x128xf32, #tpu.memory_space<vmem>>) dst(%dma_wait3A_102 : memref<128x128xf32, #tpu.memory_space<hbm>>)
      tpu.yield
    }) : () -> ()
    %add3A_54 = arith.constant 128 : i32
    %add3A_55 = arith.addi %mul3A_2, %add3A_54 : i32
    "tpu.region"() ({
      %run_scoped3A_82 = tpu.sem_alloc : memref<!tpu.dma_semaphore, #tpu.memory_space<semaphore_mem>>
      %dma_start3A_83 = arith.constant 0 : i32
      %dma_start3A_84 = arith.constant 0 : i32
      %dma_start3A_85 = tpu.memref_slice %arg16[%dma_start3A_83, %dma_start3A_84] : memref<128x16xf32, #tpu.memory_space<vmem>> -> memref<128x16xf32, #tpu.memory_space<vmem>>
      %dma_start3A_86 = arith.constant 0 : i32
      %dma_start3A_87 = tpu.memref_slice %arg25[%add3A_55, %dma_start3A_86] : memref<10112x16xf32, #tpu.memory_space<vmem_shared>> -> memref<128x16xf32, #tpu.memory_space<vmem_shared>>
      %dma_start3A_88 = arith.constant 0 : i32
      %dma_start3A_89 = arith.constant 0 : i32
      %dma_start3A_90 = tpu.memref_slice %arg16[%dma_start3A_88, %dma_start3A_89] : memref<128x16xf32, #tpu.memory_space<vmem>> -> memref<128x16xf32, #tpu.memory_space<vmem>>
      %dma_start3A_91 = arith.constant 0 : i32
      %dma_start3A_92 = tpu.memref_slice %arg25[%add3A_55, %dma_start3A_91] : memref<10112x16xf32, #tpu.memory_space<vmem_shared>> -> memref<128x16xf32, #tpu.memory_space<vmem_shared>>
      tpu.enqueue_dma source(%dma_start3A_92 : memref<128x16xf32, #tpu.memory_space<vmem_shared>>) target(%dma_start3A_90 : memref<128x16xf32, #tpu.memory_space<vmem>>) target_semaphore(%run_scoped3A_82 : memref<!tpu.dma_semaphore, #tpu.memory_space<semaphore_mem>>)
      %dma_wait3A = arith.constant 0 : i32
      %dma_wait3A_93 = arith.constant 0 : i32
      %dma_wait3A_94 = tpu.memref_slice %arg16[%dma_wait3A, %dma_wait3A_93] : memref<128x16xf32, #tpu.memory_space<vmem>> -> memref<128x16xf32, #tpu.memory_space<vmem>>
      %dma_wait3A_95 = arith.constant 0 : i32
      %dma_wait3A_96 = tpu.memref_slice %arg25[%add3A_55, %dma_wait3A_95] : memref<10112x16xf32, #tpu.memory_space<vmem_shared>> -> memref<128x16xf32, #tpu.memory_space<vmem_shared>>
      %dma_wait3A_97 = arith.constant 0 : i32
      %dma_wait3A_98 = arith.constant 0 : i32
      %dma_wait3A_99 = tpu.memref_slice %arg16[%dma_wait3A_97, %dma_wait3A_98] : memref<128x16xf32, #tpu.memory_space<vmem>> -> memref<128x16xf32, #tpu.memory_space<vmem>>
      %dma_wait3A_100 = arith.constant 0 : i32
      %dma_wait3A_101 = tpu.memref_slice %arg25[%add3A_55, %dma_wait3A_100] : memref<10112x16xf32, #tpu.memory_space<vmem_shared>> -> memref<128x16xf32, #tpu.memory_space<vmem_shared>>
      tpu.wait_dma2 semaphore(%run_scoped3A_82 : memref<!tpu.dma_semaphore, #tpu.memory_space<semaphore_mem>>) src(%dma_wait3A_101 : memref<128x16xf32, #tpu.memory_space<vmem_shared>>) dst(%dma_wait3A_99 : memref<128x16xf32, #tpu.memory_space<vmem>>)
      tpu.yield
    }) : () -> ()
    %add3A_56 = arith.constant 128 : i32
    %add3A_57 = arith.addi %mul3A_2, %add3A_56 : i32
    "tpu.region"() ({
      %run_scoped3A_82 = tpu.sem_alloc : memref<!tpu.dma_semaphore, #tpu.memory_space<semaphore_mem>>
      %dma_start3A_83 = arith.constant 0 : i32
      %dma_start3A_84 = arith.constant 0 : i32
      %dma_start3A_85 = tpu.memref_slice %arg16[%dma_start3A_83, %dma_start3A_84] : memref<128x16xf32, #tpu.memory_space<vmem>> -> memref<128x16xf32, #tpu.memory_space<vmem>>
      %dma_start3A_86 = arith.constant 0 : i32
      %dma_start3A_87 = tpu.memref_slice %arg10[%arg0, %add3A_57, %dma_start3A_86] : memref<2x10112x16xf32, #tpu.memory_space<hbm>> -> memref<1x128x16xf32, #tpu.memory_space<hbm>>
      %dma_start3A_88 = tpu.memref_squeeze %dma_start3A_87 : memref<1x128x16xf32, #tpu.memory_space<hbm>> -> memref<128x16xf32, #tpu.memory_space<hbm>>
      %dma_start3A_89 = arith.constant 0 : i32
      %dma_start3A_90 = tpu.memref_slice %arg10[%arg0, %add3A_57, %dma_start3A_89] : memref<2x10112x16xf32, #tpu.memory_space<hbm>> -> memref<1x128x16xf32, #tpu.memory_space<hbm>>
      %dma_start3A_91 = tpu.memref_squeeze %dma_start3A_90 : memref<1x128x16xf32, #tpu.memory_space<hbm>> -> memref<128x16xf32, #tpu.memory_space<hbm>>
      %dma_start3A_92 = arith.constant 0 : i32
      %dma_start3A_93 = arith.constant 0 : i32
      %dma_start3A_94 = tpu.memref_slice %arg16[%dma_start3A_92, %dma_start3A_93] : memref<128x16xf32, #tpu.memory_space<vmem>> -> memref<128x16xf32, #tpu.memory_space<vmem>>
      tpu.enqueue_dma source(%dma_start3A_94 : memref<128x16xf32, #tpu.memory_space<vmem>>) target(%dma_start3A_91 : memref<128x16xf32, #tpu.memory_space<hbm>>) target_semaphore(%run_scoped3A_82 : memref<!tpu.dma_semaphore, #tpu.memory_space<semaphore_mem>>)
      %dma_wait3A = arith.constant 0 : i32
      %dma_wait3A_95 = arith.constant 0 : i32
      %dma_wait3A_96 = tpu.memref_slice %arg16[%dma_wait3A, %dma_wait3A_95] : memref<128x16xf32, #tpu.memory_space<vmem>> -> memref<128x16xf32, #tpu.memory_space<vmem>>
      %dma_wait3A_97 = arith.constant 0 : i32
      %dma_wait3A_98 = tpu.memref_slice %arg10[%arg0, %add3A_57, %dma_wait3A_97] : memref<2x10112x16xf32, #tpu.memory_space<hbm>> -> memref<1x128x16xf32, #tpu.memory_space<hbm>>
      %dma_wait3A_99 = tpu.memref_squeeze %dma_wait3A_98 : memref<1x128x16xf32, #tpu.memory_space<hbm>> -> memref<128x16xf32, #tpu.memory_space<hbm>>
      %dma_wait3A_100 = arith.constant 0 : i32
      %dma_wait3A_101 = tpu.memref_slice %arg10[%arg0, %add3A_57, %dma_wait3A_100] : memref<2x10112x16xf32, #tpu.memory_space<hbm>> -> memref<1x128x16xf32, #tpu.memory_space<hbm>>
      %dma_wait3A_102 = tpu.memref_squeeze %dma_wait3A_101 : memref<1x128x16xf32, #tpu.memory_space<hbm>> -> memref<128x16xf32, #tpu.memory_space<hbm>>
      %dma_wait3A_103 = arith.constant 0 : i32
      %dma_wait3A_104 = arith.constant 0 : i32
      %dma_wait3A_105 = tpu.memref_slice %arg16[%dma_wait3A_103, %dma_wait3A_104] : memref<128x16xf32, #tpu.memory_space<vmem>> -> memref<128x16xf32, #tpu.memory_space<vmem>>
      tpu.wait_dma2 semaphore(%run_scoped3A_82 : memref<!tpu.dma_semaphore, #tpu.memory_space<semaphore_mem>>) src(%dma_wait3A_105 : memref<128x16xf32, #tpu.memory_space<vmem>>) dst(%dma_wait3A_102 : memref<128x16xf32, #tpu.memory_space<hbm>>)
      tpu.yield
    }) : () -> ()
    %add3A_58 = arith.constant 256 : i32
    %add3A_59 = arith.addi %mul3A_2, %add3A_58 : i32
    "tpu.region"() ({
      %run_scoped3A_82 = tpu.sem_alloc : memref<!tpu.dma_semaphore, #tpu.memory_space<semaphore_mem>>
      %dma_start3A_83 = arith.constant 0 : i32
      %dma_start3A_84 = arith.constant 0 : i32
      %dma_start3A_85 = tpu.memref_slice %arg11[%dma_start3A_83, %dma_start3A_84] : memref<128x128xf32, #tpu.memory_space<vmem>> -> memref<128x128xf32, #tpu.memory_space<vmem>>
      %dma_start3A_86 = arith.constant 0 : i32
      %dma_start3A_87 = tpu.memref_slice %arg24[%add3A_59, %dma_start3A_86] : memref<10112x128xf32, #tpu.memory_space<vmem_shared>> -> memref<128x128xf32, #tpu.memory_space<vmem_shared>>
      %dma_start3A_88 = arith.constant 0 : i32
      %dma_start3A_89 = arith.constant 0 : i32
      %dma_start3A_90 = tpu.memref_slice %arg11[%dma_start3A_88, %dma_start3A_89] : memref<128x128xf32, #tpu.memory_space<vmem>> -> memref<128x128xf32, #tpu.memory_space<vmem>>
      %dma_start3A_91 = arith.constant 0 : i32
      %dma_start3A_92 = tpu.memref_slice %arg24[%add3A_59, %dma_start3A_91] : memref<10112x128xf32, #tpu.memory_space<vmem_shared>> -> memref<128x128xf32, #tpu.memory_space<vmem_shared>>
      tpu.enqueue_dma source(%dma_start3A_92 : memref<128x128xf32, #tpu.memory_space<vmem_shared>>) target(%dma_start3A_90 : memref<128x128xf32, #tpu.memory_space<vmem>>) target_semaphore(%run_scoped3A_82 : memref<!tpu.dma_semaphore, #tpu.memory_space<semaphore_mem>>)
      %dma_wait3A = arith.constant 0 : i32
      %dma_wait3A_93 = arith.constant 0 : i32
      %dma_wait3A_94 = tpu.memref_slice %arg11[%dma_wait3A, %dma_wait3A_93] : memref<128x128xf32, #tpu.memory_space<vmem>> -> memref<128x128xf32, #tpu.memory_space<vmem>>
      %dma_wait3A_95 = arith.constant 0 : i32
      %dma_wait3A_96 = tpu.memref_slice %arg24[%add3A_59, %dma_wait3A_95] : memref<10112x128xf32, #tpu.memory_space<vmem_shared>> -> memref<128x128xf32, #tpu.memory_space<vmem_shared>>
      %dma_wait3A_97 = arith.constant 0 : i32
      %dma_wait3A_98 = arith.constant 0 : i32
      %dma_wait3A_99 = tpu.memref_slice %arg11[%dma_wait3A_97, %dma_wait3A_98] : memref<128x128xf32, #tpu.memory_space<vmem>> -> memref<128x128xf32, #tpu.memory_space<vmem>>
      %dma_wait3A_100 = arith.constant 0 : i32
      %dma_wait3A_101 = tpu.memref_slice %arg24[%add3A_59, %dma_wait3A_100] : memref<10112x128xf32, #tpu.memory_space<vmem_shared>> -> memref<128x128xf32, #tpu.memory_space<vmem_shared>>
      tpu.wait_dma2 semaphore(%run_scoped3A_82 : memref<!tpu.dma_semaphore, #tpu.memory_space<semaphore_mem>>) src(%dma_wait3A_101 : memref<128x128xf32, #tpu.memory_space<vmem_shared>>) dst(%dma_wait3A_99 : memref<128x128xf32, #tpu.memory_space<vmem>>)
      tpu.yield
    }) : () -> ()
    %add3A_60 = arith.constant 256 : i32
    %add3A_61 = arith.addi %mul3A_2, %add3A_60 : i32
    "tpu.region"() ({
      %run_scoped3A_82 = tpu.sem_alloc : memref<!tpu.dma_semaphore, #tpu.memory_space<semaphore_mem>>
      %dma_start3A_83 = arith.constant 0 : i32
      %dma_start3A_84 = arith.constant 0 : i32
      %dma_start3A_85 = tpu.memref_slice %arg11[%dma_start3A_83, %dma_start3A_84] : memref<128x128xf32, #tpu.memory_space<vmem>> -> memref<128x128xf32, #tpu.memory_space<vmem>>
      %dma_start3A_86 = arith.constant 0 : i32
      %dma_start3A_87 = tpu.memref_slice %arg9[%arg0, %add3A_61, %dma_start3A_86] : memref<2x10112x128xf32, #tpu.memory_space<hbm>> -> memref<1x128x128xf32, #tpu.memory_space<hbm>>
      %dma_start3A_88 = tpu.memref_squeeze %dma_start3A_87 : memref<1x128x128xf32, #tpu.memory_space<hbm>> -> memref<128x128xf32, #tpu.memory_space<hbm>>
      %dma_start3A_89 = arith.constant 0 : i32
      %dma_start3A_90 = tpu.memref_slice %arg9[%arg0, %add3A_61, %dma_start3A_89] : memref<2x10112x128xf32, #tpu.memory_space<hbm>> -> memref<1x128x128xf32, #tpu.memory_space<hbm>>
      %dma_start3A_91 = tpu.memref_squeeze %dma_start3A_90 : memref<1x128x128xf32, #tpu.memory_space<hbm>> -> memref<128x128xf32, #tpu.memory_space<hbm>>
      %dma_start3A_92 = arith.constant 0 : i32
      %dma_start3A_93 = arith.constant 0 : i32
      %dma_start3A_94 = tpu.memref_slice %arg11[%dma_start3A_92, %dma_start3A_93] : memref<128x128xf32, #tpu.memory_space<vmem>> -> memref<128x128xf32, #tpu.memory_space<vmem>>
      tpu.enqueue_dma source(%dma_start3A_94 : memref<128x128xf32, #tpu.memory_space<vmem>>) target(%dma_start3A_91 : memref<128x128xf32, #tpu.memory_space<hbm>>) target_semaphore(%run_scoped3A_82 : memref<!tpu.dma_semaphore, #tpu.memory_space<semaphore_mem>>)
      %dma_wait3A = arith.constant 0 : i32
      %dma_wait3A_95 = arith.constant 0 : i32
      %dma_wait3A_96 = tpu.memref_slice %arg11[%dma_wait3A, %dma_wait3A_95] : memref<128x128xf32, #tpu.memory_space<vmem>> -> memref<128x128xf32, #tpu.memory_space<vmem>>
      %dma_wait3A_97 = arith.constant 0 : i32
      %dma_wait3A_98 = tpu.memref_slice %arg9[%arg0, %add3A_61, %dma_wait3A_97] : memref<2x10112x128xf32, #tpu.memory_space<hbm>> -> memref<1x128x128xf32, #tpu.memory_space<hbm>>
      %dma_wait3A_99 = tpu.memref_squeeze %dma_wait3A_98 : memref<1x128x128xf32, #tpu.memory_space<hbm>> -> memref<128x128xf32, #tpu.memory_space<hbm>>
      %dma_wait3A_100 = arith.constant 0 : i32
      %dma_wait3A_101 = tpu.memref_slice %arg9[%arg0, %add3A_61, %dma_wait3A_100] : memref<2x10112x128xf32, #tpu.memory_space<hbm>> -> memref<1x128x128xf32, #tpu.memory_space<hbm>>
      %dma_wait3A_102 = tpu.memref_squeeze %dma_wait3A_101 : memref<1x128x128xf32, #tpu.memory_space<hbm>> -> memref<128x128xf32, #tpu.memory_space<hbm>>
      %dma_wait3A_103 = arith.constant 0 : i32
      %dma_wait3A_104 = arith.constant 0 : i32
      %dma_wait3A_105 = tpu.memref_slice %arg11[%dma_wait3A_103, %dma_wait3A_104] : memref<128x128xf32, #tpu.memory_space<vmem>> -> memref<128x128xf32, #tpu.memory_space<vmem>>
      tpu.wait_dma2 semaphore(%run_scoped3A_82 : memref<!tpu.dma_semaphore, #tpu.memory_space<semaphore_mem>>) src(%dma_wait3A_105 : memref<128x128xf32, #tpu.memory_space<vmem>>) dst(%dma_wait3A_102 : memref<128x128xf32, #tpu.memory_space<hbm>>)
      tpu.yield
    }) : () -> ()
    %add3A_62 = arith.constant 256 : i32
    %add3A_63 = arith.addi %mul3A_2, %add3A_62 : i32
    "tpu.region"() ({
      %run_scoped3A_82 = tpu.sem_alloc : memref<!tpu.dma_semaphore, #tpu.memory_space<semaphore_mem>>
      %dma_start3A_83 = arith.constant 0 : i32
      %dma_start3A_84 = arith.constant 0 : i32
      %dma_start3A_85 = tpu.memref_slice %arg16[%dma_start3A_83, %dma_start3A_84] : memref<128x16xf32, #tpu.memory_space<vmem>> -> memref<128x16xf32, #tpu.memory_space<vmem>>
      %dma_start3A_86 = arith.constant 0 : i32
      %dma_start3A_87 = tpu.memref_slice %arg25[%add3A_63, %dma_start3A_86] : memref<10112x16xf32, #tpu.memory_space<vmem_shared>> -> memref<128x16xf32, #tpu.memory_space<vmem_shared>>
      %dma_start3A_88 = arith.constant 0 : i32
      %dma_start3A_89 = arith.constant 0 : i32
      %dma_start3A_90 = tpu.memref_slice %arg16[%dma_start3A_88, %dma_start3A_89] : memref<128x16xf32, #tpu.memory_space<vmem>> -> memref<128x16xf32, #tpu.memory_space<vmem>>
      %dma_start3A_91 = arith.constant 0 : i32
      %dma_start3A_92 = tpu.memref_slice %arg25[%add3A_63, %dma_start3A_91] : memref<10112x16xf32, #tpu.memory_space<vmem_shared>> -> memref<128x16xf32, #tpu.memory_space<vmem_shared>>
      tpu.enqueue_dma source(%dma_start3A_92 : memref<128x16xf32, #tpu.memory_space<vmem_shared>>) target(%dma_start3A_90 : memref<128x16xf32, #tpu.memory_space<vmem>>) target_semaphore(%run_scoped3A_82 : memref<!tpu.dma_semaphore, #tpu.memory_space<semaphore_mem>>)
      %dma_wait3A = arith.constant 0 : i32
      %dma_wait3A_93 = arith.constant 0 : i32
      %dma_wait3A_94 = tpu.memref_slice %arg16[%dma_wait3A, %dma_wait3A_93] : memref<128x16xf32, #tpu.memory_space<vmem>> -> memref<128x16xf32, #tpu.memory_space<vmem>>
      %dma_wait3A_95 = arith.constant 0 : i32
      %dma_wait3A_96 = tpu.memref_slice %arg25[%add3A_63, %dma_wait3A_95] : memref<10112x16xf32, #tpu.memory_space<vmem_shared>> -> memref<128x16xf32, #tpu.memory_space<vmem_shared>>
      %dma_wait3A_97 = arith.constant 0 : i32
      %dma_wait3A_98 = arith.constant 0 : i32
      %dma_wait3A_99 = tpu.memref_slice %arg16[%dma_wait3A_97, %dma_wait3A_98] : memref<128x16xf32, #tpu.memory_space<vmem>> -> memref<128x16xf32, #tpu.memory_space<vmem>>
      %dma_wait3A_100 = arith.constant 0 : i32
      %dma_wait3A_101 = tpu.memref_slice %arg25[%add3A_63, %dma_wait3A_100] : memref<10112x16xf32, #tpu.memory_space<vmem_shared>> -> memref<128x16xf32, #tpu.memory_space<vmem_shared>>
      tpu.wait_dma2 semaphore(%run_scoped3A_82 : memref<!tpu.dma_semaphore, #tpu.memory_space<semaphore_mem>>) src(%dma_wait3A_101 : memref<128x16xf32, #tpu.memory_space<vmem_shared>>) dst(%dma_wait3A_99 : memref<128x16xf32, #tpu.memory_space<vmem>>)
      tpu.yield
    }) : () -> ()
    %add3A_64 = arith.constant 256 : i32
    %add3A_65 = arith.addi %mul3A_2, %add3A_64 : i32
    "tpu.region"() ({
      %run_scoped3A_82 = tpu.sem_alloc : memref<!tpu.dma_semaphore, #tpu.memory_space<semaphore_mem>>
      %dma_start3A_83 = arith.constant 0 : i32
      %dma_start3A_84 = arith.constant 0 : i32
      %dma_start3A_85 = tpu.memref_slice %arg16[%dma_start3A_83, %dma_start3A_84] : memref<128x16xf32, #tpu.memory_space<vmem>> -> memref<128x16xf32, #tpu.memory_space<vmem>>
      %dma_start3A_86 = arith.constant 0 : i32
      %dma_start3A_87 = tpu.memref_slice %arg10[%arg0, %add3A_65, %dma_start3A_86] : memref<2x10112x16xf32, #tpu.memory_space<hbm>> -> memref<1x128x16xf32, #tpu.memory_space<hbm>>
      %dma_start3A_88 = tpu.memref_squeeze %dma_start3A_87 : memref<1x128x16xf32, #tpu.memory_space<hbm>> -> memref<128x16xf32, #tpu.memory_space<hbm>>
      %dma_start3A_89 = arith.constant 0 : i32
      %dma_start3A_90 = tpu.memref_slice %arg10[%arg0, %add3A_65, %dma_start3A_89] : memref<2x10112x16xf32, #tpu.memory_space<hbm>> -> memref<1x128x16xf32, #tpu.memory_space<hbm>>
      %dma_start3A_91 = tpu.memref_squeeze %dma_start3A_90 : memref<1x128x16xf32, #tpu.memory_space<hbm>> -> memref<128x16xf32, #tpu.memory_space<hbm>>
      %dma_start3A_92 = arith.constant 0 : i32
      %dma_start3A_93 = arith.constant 0 : i32
      %dma_start3A_94 = tpu.memref_slice %arg16[%dma_start3A_92, %dma_start3A_93] : memref<128x16xf32, #tpu.memory_space<vmem>> -> memref<128x16xf32, #tpu.memory_space<vmem>>
      tpu.enqueue_dma source(%dma_start3A_94 : memref<128x16xf32, #tpu.memory_space<vmem>>) target(%dma_start3A_91 : memref<128x16xf32, #tpu.memory_space<hbm>>) target_semaphore(%run_scoped3A_82 : memref<!tpu.dma_semaphore, #tpu.memory_space<semaphore_mem>>)
      %dma_wait3A = arith.constant 0 : i32
      %dma_wait3A_95 = arith.constant 0 : i32
      %dma_wait3A_96 = tpu.memref_slice %arg16[%dma_wait3A, %dma_wait3A_95] : memref<128x16xf32, #tpu.memory_space<vmem>> -> memref<128x16xf32, #tpu.memory_space<vmem>>
      %dma_wait3A_97 = arith.constant 0 : i32
      %dma_wait3A_98 = tpu.memref_slice %arg10[%arg0, %add3A_65, %dma_wait3A_97] : memref<2x10112x16xf32, #tpu.memory_space<hbm>> -> memref<1x128x16xf32, #tpu.memory_space<hbm>>
      %dma_wait3A_99 = tpu.memref_squeeze %dma_wait3A_98 : memref<1x128x16xf32, #tpu.memory_space<hbm>> -> memref<128x16xf32, #tpu.memory_space<hbm>>
      %dma_wait3A_100 = arith.constant 0 : i32
      %dma_wait3A_101 = tpu.memref_slice %arg10[%arg0, %add3A_65, %dma_wait3A_100] : memref<2x10112x16xf32, #tpu.memory_space<hbm>> -> memref<1x128x16xf32, #tpu.memory_space<hbm>>
      %dma_wait3A_102 = tpu.memref_squeeze %dma_wait3A_101 : memref<1x128x16xf32, #tpu.memory_space<hbm>> -> memref<128x16xf32, #tpu.memory_space<hbm>>
      %dma_wait3A_103 = arith.constant 0 : i32
      %dma_wait3A_104 = arith.constant 0 : i32
      %dma_wait3A_105 = tpu.memref_slice %arg16[%dma_wait3A_103, %dma_wait3A_104] : memref<128x16xf32, #tpu.memory_space<vmem>> -> memref<128x16xf32, #tpu.memory_space<vmem>>
      tpu.wait_dma2 semaphore(%run_scoped3A_82 : memref<!tpu.dma_semaphore, #tpu.memory_space<semaphore_mem>>) src(%dma_wait3A_105 : memref<128x16xf32, #tpu.memory_space<vmem>>) dst(%dma_wait3A_102 : memref<128x16xf32, #tpu.memory_space<hbm>>)
      tpu.yield
    }) : () -> ()
    %add3A_66 = arith.constant 384 : i32
    %add3A_67 = arith.addi %mul3A_2, %add3A_66 : i32
    "tpu.region"() ({
      %run_scoped3A_82 = tpu.sem_alloc : memref<!tpu.dma_semaphore, #tpu.memory_space<semaphore_mem>>
      %dma_start3A_83 = arith.constant 0 : i32
      %dma_start3A_84 = arith.constant 0 : i32
      %dma_start3A_85 = tpu.memref_slice %arg11[%dma_start3A_83, %dma_start3A_84] : memref<128x128xf32, #tpu.memory_space<vmem>> -> memref<128x128xf32, #tpu.memory_space<vmem>>
      %dma_start3A_86 = arith.constant 0 : i32
      %dma_start3A_87 = tpu.memref_slice %arg24[%add3A_67, %dma_start3A_86] : memref<10112x128xf32, #tpu.memory_space<vmem_shared>> -> memref<128x128xf32, #tpu.memory_space<vmem_shared>>
      %dma_start3A_88 = arith.constant 0 : i32
      %dma_start3A_89 = arith.constant 0 : i32
      %dma_start3A_90 = tpu.memref_slice %arg11[%dma_start3A_88, %dma_start3A_89] : memref<128x128xf32, #tpu.memory_space<vmem>> -> memref<128x128xf32, #tpu.memory_space<vmem>>
      %dma_start3A_91 = arith.constant 0 : i32
      %dma_start3A_92 = tpu.memref_slice %arg24[%add3A_67, %dma_start3A_91] : memref<10112x128xf32, #tpu.memory_space<vmem_shared>> -> memref<128x128xf32, #tpu.memory_space<vmem_shared>>
      tpu.enqueue_dma source(%dma_start3A_92 : memref<128x128xf32, #tpu.memory_space<vmem_shared>>) target(%dma_start3A_90 : memref<128x128xf32, #tpu.memory_space<vmem>>) target_semaphore(%run_scoped3A_82 : memref<!tpu.dma_semaphore, #tpu.memory_space<semaphore_mem>>)
      %dma_wait3A = arith.constant 0 : i32
      %dma_wait3A_93 = arith.constant 0 : i32
      %dma_wait3A_94 = tpu.memref_slice %arg11[%dma_wait3A, %dma_wait3A_93] : memref<128x128xf32, #tpu.memory_space<vmem>> -> memref<128x128xf32, #tpu.memory_space<vmem>>
      %dma_wait3A_95 = arith.constant 0 : i32
      %dma_wait3A_96 = tpu.memref_slice %arg24[%add3A_67, %dma_wait3A_95] : memref<10112x128xf32, #tpu.memory_space<vmem_shared>> -> memref<128x128xf32, #tpu.memory_space<vmem_shared>>
      %dma_wait3A_97 = arith.constant 0 : i32
      %dma_wait3A_98 = arith.constant 0 : i32
      %dma_wait3A_99 = tpu.memref_slice %arg11[%dma_wait3A_97, %dma_wait3A_98] : memref<128x128xf32, #tpu.memory_space<vmem>> -> memref<128x128xf32, #tpu.memory_space<vmem>>
      %dma_wait3A_100 = arith.constant 0 : i32
      %dma_wait3A_101 = tpu.memref_slice %arg24[%add3A_67, %dma_wait3A_100] : memref<10112x128xf32, #tpu.memory_space<vmem_shared>> -> memref<128x128xf32, #tpu.memory_space<vmem_shared>>
      tpu.wait_dma2 semaphore(%run_scoped3A_82 : memref<!tpu.dma_semaphore, #tpu.memory_space<semaphore_mem>>) src(%dma_wait3A_101 : memref<128x128xf32, #tpu.memory_space<vmem_shared>>) dst(%dma_wait3A_99 : memref<128x128xf32, #tpu.memory_space<vmem>>)
      tpu.yield
    }) : () -> ()
    %add3A_68 = arith.constant 384 : i32
    %add3A_69 = arith.addi %mul3A_2, %add3A_68 : i32
    "tpu.region"() ({
      %run_scoped3A_82 = tpu.sem_alloc : memref<!tpu.dma_semaphore, #tpu.memory_space<semaphore_mem>>
      %dma_start3A_83 = arith.constant 0 : i32
      %dma_start3A_84 = arith.constant 0 : i32
      %dma_start3A_85 = tpu.memref_slice %arg11[%dma_start3A_83, %dma_start3A_84] : memref<128x128xf32, #tpu.memory_space<vmem>> -> memref<128x128xf32, #tpu.memory_space<vmem>>
      %dma_start3A_86 = arith.constant 0 : i32
      %dma_start3A_87 = tpu.memref_slice %arg9[%arg0, %add3A_69, %dma_start3A_86] : memref<2x10112x128xf32, #tpu.memory_space<hbm>> -> memref<1x128x128xf32, #tpu.memory_space<hbm>>
      %dma_start3A_88 = tpu.memref_squeeze %dma_start3A_87 : memref<1x128x128xf32, #tpu.memory_space<hbm>> -> memref<128x128xf32, #tpu.memory_space<hbm>>
      %dma_start3A_89 = arith.constant 0 : i32
      %dma_start3A_90 = tpu.memref_slice %arg9[%arg0, %add3A_69, %dma_start3A_89] : memref<2x10112x128xf32, #tpu.memory_space<hbm>> -> memref<1x128x128xf32, #tpu.memory_space<hbm>>
      %dma_start3A_91 = tpu.memref_squeeze %dma_start3A_90 : memref<1x128x128xf32, #tpu.memory_space<hbm>> -> memref<128x128xf32, #tpu.memory_space<hbm>>
      %dma_start3A_92 = arith.constant 0 : i32
      %dma_start3A_93 = arith.constant 0 : i32
      %dma_start3A_94 = tpu.memref_slice %arg11[%dma_start3A_92, %dma_start3A_93] : memref<128x128xf32, #tpu.memory_space<vmem>> -> memref<128x128xf32, #tpu.memory_space<vmem>>
      tpu.enqueue_dma source(%dma_start3A_94 : memref<128x128xf32, #tpu.memory_space<vmem>>) target(%dma_start3A_91 : memref<128x128xf32, #tpu.memory_space<hbm>>) target_semaphore(%run_scoped3A_82 : memref<!tpu.dma_semaphore, #tpu.memory_space<semaphore_mem>>)
      %dma_wait3A = arith.constant 0 : i32
      %dma_wait3A_95 = arith.constant 0 : i32
      %dma_wait3A_96 = tpu.memref_slice %arg11[%dma_wait3A, %dma_wait3A_95] : memref<128x128xf32, #tpu.memory_space<vmem>> -> memref<128x128xf32, #tpu.memory_space<vmem>>
      %dma_wait3A_97 = arith.constant 0 : i32
      %dma_wait3A_98 = tpu.memref_slice %arg9[%arg0, %add3A_69, %dma_wait3A_97] : memref<2x10112x128xf32, #tpu.memory_space<hbm>> -> memref<1x128x128xf32, #tpu.memory_space<hbm>>
      %dma_wait3A_99 = tpu.memref_squeeze %dma_wait3A_98 : memref<1x128x128xf32, #tpu.memory_space<hbm>> -> memref<128x128xf32, #tpu.memory_space<hbm>>
      %dma_wait3A_100 = arith.constant 0 : i32
      %dma_wait3A_101 = tpu.memref_slice %arg9[%arg0, %add3A_69, %dma_wait3A_100] : memref<2x10112x128xf32, #tpu.memory_space<hbm>> -> memref<1x128x128xf32, #tpu.memory_space<hbm>>
      %dma_wait3A_102 = tpu.memref_squeeze %dma_wait3A_101 : memref<1x128x128xf32, #tpu.memory_space<hbm>> -> memref<128x128xf32, #tpu.memory_space<hbm>>
      %dma_wait3A_103 = arith.constant 0 : i32
      %dma_wait3A_104 = arith.constant 0 : i32
      %dma_wait3A_105 = tpu.memref_slice %arg11[%dma_wait3A_103, %dma_wait3A_104] : memref<128x128xf32, #tpu.memory_space<vmem>> -> memref<128x128xf32, #tpu.memory_space<vmem>>
      tpu.wait_dma2 semaphore(%run_scoped3A_82 : memref<!tpu.dma_semaphore, #tpu.memory_space<semaphore_mem>>) src(%dma_wait3A_105 : memref<128x128xf32, #tpu.memory_space<vmem>>) dst(%dma_wait3A_102 : memref<128x128xf32, #tpu.memory_space<hbm>>)
      tpu.yield
    }) : () -> ()
    %add3A_70 = arith.constant 384 : i32
    %add3A_71 = arith.addi %mul3A_2, %add3A_70 : i32
    "tpu.region"() ({
      %run_scoped3A_82 = tpu.sem_alloc : memref<!tpu.dma_semaphore, #tpu.memory_space<semaphore_mem>>
      %dma_start3A_83 = arith.constant 0 : i32
      %dma_start3A_84 = arith.constant 0 : i32
      %dma_start3A_85 = tpu.memref_slice %arg16[%dma_start3A_83, %dma_start3A_84] : memref<128x16xf32, #tpu.memory_space<vmem>> -> memref<128x16xf32, #tpu.memory_space<vmem>>
      %dma_start3A_86 = arith.constant 0 : i32
      %dma_start3A_87 = tpu.memref_slice %arg25[%add3A_71, %dma_start3A_86] : memref<10112x16xf32, #tpu.memory_space<vmem_shared>> -> memref<128x16xf32, #tpu.memory_space<vmem_shared>>
      %dma_start3A_88 = arith.constant 0 : i32
      %dma_start3A_89 = arith.constant 0 : i32
      %dma_start3A_90 = tpu.memref_slice %arg16[%dma_start3A_88, %dma_start3A_89] : memref<128x16xf32, #tpu.memory_space<vmem>> -> memref<128x16xf32, #tpu.memory_space<vmem>>
      %dma_start3A_91 = arith.constant 0 : i32
      %dma_start3A_92 = tpu.memref_slice %arg25[%add3A_71, %dma_start3A_91] : memref<10112x16xf32, #tpu.memory_space<vmem_shared>> -> memref<128x16xf32, #tpu.memory_space<vmem_shared>>
      tpu.enqueue_dma source(%dma_start3A_92 : memref<128x16xf32, #tpu.memory_space<vmem_shared>>) target(%dma_start3A_90 : memref<128x16xf32, #tpu.memory_space<vmem>>) target_semaphore(%run_scoped3A_82 : memref<!tpu.dma_semaphore, #tpu.memory_space<semaphore_mem>>)
      %dma_wait3A = arith.constant 0 : i32
      %dma_wait3A_93 = arith.constant 0 : i32
      %dma_wait3A_94 = tpu.memref_slice %arg16[%dma_wait3A, %dma_wait3A_93] : memref<128x16xf32, #tpu.memory_space<vmem>> -> memref<128x16xf32, #tpu.memory_space<vmem>>
      %dma_wait3A_95 = arith.constant 0 : i32
      %dma_wait3A_96 = tpu.memref_slice %arg25[%add3A_71, %dma_wait3A_95] : memref<10112x16xf32, #tpu.memory_space<vmem_shared>> -> memref<128x16xf32, #tpu.memory_space<vmem_shared>>
      %dma_wait3A_97 = arith.constant 0 : i32
      %dma_wait3A_98 = arith.constant 0 : i32
      %dma_wait3A_99 = tpu.memref_slice %arg16[%dma_wait3A_97, %dma_wait3A_98] : memref<128x16xf32, #tpu.memory_space<vmem>> -> memref<128x16xf32, #tpu.memory_space<vmem>>
      %dma_wait3A_100 = arith.constant 0 : i32
      %dma_wait3A_101 = tpu.memref_slice %arg25[%add3A_71, %dma_wait3A_100] : memref<10112x16xf32, #tpu.memory_space<vmem_shared>> -> memref<128x16xf32, #tpu.memory_space<vmem_shared>>
      tpu.wait_dma2 semaphore(%run_scoped3A_82 : memref<!tpu.dma_semaphore, #tpu.memory_space<semaphore_mem>>) src(%dma_wait3A_101 : memref<128x16xf32, #tpu.memory_space<vmem_shared>>) dst(%dma_wait3A_99 : memref<128x16xf32, #tpu.memory_space<vmem>>)
      tpu.yield
    }) : () -> ()
    %add3A_72 = arith.constant 384 : i32
    %add3A_73 = arith.addi %mul3A_2, %add3A_72 : i32
    "tpu.region"() ({
      %run_scoped3A_82 = tpu.sem_alloc : memref<!tpu.dma_semaphore, #tpu.memory_space<semaphore_mem>>
      %dma_start3A_83 = arith.constant 0 : i32
      %dma_start3A_84 = arith.constant 0 : i32
      %dma_start3A_85 = tpu.memref_slice %arg16[%dma_start3A_83, %dma_start3A_84] : memref<128x16xf32, #tpu.memory_space<vmem>> -> memref<128x16xf32, #tpu.memory_space<vmem>>
      %dma_start3A_86 = arith.constant 0 : i32
      %dma_start3A_87 = tpu.memref_slice %arg10[%arg0, %add3A_73, %dma_start3A_86] : memref<2x10112x16xf32, #tpu.memory_space<hbm>> -> memref<1x128x16xf32, #tpu.memory_space<hbm>>
      %dma_start3A_88 = tpu.memref_squeeze %dma_start3A_87 : memref<1x128x16xf32, #tpu.memory_space<hbm>> -> memref<128x16xf32, #tpu.memory_space<hbm>>
      %dma_start3A_89 = arith.constant 0 : i32
      %dma_start3A_90 = tpu.memref_slice %arg10[%arg0, %add3A_73, %dma_start3A_89] : memref<2x10112x16xf32, #tpu.memory_space<hbm>> -> memref<1x128x16xf32, #tpu.memory_space<hbm>>
      %dma_start3A_91 = tpu.memref_squeeze %dma_start3A_90 : memref<1x128x16xf32, #tpu.memory_space<hbm>> -> memref<128x16xf32, #tpu.memory_space<hbm>>
      %dma_start3A_92 = arith.constant 0 : i32
      %dma_start3A_93 = arith.constant 0 : i32
      %dma_start3A_94 = tpu.memref_slice %arg16[%dma_start3A_92, %dma_start3A_93] : memref<128x16xf32, #tpu.memory_space<vmem>> -> memref<128x16xf32, #tpu.memory_space<vmem>>
      tpu.enqueue_dma source(%dma_start3A_94 : memref<128x16xf32, #tpu.memory_space<vmem>>) target(%dma_start3A_91 : memref<128x16xf32, #tpu.memory_space<hbm>>) target_semaphore(%run_scoped3A_82 : memref<!tpu.dma_semaphore, #tpu.memory_space<semaphore_mem>>)
      %dma_wait3A = arith.constant 0 : i32
      %dma_wait3A_95 = arith.constant 0 : i32
      %dma_wait3A_96 = tpu.memref_slice %arg16[%dma_wait3A, %dma_wait3A_95] : memref<128x16xf32, #tpu.memory_space<vmem>> -> memref<128x16xf32, #tpu.memory_space<vmem>>
      %dma_wait3A_97 = arith.constant 0 : i32
      %dma_wait3A_98 = tpu.memref_slice %arg10[%arg0, %add3A_73, %dma_wait3A_97] : memref<2x10112x16xf32, #tpu.memory_space<hbm>> -> memref<1x128x16xf32, #tpu.memory_space<hbm>>
      %dma_wait3A_99 = tpu.memref_squeeze %dma_wait3A_98 : memref<1x128x16xf32, #tpu.memory_space<hbm>> -> memref<128x16xf32, #tpu.memory_space<hbm>>
      %dma_wait3A_100 = arith.constant 0 : i32
      %dma_wait3A_101 = tpu.memref_slice %arg10[%arg0, %add3A_73, %dma_wait3A_100] : memref<2x10112x16xf32, #tpu.memory_space<hbm>> -> memref<1x128x16xf32, #tpu.memory_space<hbm>>
      %dma_wait3A_102 = tpu.memref_squeeze %dma_wait3A_101 : memref<1x128x16xf32, #tpu.memory_space<hbm>> -> memref<128x16xf32, #tpu.memory_space<hbm>>
      %dma_wait3A_103 = arith.constant 0 : i32
      %dma_wait3A_104 = arith.constant 0 : i32
      %dma_wait3A_105 = tpu.memref_slice %arg16[%dma_wait3A_103, %dma_wait3A_104] : memref<128x16xf32, #tpu.memory_space<vmem>> -> memref<128x16xf32, #tpu.memory_space<vmem>>
      tpu.wait_dma2 semaphore(%run_scoped3A_82 : memref<!tpu.dma_semaphore, #tpu.memory_space<semaphore_mem>>) src(%dma_wait3A_105 : memref<128x16xf32, #tpu.memory_space<vmem>>) dst(%dma_wait3A_102 : memref<128x16xf32, #tpu.memory_space<hbm>>)
      tpu.yield
    }) : () -> ()
    %add3A_74 = arith.constant 512 : i32
    %add3A_75 = arith.addi %mul3A_2, %add3A_74 : i32
    "tpu.region"() ({
      %run_scoped3A_82 = tpu.sem_alloc : memref<!tpu.dma_semaphore, #tpu.memory_space<semaphore_mem>>
      %dma_start3A_83 = arith.constant 0 : i32
      %dma_start3A_84 = arith.constant 0 : i32
      %dma_start3A_85 = tpu.memref_slice %arg11[%dma_start3A_83, %dma_start3A_84] : memref<128x128xf32, #tpu.memory_space<vmem>> -> memref<120x128xf32, #tpu.memory_space<vmem>>
      %dma_start3A_86 = arith.constant 0 : i32
      %dma_start3A_87 = tpu.memref_slice %arg24[%add3A_75, %dma_start3A_86] : memref<10112x128xf32, #tpu.memory_space<vmem_shared>> -> memref<120x128xf32, #tpu.memory_space<vmem_shared>>
      %dma_start3A_88 = arith.constant 0 : i32
      %dma_start3A_89 = arith.constant 0 : i32
      %dma_start3A_90 = tpu.memref_slice %arg11[%dma_start3A_88, %dma_start3A_89] : memref<128x128xf32, #tpu.memory_space<vmem>> -> memref<120x128xf32, #tpu.memory_space<vmem>>
      %dma_start3A_91 = arith.constant 0 : i32
      %dma_start3A_92 = tpu.memref_slice %arg24[%add3A_75, %dma_start3A_91] : memref<10112x128xf32, #tpu.memory_space<vmem_shared>> -> memref<120x128xf32, #tpu.memory_space<vmem_shared>>
      tpu.enqueue_dma source(%dma_start3A_92 : memref<120x128xf32, #tpu.memory_space<vmem_shared>>) target(%dma_start3A_90 : memref<120x128xf32, #tpu.memory_space<vmem>>) target_semaphore(%run_scoped3A_82 : memref<!tpu.dma_semaphore, #tpu.memory_space<semaphore_mem>>)
      %dma_wait3A = arith.constant 0 : i32
      %dma_wait3A_93 = arith.constant 0 : i32
      %dma_wait3A_94 = tpu.memref_slice %arg11[%dma_wait3A, %dma_wait3A_93] : memref<128x128xf32, #tpu.memory_space<vmem>> -> memref<120x128xf32, #tpu.memory_space<vmem>>
      %dma_wait3A_95 = arith.constant 0 : i32
      %dma_wait3A_96 = tpu.memref_slice %arg24[%add3A_75, %dma_wait3A_95] : memref<10112x128xf32, #tpu.memory_space<vmem_shared>> -> memref<120x128xf32, #tpu.memory_space<vmem_shared>>
      %dma_wait3A_97 = arith.constant 0 : i32
      %dma_wait3A_98 = arith.constant 0 : i32
      %dma_wait3A_99 = tpu.memref_slice %arg11[%dma_wait3A_97, %dma_wait3A_98] : memref<128x128xf32, #tpu.memory_space<vmem>> -> memref<120x128xf32, #tpu.memory_space<vmem>>
      %dma_wait3A_100 = arith.constant 0 : i32
      %dma_wait3A_101 = tpu.memref_slice %arg24[%add3A_75, %dma_wait3A_100] : memref<10112x128xf32, #tpu.memory_space<vmem_shared>> -> memref<120x128xf32, #tpu.memory_space<vmem_shared>>
      tpu.wait_dma2 semaphore(%run_scoped3A_82 : memref<!tpu.dma_semaphore, #tpu.memory_space<semaphore_mem>>) src(%dma_wait3A_101 : memref<120x128xf32, #tpu.memory_space<vmem_shared>>) dst(%dma_wait3A_99 : memref<120x128xf32, #tpu.memory_space<vmem>>)
      tpu.yield
    }) : () -> ()
    %add3A_76 = arith.constant 512 : i32
    %add3A_77 = arith.addi %mul3A_2, %add3A_76 : i32
    "tpu.region"() ({
      %run_scoped3A_82 = tpu.sem_alloc : memref<!tpu.dma_semaphore, #tpu.memory_space<semaphore_mem>>
      %dma_start3A_83 = arith.constant 0 : i32
      %dma_start3A_84 = arith.constant 0 : i32
      %dma_start3A_85 = tpu.memref_slice %arg11[%dma_start3A_83, %dma_start3A_84] : memref<128x128xf32, #tpu.memory_space<vmem>> -> memref<120x128xf32, #tpu.memory_space<vmem>>
      %dma_start3A_86 = arith.constant 0 : i32
      %dma_start3A_87 = tpu.memref_slice %arg9[%arg0, %add3A_77, %dma_start3A_86] : memref<2x10112x128xf32, #tpu.memory_space<hbm>> -> memref<1x120x128xf32, #tpu.memory_space<hbm>>
      %dma_start3A_88 = tpu.memref_squeeze %dma_start3A_87 : memref<1x120x128xf32, #tpu.memory_space<hbm>> -> memref<120x128xf32, #tpu.memory_space<hbm>>
      %dma_start3A_89 = arith.constant 0 : i32
      %dma_start3A_90 = tpu.memref_slice %arg9[%arg0, %add3A_77, %dma_start3A_89] : memref<2x10112x128xf32, #tpu.memory_space<hbm>> -> memref<1x120x128xf32, #tpu.memory_space<hbm>>
      %dma_start3A_91 = tpu.memref_squeeze %dma_start3A_90 : memref<1x120x128xf32, #tpu.memory_space<hbm>> -> memref<120x128xf32, #tpu.memory_space<hbm>>
      %dma_start3A_92 = arith.constant 0 : i32
      %dma_start3A_93 = arith.constant 0 : i32
      %dma_start3A_94 = tpu.memref_slice %arg11[%dma_start3A_92, %dma_start3A_93] : memref<128x128xf32, #tpu.memory_space<vmem>> -> memref<120x128xf32, #tpu.memory_space<vmem>>
      tpu.enqueue_dma source(%dma_start3A_94 : memref<120x128xf32, #tpu.memory_space<vmem>>) target(%dma_start3A_91 : memref<120x128xf32, #tpu.memory_space<hbm>>) target_semaphore(%run_scoped3A_82 : memref<!tpu.dma_semaphore, #tpu.memory_space<semaphore_mem>>)
      %dma_wait3A = arith.constant 0 : i32
      %dma_wait3A_95 = arith.constant 0 : i32
      %dma_wait3A_96 = tpu.memref_slice %arg11[%dma_wait3A, %dma_wait3A_95] : memref<128x128xf32, #tpu.memory_space<vmem>> -> memref<120x128xf32, #tpu.memory_space<vmem>>
      %dma_wait3A_97 = arith.constant 0 : i32
      %dma_wait3A_98 = tpu.memref_slice %arg9[%arg0, %add3A_77, %dma_wait3A_97] : memref<2x10112x128xf32, #tpu.memory_space<hbm>> -> memref<1x120x128xf32, #tpu.memory_space<hbm>>
      %dma_wait3A_99 = tpu.memref_squeeze %dma_wait3A_98 : memref<1x120x128xf32, #tpu.memory_space<hbm>> -> memref<120x128xf32, #tpu.memory_space<hbm>>
      %dma_wait3A_100 = arith.constant 0 : i32
      %dma_wait3A_101 = tpu.memref_slice %arg9[%arg0, %add3A_77, %dma_wait3A_100] : memref<2x10112x128xf32, #tpu.memory_space<hbm>> -> memref<1x120x128xf32, #tpu.memory_space<hbm>>
      %dma_wait3A_102 = tpu.memref_squeeze %dma_wait3A_101 : memref<1x120x128xf32, #tpu.memory_space<hbm>> -> memref<120x128xf32, #tpu.memory_space<hbm>>
      %dma_wait3A_103 = arith.constant 0 : i32
      %dma_wait3A_104 = arith.constant 0 : i32
      %dma_wait3A_105 = tpu.memref_slice %arg11[%dma_wait3A_103, %dma_wait3A_104] : memref<128x128xf32, #tpu.memory_space<vmem>> -> memref<120x128xf32, #tpu.memory_space<vmem>>
      tpu.wait_dma2 semaphore(%run_scoped3A_82 : memref<!tpu.dma_semaphore, #tpu.memory_space<semaphore_mem>>) src(%dma_wait3A_105 : memref<120x128xf32, #tpu.memory_space<vmem>>) dst(%dma_wait3A_102 : memref<120x128xf32, #tpu.memory_space<hbm>>)
      tpu.yield
    }) : () -> ()
    %add3A_78 = arith.constant 512 : i32
    %add3A_79 = arith.addi %mul3A_2, %add3A_78 : i32
    "tpu.region"() ({
      %run_scoped3A_82 = tpu.sem_alloc : memref<!tpu.dma_semaphore, #tpu.memory_space<semaphore_mem>>
      %dma_start3A_83 = arith.constant 0 : i32
      %dma_start3A_84 = arith.constant 0 : i32
      %dma_start3A_85 = tpu.memref_slice %arg16[%dma_start3A_83, %dma_start3A_84] : memref<128x16xf32, #tpu.memory_space<vmem>> -> memref<120x16xf32, #tpu.memory_space<vmem>>
      %dma_start3A_86 = arith.constant 0 : i32
      %dma_start3A_87 = tpu.memref_slice %arg25[%add3A_79, %dma_start3A_86] : memref<10112x16xf32, #tpu.memory_space<vmem_shared>> -> memref<120x16xf32, #tpu.memory_space<vmem_shared>>
      %dma_start3A_88 = arith.constant 0 : i32
      %dma_start3A_89 = arith.constant 0 : i32
      %dma_start3A_90 = tpu.memref_slice %arg16[%dma_start3A_88, %dma_start3A_89] : memref<128x16xf32, #tpu.memory_space<vmem>> -> memref<120x16xf32, #tpu.memory_space<vmem>>
      %dma_start3A_91 = arith.constant 0 : i32
      %dma_start3A_92 = tpu.memref_slice %arg25[%add3A_79, %dma_start3A_91] : memref<10112x16xf32, #tpu.memory_space<vmem_shared>> -> memref<120x16xf32, #tpu.memory_space<vmem_shared>>
      tpu.enqueue_dma source(%dma_start3A_92 : memref<120x16xf32, #tpu.memory_space<vmem_shared>>) target(%dma_start3A_90 : memref<120x16xf32, #tpu.memory_space<vmem>>) target_semaphore(%run_scoped3A_82 : memref<!tpu.dma_semaphore, #tpu.memory_space<semaphore_mem>>)
      %dma_wait3A = arith.constant 0 : i32
      %dma_wait3A_93 = arith.constant 0 : i32
      %dma_wait3A_94 = tpu.memref_slice %arg16[%dma_wait3A, %dma_wait3A_93] : memref<128x16xf32, #tpu.memory_space<vmem>> -> memref<120x16xf32, #tpu.memory_space<vmem>>
      %dma_wait3A_95 = arith.constant 0 : i32
      %dma_wait3A_96 = tpu.memref_slice %arg25[%add3A_79, %dma_wait3A_95] : memref<10112x16xf32, #tpu.memory_space<vmem_shared>> -> memref<120x16xf32, #tpu.memory_space<vmem_shared>>
      %dma_wait3A_97 = arith.constant 0 : i32
      %dma_wait3A_98 = arith.constant 0 : i32
      %dma_wait3A_99 = tpu.memref_slice %arg16[%dma_wait3A_97, %dma_wait3A_98] : memref<128x16xf32, #tpu.memory_space<vmem>> -> memref<120x16xf32, #tpu.memory_space<vmem>>
      %dma_wait3A_100 = arith.constant 0 : i32
      %dma_wait3A_101 = tpu.memref_slice %arg25[%add3A_79, %dma_wait3A_100] : memref<10112x16xf32, #tpu.memory_space<vmem_shared>> -> memref<120x16xf32, #tpu.memory_space<vmem_shared>>
      tpu.wait_dma2 semaphore(%run_scoped3A_82 : memref<!tpu.dma_semaphore, #tpu.memory_space<semaphore_mem>>) src(%dma_wait3A_101 : memref<120x16xf32, #tpu.memory_space<vmem_shared>>) dst(%dma_wait3A_99 : memref<120x16xf32, #tpu.memory_space<vmem>>)
      tpu.yield
    }) : () -> ()
    %add3A_80 = arith.constant 512 : i32
    %add3A_81 = arith.addi %mul3A_2, %add3A_80 : i32
    "tpu.region"() ({
      %run_scoped3A_82 = tpu.sem_alloc : memref<!tpu.dma_semaphore, #tpu.memory_space<semaphore_mem>>
      %dma_start3A_83 = arith.constant 0 : i32
      %dma_start3A_84 = arith.constant 0 : i32
      %dma_start3A_85 = tpu.memref_slice %arg16[%dma_start3A_83, %dma_start3A_84] : memref<128x16xf32, #tpu.memory_space<vmem>> -> memref<120x16xf32, #tpu.memory_space<vmem>>
      %dma_start3A_86 = arith.constant 0 : i32
      %dma_start3A_87 = tpu.memref_slice %arg10[%arg0, %add3A_81, %dma_start3A_86] : memref<2x10112x16xf32, #tpu.memory_space<hbm>> -> memref<1x120x16xf32, #tpu.memory_space<hbm>>
      %dma_start3A_88 = tpu.memref_squeeze %dma_start3A_87 : memref<1x120x16xf32, #tpu.memory_space<hbm>> -> memref<120x16xf32, #tpu.memory_space<hbm>>
      %dma_start3A_89 = arith.constant 0 : i32
      %dma_start3A_90 = tpu.memref_slice %arg10[%arg0, %add3A_81, %dma_start3A_89] : memref<2x10112x16xf32, #tpu.memory_space<hbm>> -> memref<1x120x16xf32, #tpu.memory_space<hbm>>
      %dma_start3A_91 = tpu.memref_squeeze %dma_start3A_90 : memref<1x120x16xf32, #tpu.memory_space<hbm>> -> memref<120x16xf32, #tpu.memory_space<hbm>>
      %dma_start3A_92 = arith.constant 0 : i32
      %dma_start3A_93 = arith.constant 0 : i32
      %dma_start3A_94 = tpu.memref_slice %arg16[%dma_start3A_92, %dma_start3A_93] : memref<128x16xf32, #tpu.memory_space<vmem>> -> memref<120x16xf32, #tpu.memory_space<vmem>>
      tpu.enqueue_dma source(%dma_start3A_94 : memref<120x16xf32, #tpu.memory_space<vmem>>) target(%dma_start3A_91 : memref<120x16xf32, #tpu.memory_space<hbm>>) target_semaphore(%run_scoped3A_82 : memref<!tpu.dma_semaphore, #tpu.memory_space<semaphore_mem>>)
      %dma_wait3A = arith.constant 0 : i32
      %dma_wait3A_95 = arith.constant 0 : i32
      %dma_wait3A_96 = tpu.memref_slice %arg16[%dma_wait3A, %dma_wait3A_95] : memref<128x16xf32, #tpu.memory_space<vmem>> -> memref<120x16xf32, #tpu.memory_space<vmem>>
      %dma_wait3A_97 = arith.constant 0 : i32
      %dma_wait3A_98 = tpu.memref_slice %arg10[%arg0, %add3A_81, %dma_wait3A_97] : memref<2x10112x16xf32, #tpu.memory_space<hbm>> -> memref<1x120x16xf32, #tpu.memory_space<hbm>>
      %dma_wait3A_99 = tpu.memref_squeeze %dma_wait3A_98 : memref<1x120x16xf32, #tpu.memory_space<hbm>> -> memref<120x16xf32, #tpu.memory_space<hbm>>
      %dma_wait3A_100 = arith.constant 0 : i32
      %dma_wait3A_101 = tpu.memref_slice %arg10[%arg0, %add3A_81, %dma_wait3A_100] : memref<2x10112x16xf32, #tpu.memory_space<hbm>> -> memref<1x120x16xf32, #tpu.memory_space<hbm>>
      %dma_wait3A_102 = tpu.memref_squeeze %dma_wait3A_101 : memref<1x120x16xf32, #tpu.memory_space<hbm>> -> memref<120x16xf32, #tpu.memory_space<hbm>>
      %dma_wait3A_103 = arith.constant 0 : i32
      %dma_wait3A_104 = arith.constant 0 : i32
      %dma_wait3A_105 = tpu.memref_slice %arg16[%dma_wait3A_103, %dma_wait3A_104] : memref<128x16xf32, #tpu.memory_space<vmem>> -> memref<120x16xf32, #tpu.memory_space<vmem>>
      tpu.wait_dma2 semaphore(%run_scoped3A_82 : memref<!tpu.dma_semaphore, #tpu.memory_space<semaphore_mem>>) src(%dma_wait3A_105 : memref<120x16xf32, #tpu.memory_space<vmem>>) dst(%dma_wait3A_102 : memref<120x16xf32, #tpu.memory_space<hbm>>)
      tpu.yield
    }) : () -> ()
    return
  }
}

module attributes {stable_mosaic.version = 14 : i64} {
  func.func @_prep_body(%arg0: i32, %arg1: memref<1000x128xf32, #tpu.memory_space<vmem>>, %arg2: memref<128x128xf32, #tpu.memory_space<vmem>>, %arg3: memref<128x16xf32, #tpu.memory_space<vmem>>, %arg4: memref<128x16xf32, #tpu.memory_space<vmem>>, %arg5: memref<1000x128xf32, #tpu.memory_space<vmem>>, %arg6: memref<1000x16xf32, #tpu.memory_space<vmem>>, %arg7: memref<1000x16xf32, #tpu.memory_space<vmem>>) attributes {dimension_semantics = [#tpu.dimension_semantics<arbitrary>], iteration_bounds = array<i64: 10>, scalar_prefetch = 0 : i64, scratch_operands = 0 : i64, tpu.core_type = #tpu.core_type<tc>, window_params = [{transform_indices = @transform_0, window_bounds = array<i64: 1000, 128>}, {pipeline_mode = #tpu.pipeline_mode<synchronous>, transform_indices = @transform_1, window_bounds = array<i64: 128, 128>}, {pipeline_mode = #tpu.pipeline_mode<synchronous>, transform_indices = @transform_2, window_bounds = array<i64: 128, 16>}, {pipeline_mode = #tpu.pipeline_mode<synchronous>, transform_indices = @transform_3, window_bounds = array<i64: 128, 16>}, {transform_indices = @transform_4, window_bounds = array<i64: 1000, 128>}, {transform_indices = @transform_5, window_bounds = array<i64: 1000, 16>}, {transform_indices = @transform_6, window_bounds = array<i64: 1000, 16>}]} {
    %get3A = arith.constant 0 : index
    %get3A_0 = arith.constant 0 : index
    %get3A_1 = vector.load %arg1[%get3A, %get3A_0] : memref<1000x128xf32, #tpu.memory_space<vmem>>, vector<1000x128xf32>
    %get3A_2 = arith.constant 0 : index
    %get3A_3 = arith.constant 0 : index
    %get3A_4 = vector.load %arg2[%get3A_2, %get3A_3] : memref<128x128xf32, #tpu.memory_space<vmem>>, vector<128x128xf32>
    %dot_general3A = arith.constant dense<0.000000e+00> : vector<1000x128xf32>
    %dot_general3A_5 = tpu.matmul %get3A_1, %get3A_4, %dot_general3A {dimension_numbers = #tpu.dot_dimension_numbers<[1], [0], [0], [1], [0, 0, 1, 1], [], []>, transpose_lhs_hint = false} : vector<1000x128xf32>, vector<128x128xf32>, vector<1000x128xf32> -> vector<1000x128xf32>
    %swap3A = arith.constant 0 : index
    %swap3A_6 = arith.constant 0 : index
    %swap3A_7 = vector.load %arg5[%swap3A, %swap3A_6] : memref<1000x128xf32, #tpu.memory_space<vmem>>, vector<1000x128xf32>
    tpu.vector_store %arg5[%swap3A, %swap3A_6], %dot_general3A_5 {strides = array<i32>} : memref<1000x128xf32, #tpu.memory_space<vmem>>, vector<1000x128xf32>,
    %get3A_8 = arith.constant 0 : index
    %get3A_9 = arith.constant 0 : index
    %get3A_10 = vector.load %arg3[%get3A_8, %get3A_9] : memref<128x16xf32, #tpu.memory_space<vmem>>, vector<128x16xf32>
    %dot_general3A_11 = arith.constant dense<0.000000e+00> : vector<1000x16xf32>
    %dot_general3A_12 = tpu.matmul %dot_general3A_5, %get3A_10, %dot_general3A_11 {dimension_numbers = #tpu.dot_dimension_numbers<[1], [0], [0], [1], [0, 0, 1, 1], [], []>, transpose_lhs_hint = false} : vector<1000x128xf32>, vector<128x16xf32>, vector<1000x16xf32> -> vector<1000x16xf32>
    %swap3A_13 = arith.constant 0 : index
    %swap3A_14 = arith.constant 0 : index
    %swap3A_15 = vector.load %arg6[%swap3A_13, %swap3A_14] : memref<1000x16xf32, #tpu.memory_space<vmem>>, vector<1000x16xf32>
    tpu.vector_store %arg6[%swap3A_13, %swap3A_14], %dot_general3A_12 {strides = array<i32>} : memref<1000x16xf32, #tpu.memory_space<vmem>>, vector<1000x16xf32>,
    %get3A_16 = arith.constant 0 : index
    %get3A_17 = arith.constant 0 : index
    %get3A_18 = vector.load %arg4[%get3A_16, %get3A_17] : memref<128x16xf32, #tpu.memory_space<vmem>>, vector<128x16xf32>
    %dot_general3A_19 = arith.constant dense<0.000000e+00> : vector<1000x16xf32>
    %dot_general3A_20 = tpu.matmul %dot_general3A_5, %get3A_18, %dot_general3A_19 {dimension_numbers = #tpu.dot_dimension_numbers<[1], [0], [0], [1], [0, 0, 1, 1], [], []>, transpose_lhs_hint = false} : vector<1000x128xf32>, vector<128x16xf32>, vector<1000x16xf32> -> vector<1000x16xf32>
    %swap3A_21 = arith.constant 0 : index
    %swap3A_22 = arith.constant 0 : index
    %swap3A_23 = vector.load %arg7[%swap3A_21, %swap3A_22] : memref<1000x16xf32, #tpu.memory_space<vmem>>, vector<1000x16xf32>
    tpu.vector_store %arg7[%swap3A_21, %swap3A_22], %dot_general3A_20 {strides = array<i32>} : memref<1000x16xf32, #tpu.memory_space<vmem>>, vector<1000x16xf32>,
    return
  }
  func.func @transform_0(%arg0: i32) -> (i32, i32) {
    %c0_i32 = arith.constant 0 : i32
    %c0_i32_0 = arith.constant 0 : i32
    return %arg0, %c0_i32 : i32, i32
  }
  func.func @transform_1(%arg0: i32) -> (i32, i32) {
    %c0_i32 = arith.constant 0 : i32
    %c0_i32_0 = arith.constant 0 : i32
    %c0_i32_1 = arith.constant 0 : i32
    return %c0_i32, %c0_i32_0 : i32, i32
  }
  func.func @transform_2(%arg0: i32) -> (i32, i32) {
    %c0_i32 = arith.constant 0 : i32
    %c0_i32_0 = arith.constant 0 : i32
    %c0_i32_1 = arith.constant 0 : i32
    return %c0_i32, %c0_i32_0 : i32, i32
  }
  func.func @transform_3(%arg0: i32) -> (i32, i32) {
    %c0_i32 = arith.constant 0 : i32
    %c0_i32_0 = arith.constant 0 : i32
    %c0_i32_1 = arith.constant 0 : i32
    return %c0_i32, %c0_i32_0 : i32, i32
  }
  func.func @transform_4(%arg0: i32) -> (i32, i32) {
    %c0_i32 = arith.constant 0 : i32
    %c0_i32_0 = arith.constant 0 : i32
    return %arg0, %c0_i32 : i32, i32
  }
  func.func @transform_5(%arg0: i32) -> (i32, i32) {
    %c0_i32 = arith.constant 0 : i32
    %c0_i32_0 = arith.constant 0 : i32
    return %arg0, %c0_i32 : i32, i32
  }
  func.func @transform_6(%arg0: i32) -> (i32, i32) {
    %c0_i32 = arith.constant 0 : i32
    %c0_i32_0 = arith.constant 0 : i32
    return %arg0, %c0_i32 : i32, i32
  }
}

module attributes {stable_mosaic.version = 14 : i64} {
  func.func @_finish_body(%arg0: i32, %arg1: memref<2x1264x128xf32, #tpu.memory_space<vmem>>, %arg2: memref<2x1264x16xf32, #tpu.memory_space<vmem>>, %arg3: memref<16x128xf32, #tpu.memory_space<vmem>>, %arg4: memref<1264x128xf32, #tpu.memory_space<vmem>>) attributes {dimension_semantics = [#tpu.dimension_semantics<arbitrary>], iteration_bounds = array<i64: 8>, scalar_prefetch = 0 : i64, scratch_operands = 0 : i64, tpu.core_type = #tpu.core_type<tc>, window_params = [{transform_indices = @transform_0, window_bounds = array<i64: 2, 1264, 128>}, {transform_indices = @transform_1, window_bounds = array<i64: 2, 1264, 16>}, {pipeline_mode = #tpu.pipeline_mode<synchronous>, transform_indices = @transform_2, window_bounds = array<i64: 16, 128>}, {transform_indices = @transform_3, window_bounds = array<i64: 1264, 128>}]} {
    %get3A = arith.constant 0 : index
    %get3A_0 = arith.constant 0 : index
    %get3A_1 = arith.constant 0 : index
    %get3A_2 = vector.load %arg1[%get3A, %get3A_0, %get3A_1] : memref<2x1264x128xf32, #tpu.memory_space<vmem>>, vector<1x1264x128xf32>
    %get3A_3 = vector.shape_cast %get3A_2 : vector<1x1264x128xf32> to vector<1264x128xf32>
    %get3A_4 = arith.constant 1 : index
    %get3A_5 = arith.constant 0 : index
    %get3A_6 = arith.constant 0 : index
    %get3A_7 = vector.load %arg1[%get3A_4, %get3A_5, %get3A_6] : memref<2x1264x128xf32, #tpu.memory_space<vmem>>, vector<1x1264x128xf32>
    %get3A_8 = vector.shape_cast %get3A_7 : vector<1x1264x128xf32> to vector<1264x128xf32>
    %add3A = arith.addf %get3A_3, %get3A_8 : vector<1264x128xf32>
    %get3A_9 = arith.constant 0 : index
    %get3A_10 = arith.constant 0 : index
    %get3A_11 = arith.constant 0 : index
    %get3A_12 = vector.load %arg2[%get3A_9, %get3A_10, %get3A_11] : memref<2x1264x16xf32, #tpu.memory_space<vmem>>, vector<1x1264x16xf32>
    %get3A_13 = vector.shape_cast %get3A_12 : vector<1x1264x16xf32> to vector<1264x16xf32>
    %get3A_14 = arith.constant 1 : index
    %get3A_15 = arith.constant 0 : index
    %get3A_16 = arith.constant 0 : index
    %get3A_17 = vector.load %arg2[%get3A_14, %get3A_15, %get3A_16] : memref<2x1264x16xf32, #tpu.memory_space<vmem>>, vector<1x1264x16xf32>
    %get3A_18 = vector.shape_cast %get3A_17 : vector<1x1264x16xf32> to vector<1264x16xf32>
    %add3A_19 = arith.addf %get3A_13, %get3A_18 : vector<1264x16xf32>
    %get3A_20 = arith.constant 0 : index
    %get3A_21 = arith.constant 0 : index
    %get3A_22 = vector.load %arg3[%get3A_20, %get3A_21] : memref<16x128xf32, #tpu.memory_space<vmem>>, vector<16x128xf32>
    %dot_general3A = arith.constant dense<0.000000e+00> : vector<1264x128xf32>
    %dot_general3A_23 = tpu.matmul %add3A_19, %get3A_22, %dot_general3A {dimension_numbers = #tpu.dot_dimension_numbers<[1], [0], [0], [1], [0, 0, 1, 1], [], []>, transpose_lhs_hint = false} : vector<1264x16xf32>, vector<16x128xf32>, vector<1264x128xf32> -> vector<1264x128xf32>
    %gt3A = arith.constant 0.000000e+00 : f32
    %gt3A_24 = vector.broadcast %gt3A : f32 to vector<1264x128xf32>
    %gt3A_25 = arith.cmpf ogt, %dot_general3A_23, %gt3A_24 : vector<1264x128xf32>
    %jit3A = arith.constant 1.000000e+00 : f32
    %broadcast_in_dim3A = vector.broadcast %jit3A : f32 to vector<1264x128xf32>
    %select_n3A = arith.select %gt3A_25, %dot_general3A_23, %broadcast_in_dim3A : vector<1264x128xi1>, vector<1264x128xf32>
    %div3A = arith.divf %add3A, %select_n3A : vector<1264x128xf32>
    %swap3A = arith.constant 0 : index
    %swap3A_26 = arith.constant 0 : index
    %swap3A_27 = vector.load %arg4[%swap3A, %swap3A_26] : memref<1264x128xf32, #tpu.memory_space<vmem>>, vector<1264x128xf32>
    tpu.vector_store %arg4[%swap3A, %swap3A_26], %div3A {strides = array<i32>} : memref<1264x128xf32, #tpu.memory_space<vmem>>, vector<1264x128xf32>,
    return
  }
  func.func @transform_0(%arg0: i32) -> (i32, i32, i32) {
    %c0_i32 = arith.constant 0 : i32
    %c0_i32_0 = arith.constant 0 : i32
    %c0_i32_1 = arith.constant 0 : i32
    return %c0_i32, %arg0, %c0_i32_0 : i32, i32, i32
  }
  func.func @transform_1(%arg0: i32) -> (i32, i32, i32) {
    %c0_i32 = arith.constant 0 : i32
    %c0_i32_0 = arith.constant 0 : i32
    %c0_i32_1 = arith.constant 0 : i32
    return %c0_i32, %arg0, %c0_i32_0 : i32, i32, i32
  }
  func.func @transform_2(%arg0: i32) -> (i32, i32) {
    %c0_i32 = arith.constant 0 : i32
    %c0_i32_0 = arith.constant 0 : i32
    %c0_i32_1 = arith.constant 0 : i32
    return %c0_i32, %c0_i32_0 : i32, i32
  }
  func.func @transform_3(%arg0: i32) -> (i32, i32) {
    %c0_i32 = arith.constant 0 : i32
    %c0_i32_0 = arith.constant 0 : i32
    return %arg0, %c0_i32 : i32, i32
  }
}

</mosaic_0001>

<sc_bundles>
// kernel: kernel.5.cloned.1.call-start
scs
__scs_entry_jumppad:
0x0: {  	(pc) =	sbr.rel $0x88, $3  }
0x1: {  	(tag) =	ssettag $0x0;
	lr =	simm.s32 $0x1  }
0x2: {  	[smem:$0x3F9C] =	sst lr;
	_ =	strace $0xD0000000  }
0x3: {  	_ = 	snop  }
0x4: {  	_ = 	snop  }
0x5: {  	_ = 	snop  }
0x6: {  	_ = 	snop  }
0x7: {  	_ = 	snop  }
__scs_overlays_trampoline_lowered:
0x8: {  	[smem:$0x3FAB] =	sst s0  }
0x9: {  	[smem:$0x3FAC] =	sst s1  }
0xa: {  	[smem:$0x3FAD] =	sst s2  }
0xb: {  	[smem:$0x3FAE] =	sst s3  }
0xc: {  	[smem:$0x3FAF] =	sst s4  }
0xd: {  	[smem:$0x3FB0] =	sst s5  }
0xe: {  	[smem:$0x3FB1] =	sst s6  }
0xf: {  	[smem:$0x3FB2] =	sst s7  }
0x10: {  	[smem:$0x3FB3] =	sst s8  }
0x11: {  	[smem:$0x3FB4] =	sst s9;
	s0 =	simm.s32 @!p0 $0x0  }
0x12: {  	s1 =	sld [smem:$0x3F9A];
	s0 =	simm.s32 @p0 $0x1  }
0x13: {  	[smem:$0x3FB5] =	sst s0;
	s0 =	simm.s32 @!p1 $0x0  }
0x14: {  	s2 =	sld [smem:$0x3F99];
	s0 =	simm.s32 @p1 $0x1  }
0x15: {  	[smem:$0x3FB6] =	sst s0;
	s0 =	simm.s32 @!p2 $0x0  }
0x16: {  	s3 =	sld [smem:$0x3FDB];
	s0 =	simm.s32 @p2 $0x1  }
0x17: {  	s4 =	simm.s32 $0x1BF5;
	[smem:$0x3FB8] =	sst s0  }
0x18: {  	s0 =	sld [smem:$0x3F9B];
	_ =	swait.ge [sflag:s4], $0x0  }
0x19: {  	s7 =	sld [smem:$0x3F9C]  }
0x1a: {  	s8 =	sadd.s32 $0xFFFFE003, lr  }
0x1b: {  	s9 =	sadd.s32 $0xFFFFFEF7, lr;
	s5 =	simm.s32 $0xFFFFFFFF;
	p2 =	slt.u32 s8, $0xFFFFF086  }
0x1c: {  	p1 =	slt.u32 s9, $0xF7A;
	s5 =	simm.s32 @!p2 $0x0  }
0x1d: {  	s5 =	simm.s32 @p1 $0x1;
	p0 =	seq.s32 s7, s2  }
0x1e: {  	s7 =	smul.u32 @!p0 $0xF7A, s2;
	p2 =	seq.s32 @!p0 s5, $0x0  }
0x1f: {  	s9 =	smul.u32 $0xF7A, s1;
	s8 =	simm.s32 @!p0 $0x1BF5;
	p2 =	por !p2, p0  }
0x20: {  	[sflag:s8] =	ssyncset.s32 @!p0 $0xFFFFF086;
	s6 =	sadd.s32 @!p0 s3, s7;
	s7 =	simm.s32 @!p0 $0x108  }
0x21: {  	s3 =	sadd.s32 s3, s9;
	s6 =	sadd.s32 @!p0 $0x88, s6;
	s7 =	simm.s32 @p2 $0x1082  }
0x22: {  	[simem:s7], [sflag:s8] =	dma.local @!p0 [hbm:s6], $0xF7A  }
0x23: {  	s9 =	sor.u32 $0xD0000000, s2;
	s6 =	simm.s32 $0x108;
	_ =	swait.ge @!p0 [sflag:s8], $0x0  }
0x24: {  	s3 =	sadd.s32 $0x88, s3;
	s6 =	simm.s32 @!p1 $0x1082;
	[sflag:s4] =	ssyncset.s32 $0xFFFFF086  }
0x25: {  	[simem:s6], [sflag:s4] =	dma.local [hbm:s3], $0xF7A  }
0x26: {  	[smem:$0x3F9C] =	sst s1;
	(tag) =	ssettag s2;
	_ =	strace s9  }
0x27: {  	s1 =	sld [smem:$0x3FAC]  }
0x28: {  	s2 =	sld [smem:$0x3FAD]  }
0x29: {  	s4 =	sld [smem:$0x3FAF]  }
0x2a: {  	p0 =	seq.s32 s5, $0x0;
	s5 =	sld [smem:$0x3FB0]  }
0x2b: {  	s6 =	sld [smem:$0x3FB1]  }
0x2c: {  	s7 =	sld [smem:$0x3FB2]  }
0x2d: {  	s3 =	simm.s32 $0x108;
	s8 =	sld [smem:$0x3FB3]  }
0x2e: {  	s3 =	simm.s32 @!p0 $0x1082;
	s9 =	sld [smem:$0x3FB4]  }
0x2f: {  	lr =	sadd.s32 s0, s3;
	s0 =	sld [smem:$0x3FAB]  }
0x30: {  	s3 =	sld [smem:$0x3FAE]  }
0x31: {  	[smem:$0x3FB7] =	sst s10  }
0x32: {  	s10 =	sld [smem:$0x3FB5];
	_ =	sdelay $0x3  }
0x33: {  	p0 =	seq.s32 s10, $0x1;
	s10 =	sld [smem:$0x3FB7];
	_ =	sdelay $0x3  }
0x34: {  	[smem:$0x3FB7] =	sst s10  }
0x35: {  	s10 =	sld [smem:$0x3FB6];
	_ =	sdelay $0x3  }
0x36: {  	p1 =	seq.s32 s10, $0x1;
	s10 =	sld [smem:$0x3FB7];
	_ =	sdelay $0x3  }
0x37: {  	[smem:$0x3FB7] =	sst s10  }
0x38: {  	s10 =	sld [smem:$0x3FB8]  }
0x39: {  	_ = 	snop;
	(pc) =	sbr.ind lr, $3  }
0x3a: {  	_ = 	snop  }
0x3b: {  	_ = 	snop  }
0x3c: {  	p2 =	seq.s32 s10, $0x1;
	s10 =	sld [smem:$0x3FB7]  }
0x3d: {  	_ =	shalt  }
0x3e: {  	_ =	shalt  }
0x3f: {  	_ =	shalt  }
0x40: {  	_ =	shalt  }
0x41: {  	_ =	shalt  }
0x42: {  	_ =	shalt  }
0x43: {  	_ =	shalt  }
0x44: {  	_ =	shalt  }
0x45: {  	_ =	shalt  }
0x46: {  	_ =	shalt  }
0x47: {  	_ =	shalt  }
0x48: {  	_ =	shalt  }
0x49: {  	_ =	shalt  }
0x4a: {  	_ =	shalt  }
0x4b: {  	_ =	shalt  }
0x4c: {  	_ =	shalt  }
0x4d: {  	_ =	shalt  }
0x4e: {  	_ =	shalt  }
0x4f: {  	_ =	shalt  }
0x50: {  	_ =	shalt  }
0x51: {  	_ =	shalt  }
0x52: {  	_ =	shalt  }
0x53: {  	_ =	shalt  }
0x54: {  	_ =	shalt  }
0x55: {  	_ =	shalt  }
0x56: {  	_ =	shalt  }
0x57: {  	_ =	shalt  }
0x58: {  	_ =	shalt  }
0x59: {  	_ =	shalt  }
0x5a: {  	_ =	shalt  }
0x5b: {  	_ =	shalt  }
0x5c: {  	_ =	shalt  }
0x5d: {  	_ =	shalt  }
0x5e: {  	_ =	shalt  }
0x5f: {  	_ =	shalt  }
0x60: {  	_ =	shalt  }
0x61: {  	_ =	shalt  }
0x62: {  	_ =	shalt  }
0x63: {  	_ =	shalt  }
0x64: {  	_ =	shalt  }
0x65: {  	_ =	shalt  }
0x66: {  	_ =	shalt  }
0x67: {  	_ =	shalt  }
0x68: {  	_ =	shalt  }
0x69: {  	_ =	shalt  }
0x6a: {  	_ =	shalt  }
0x6b: {  	_ =	shalt  }
0x6c: {  	_ =	shalt  }
0x6d: {  	_ =	shalt  }
0x6e: {  	_ =	shalt  }
0x6f: {  	_ =	shalt  }
0x70: {  	_ =	shalt  }
0x71: {  	_ =	shalt  }
0x72: {  	_ =	shalt  }
0x73: {  	_ =	shalt  }
0x74: {  	_ =	shalt  }
0x75: {  	_ =	shalt  }
0x76: {  	_ =	shalt  }
0x77: {  	_ =	shalt  }
0x78: {  	_ =	shalt  }
0x79: {  	_ =	shalt  }
0x7a: {  	_ =	shalt  }
0x7b: {  	_ =	shalt  }
0x7c: {  	_ =	shalt  }
0x7d: {  	_ =	shalt  }
0x7e: {  	_ =	shalt  }
0x7f: {  	_ =	shalt  }
0x80: {  	_ =	shalt  }
0x81: {  	_ =	shalt  }
0x82: {  	_ =	shalt  }
0x83: {  	_ =	shalt  }
0x84: {  	_ =	shalt  }
0x85: {  	_ =	shalt  }
0x86: {  	_ =	shalt  }
0x87: {  	_ =	shalt  }
.Lfunc_end0:
.L_simem_size_0:
called_computation_lowered:
.L_overlay_start_0:
0x88: {  	s2 =	sld [smem:$0x3FD9]  }
0x89: {  	s3 =	sld [smem:$0x3FFE];
	_ =	sdelay $0x1  }
0x8a: {  	s1 =	srdreg.scid  }
0x8b: {  	s0 =	sand.u32 $0x1, s1  }
0x8c: {  	s17 =	sshll.u32 s0, $0xA;
	s2 =	sadd.s32 s3, s2  }
0x8d: {  	s2 =	sadd.s32 s2, s17  }
0x8e: {  	[smem:$0x3FC3] =	sst s2  }
0x8f: {  	_ = 	snop  }
0x90: {  	s2 =	sld [smem:$0x3FD0];
	(tm) =	ssettm $0x1  }
0x91: {  	s18 =	sld [smem:$0x3FFB];
	_ =	sdelay $0x3  }
0x92: {  	_ =	strace s18  }
0x93: {  	s3 =	sld [smem:$0x3FFC];
	_ =	sdelay $0x3  }
0x94: {  	_ =	strace s3  }
0x95: {  	s3 =	sld [smem:$0x3FFD];
	_ =	sdelay $0x3  }
0x96: {  	_ =	strace s3  }
0x97: {  	_ =	strace $0x8FFFFFFF  }
0x98: {  	s19 =	sld [smem:$0x3FDB];
	_ =	sdelay $0x1  }
0x99: {  	s4 =	simm.s32 $_scs_section_size  }
0x9a: {  	s5 =	simm.s32 $_size__tile_overlayer_lowered;
	s6 =	simm.s32 $_tile_overlayer_lowered  }
0x9b: {  	s22 =	simm.s32 $0x1BFF;
	s21 =	sshll.u32 s6, $0x1;
	s3 =	sadd.s32 s4, s19  }
0x9c: {  	s7 =	simm.s32 $0x0;
	s20 =	sshll.u32 s5, $0x1;
	s5 =	sadd.s32 s21, s3  }
0x9d: {  	[timem:s7], [sflag:s22] =	dma.local [hbm:s5], s20  }
0x9e: {  	_ =	swait.ge [sflag:s22], s20  }
0x9f: {  	s4 =	ssub.s32 $0x0, s20;
	[sflag:s22] =	ssyncset.done $0x0  }
0xa0: {  	[sflag:s22] =	ssyncadd.s32 s4;
	_ =	sdelay $0x1  }
0xa1: {  	s23 =	simm.s32 $0x1B8B  }
0xa2: {  	_ =	swait.ge [sflag:s23], $0x1  }
0xa3: {  	[sflag:s23] =	ssyncset.done $0x0  }
0xa4: {  	s25 =	simm.s32 $0x1B8E;
	s24 =	sld [smem:$0x3FFE];
	[sflag:s23] =	ssyncadd.s32 $0xFFFFFFFF  }
0xa5: {  	s26 =	simm.s32 $execute0_lowered;
	[smem:$0x3FD2] =	sst s25  }
0xa6: {  	s5 =	sshll.u32 s26, $0x1;
	_ =	strace $0x80000046;
	[dreg:$0x1] =	wrdreg $0xFFFFFFFF  }
0xa7: {  	s28 =	simm.s32 $_size_execute0_lowered;
	s3 =	sadd.s32 s3, s5;
	[dreg:$0x0] =	wrdreg $0x0  }
0xa8: {  	s5 =	sshll.u32 s28, $0x1;
	[dreg:$0x2] =	wrdreg s3  }
0xa9: {  	[dreg:$0x3] =	wrdreg s5  }
0xaa: {  	[dreg:$0x4] =	wrdreg $0xC0  }
0xab: {  	_ =	task [dreg:s7], $0x5FFFF  }
0xac: {  	[dreg:$0x1] =	wrdreg $0xFFFFFFFF  }
0xad: {  	[dreg:$0x0] =	wrdreg $0x60  }
0xae: {  	[dreg:$0x2] =	wrdreg s24  }
0xaf: {  	[dreg:$0x3] =	wrdreg s2  }
0xb0: {  	[dreg:$0x4] =	wrdreg $0x6A000  }
0xb1: {  	[dreg:$0x5] =	wrdreg $0x1A6000  }
0xb2: {  	[dreg:$0x6] =	wrdreg $0x9  }
0xb3: {  	_ =	task.clear_ibuf [dreg:s7], $0x7FFFF;
	_ =	strace $0x90000046  }
0xb4: {  	s29 =	simm.s32 $0x9;
	_ =	strace $0x80000048  }
0xb5: {  	_ =	swait.ge [sflag:s29], $0x1  }
0xb6: {  	[sflag:s29] =	ssyncadd.s32 $0xFFFFFFFF  }
0xb7: {  	_ =	strace $0x90000048  }
0xb8: {  	_ =	sfence  }
0xb9: {  	s30 =	sld [smem:$0x0];
	_ =	sdelay $0x2  }
0xba: {  	s31 =	sshll.u32 s1, $0xD;
	s1 =	sshrl.u32 s1, $0x2  }
0xbb: {  	s3 =	sand.u32 $0x4000, s31;
	s1 =	sadd.s32 s1, s30  }
0xbc: {  	s0 =	sor.u32 s3, s0;
	s1 =	sshll.u32 s1, $0x11  }
0xbd: {  	s0 =	sor.u32 s1, s0  }
0xbe: {  	s0 =	sadd.s32 $0x8F2B, s0  }
0xbf: {  	[sflag:s0] =	ssyncadd.remote.s32 $0x1  }
0xc0: {  	_ =	sfence.sel $0xFFFF  }
0xc1: {  	[dreg:$0x0] =	wrdreg $0xFFFFFFFF;
	(pc) =	sbr.abs _section_cstart, $3  }
0xc2: {  	[dreg:$0x1] =	wrdreg $0xFFFFFFFF  }
0xc3: {  	_ =	task.clear_ibuf [dreg:s7], $0x2FFFF;
	_ =	strace $0x9FFFFFFF  }
0xc4: {  	(tm) =	ssettm $0x7FFFFFFF  }
0xc5: {  	_ =	shalt  }
tec
execute0_lowered:
.L_overlay_start_1:
0x0: {  	(tag) =	ssettag $0x1  }
0x1: {  	s0 =	rddreg [dreg:$0x0]  }
0x2: {  	s3 =	srdreg.scid;
	s1 =	rddreg [dreg:$0x1]  }
0x3: {  	s2 =	simm.s32 $0x0;
	s11 =	stileid.u32;
	s5 =	sand.u32 $0x1, s3  }
0x4: {  	[smem:$0x7FF] =	sst s2;
	s6 =	sadd.s32 $0x2B200, s0;
	s7 =	smul.u32 $0x278, s11  }
0x5: {  	s8 =	sadd.s32 $0x21400, s0;
	s9 =	smul.u32 $0x13C00, s11;
	s3 =	ssub.s32 $0x2, s5  }
0x6: {  	s19 =	sshll.u32 s11, $0x1;
	s11 =	smul.u32 $0x2780, s11;
	s4 =	sshrl.u32 s3, $0x1  }
0x7: {  	s10 =	sadd.s32 $0x80, s7;
	s13 =	sadd.s32 $0x100, s7;
	s14 =	sadd.s32 $0x180, s7  }
0x8: {  	s7 =	sadd.s32 $0x200, s7;
	s4 =	ssub.s32 s3, s4;
	s3 =	sor.u32 s5, s19  }
0x9: {  	s15 =	sshll.u32 s13, $0x7;
	s16 =	sshll.u32 s13, $0x4;
	s13 =	smul.u32 $0x13C000, s5  }
0xa: {  	s12 =	sshll.u32 s10, $0x7;
	s10 =	sshll.u32 s10, $0x4;
	s5 =	smul.u32 $0x27800, s5  }
0xb: {  	s21 =	sshll.u32 s14, $0x7;
	s22 =	sshll.u32 s14, $0x4;
	s23 =	sshll.u32 s7, $0x7  }
0xc: {  	s7 =	sshll.u32 s7, $0x4;
	s20 =	sadd.s32 s9, s13;
	s17 =	sadd.s32 s11, s5  }
0xd: {  	s18 =	sadd.s32 s13, s12;
	s25 =	sadd.s32 s5, s10;
	s26 =	sadd.s32 s13, s15  }
0xe: {  	s19 =	sadd.s32 s13, s21;
	s13 =	sadd.s32 s13, s23;
	s14 =	sshrl.u32 s20, $0x3  }
0xf: {  	s24 =	sshrl.u32 s18, $0x3;
	s18 =	sshrl.u32 s26, $0x3;
	s14 =	sadd.s32 s6, s14  }
0x10: {  	s19 =	sshrl.u32 s19, $0x3;
	s18 =	sadd.s32 s6, s18;
	[dreg:$0x5] =	wrdreg s14  }
0x11: {  	s14 =	sshrl.u32 s17, $0x3;
	s17 =	sadd.s32 s6, s24;
	[dreg:$0x7] =	wrdreg s18  }
0x12: {  	s13 =	sshrl.u32 s13, $0x3;
	s18 =	sadd.s32 s6, s19;
	[dreg:$0x6] =	wrdreg s17  }
0x13: {  	s25 =	sshrl.u32 s25, $0x3;
	s6 =	sadd.s32 s6, s13;
	[dreg:$0x8] =	wrdreg s18  }
0x14: {  	s20 =	sadd.s32 s5, s16;
	s13 =	sadd.s32 s8, s25;
	[dreg:$0x9] =	wrdreg s6  }
0x15: {  	s26 =	sadd.s32 s5, s22;
	s5 =	sadd.s32 s5, s7;
	[dreg:$0xb] =	wrdreg s13  }
0x16: {  	s4 =	smax.u32 s4, $0x1;
	s5 =	sshrl.u32 s5, $0x3;
	s13 =	rddreg [dreg:$0x2]  }
0x17: {  	s5 =	sadd.s32 s8, s5;
	s24 =	sadd.s32 s8, s14;
	s14 =	rddreg [dreg:$0x3]  }
0x18: {  	s19 =	sadd.s32 $0x14600, s0;
	s6 =	sshrl.u32 s20, $0x3;
	[dreg:$0xe] =	wrdreg s5  }
0x19: {  	s17 =	sadd.s32 $0xA800, s0;
	s18 =	sadd.s32 $0xA00, s0;
	s20 =	sadd.s32 $0x19600, s0  }
0x1a: {  	[dreg:$0xa] =	wrdreg s24;
	s6 =	sadd.s32 s8, s6;
	s9 =	sadd.s32 s9, s13  }
0x1b: {  	s30 =	sadd.s32 s11, s14;
	[dreg:$0xc] =	wrdreg s6;
	s6 =	sshrl.u32 s26, $0x3  }
0x1c: {  	s31 =	sadd.s32 s12, s13;
	s12 =	sadd.s32 s10, s14;
	s6 =	sadd.s32 s8, s6  }
0x1d: {  	s24 =	sshll.u32 s3, $0x4;
	s8 =	sadd.s32 $0x1EC00, s0;
	[dreg:$0xd] =	wrdreg s6  }
0x1e: {  	s0 =	sadd.s32 $0x1E600, s0;
	_ =	strace $0x80000047;
	[dreg:$0xf] =	wrdreg s8  }
0x1f: {  	s28 =	sadd.s32 s21, s13;
	s25 =	sadd.s32 s17, s24;
	[dreg:$0x10] =	wrdreg s0  }
0x20: {  	s29 =	sadd.s32 s22, s14;
	s5 =	sadd.s32 s18, s24;
	[dreg:$0x16] =	wrdreg s25  }
0x21: {  	s23 =	sadd.s32 s23, s13;
	s21 =	sadd.s32 s7, s14;
	[dreg:$0x17] =	wrdreg s5  }
0x22: {  	s7 =	simm.s32 $0x4;
	s26 =	sadd.s32 s16, s14;
	[dreg:$0x18] =	wrdreg s4  }
.Ltmp0:
0x23: {  	s10 =	simm.s32 $0x6900;
	[dreg:$0x11] =	wrdreg s26;
	(pc) =	sbr.rel .LBB2_1-.Ltmp0, $4  }
0x24: {  	s11 =	simm.s32 $0x80;
	s22 =	simm.s32 $0x3;
	[dreg:$0x12] =	wrdreg s28  }
0x25: {  	s16 =	simm.s32 $0x1;
	s6 =	simm.s32 $0x0;
	[dreg:$0x13] =	wrdreg s29  }
0x26: {  	s0 =	sadd.s32 s15, s13;
	s8 =	simm.s32 $0x6000;
	[dreg:$0x15] =	wrdreg s21  }
0x27: {  	vm0 =	vmmov $0xf;
	s15 =	simm.s32 $0x2;
	s4 =	simm.s32 $0x6980;
	[dreg:$0x14] =	wrdreg s0  }
.LBB2_14:
0x28: {  	[bflag:$0x0] =	sbarrier.arrive $0xFFFF  }
0x29: {  	[tilespmem:s2], [sflag:$0x4] =	stream.linear.gather [spmem:s0], $0x4000, $0x38;
	[tilespmem:$0x1CD80] =	vst v63  }
0x2a: {  	_ =	swait.ge [sflag:s7], $0x4000  }
0x2b: {  	[sflag:s7] =	ssyncset.done $0x0  }
0x2c: {  	s6 =	rddreg [dreg:$0x5];
	[sflag:s7] =	ssyncadd.s32 $0xFFFFC000  }
0x2d: {  	[hbm4b:s6+s2] =	stream.linear.scatter [tilespmem:s2], [sflag:$0x4], $0x4000, $0x38;
	[tilespmem:$0x1CD80] =	vst v63  }
0x2e: {  	_ =	swait.ge [sflag:s7], $0x4000  }
0x2f: {  	[sflag:s7] =	ssyncset.done $0x0  }
0x30: {  	[sflag:s7] =	ssyncadd.s32 $0xFFFFC000  }
0x31: {  	[tilespmem:s8], [sflag:$0x4] =	stream.linear.gather [spmem:s30], $0x800, $0x38;
	[tilespmem:$0x1CD80] =	vst v63  }
0x32: {  	_ =	swait.ge [sflag:s7], $0x800  }
0x33: {  	[sflag:s7] =	ssyncset.done $0x0  }
0x34: {  	s26 =	rddreg [dreg:$0xa];
	[sflag:s7] =	ssyncadd.s32 $0xFFFFF800  }
0x35: {  	[hbm4b:s26+s2] =	stream.linear.scatter [tilespmem:s8], [sflag:$0x4], $0x800, $0x38;
	[tilespmem:$0x1CD80] =	vst v63  }
0x36: {  	_ =	swait.ge [sflag:s7], $0x800  }
0x37: {  	[sflag:s7] =	ssyncset.done $0x0  }
0x38: {  	[sflag:s7] =	ssyncadd.s32 $0xFFFFF800  }
0x39: {  	[tilespmem:s2], [sflag:$0x4] =	stream.linear.gather [spmem:s31], $0x4000, $0x38;
	[tilespmem:$0x1CD80] =	vst v63  }
0x3a: {  	_ =	swait.ge [sflag:s7], $0x4000  }
0x3b: {  	[sflag:s7] =	ssyncset.done $0x0  }
0x3c: {  	s9 =	smov.u32 s0;
	s0 =	rddreg [dreg:$0x6];
	[sflag:s7] =	ssyncadd.s32 $0xFFFFC000  }
0x3d: {  	[hbm4b:s0+s2] =	stream.linear.scatter [tilespmem:s2], [sflag:$0x4], $0x4000, $0x38;
	[tilespmem:$0x1CD80] =	vst v63  }
0x3e: {  	_ =	swait.ge [sflag:s7], $0x4000  }
0x3f: {  	[sflag:s7] =	ssyncset.done $0x0  }
0x40: {  	[sflag:s7] =	ssyncadd.s32 $0xFFFFC000  }
0x41: {  	[tilespmem:s8], [sflag:$0x4] =	stream.linear.gather [spmem:s12], $0x800, $0x38;
	[tilespmem:$0x1CD80] =	vst v63  }
0x42: {  	_ =	swait.ge [sflag:s7], $0x800  }
0x43: {  	[sflag:s7] =	ssyncset.done $0x0  }
0x44: {  	s5 =	rddreg [dreg:$0xb];
	[sflag:s7] =	ssyncadd.s32 $0xFFFFF800  }
0x45: {  	[hbm4b:s5+s2] =	stream.linear.scatter [tilespmem:s8], [sflag:$0x4], $0x800, $0x38;
	[tilespmem:$0x1CD80] =	vst v63  }
0x46: {  	_ =	swait.ge [sflag:s7], $0x800  }
0x47: {  	[sflag:s7] =	ssyncset.done $0x0  }
0x48: {  	s0 =	rddreg [dreg:$0x14];
	[sflag:s7] =	ssyncadd.s32 $0xFFFFF800  }
0x49: {  	[tilespmem:s2], [sflag:$0x4] =	stream.linear.gather [spmem:s0], $0x4000, $0x38;
	[tilespmem:$0x1CD80] =	vst v63  }
0x4a: {  	_ =	swait.ge [sflag:s7], $0x4000  }
0x4b: {  	[sflag:s7] =	ssyncset.done $0x0  }
0x4c: {  	s21 =	rddreg [dreg:$0x7];
	[sflag:s7] =	ssyncadd.s32 $0xFFFFC000  }
0x4d: {  	[hbm4b:s21+s2] =	stream.linear.scatter [tilespmem:s2], [sflag:$0x4], $0x4000, $0x38;
	[tilespmem:$0x1CD80] =	vst v63  }
0x4e: {  	_ =	swait.ge [sflag:s7], $0x4000  }
0x4f: {  	[sflag:s7] =	ssyncset.done $0x0  }
0x50: {  	s26 =	rddreg [dreg:$0x11];
	[sflag:s7] =	ssyncadd.s32 $0xFFFFC000  }
0x51: {  	[tilespmem:s8], [sflag:$0x4] =	stream.linear.gather [spmem:s26], $0x800, $0x38;
	[tilespmem:$0x1CD80] =	vst v63  }
0x52: {  	_ =	swait.ge [sflag:s7], $0x800  }
0x53: {  	[sflag:s7] =	ssyncset.done $0x0  }
0x54: {  	s24 =	rddreg [dreg:$0xc];
	[sflag:s7] =	ssyncadd.s32 $0xFFFFF800  }
0x55: {  	[hbm4b:s24+s2] =	stream.linear.scatter [tilespmem:s8], [sflag:$0x4], $0x800, $0x38;
	[tilespmem:$0x1CD80] =	vst v63  }
0x56: {  	_ =	swait.ge [sflag:s7], $0x800  }
0x57: {  	[sflag:s7] =	ssyncset.done $0x0  }
0x58: {  	s28 =	rddreg [dreg:$0x12];
	[sflag:s7] =	ssyncadd.s32 $0xFFFFF800  }
0x59: {  	[tilespmem:s2], [sflag:$0x4] =	stream.linear.gather [spmem:s28], $0x4000, $0x38;
	[tilespmem:$0x1CD80] =	vst v63  }
0x5a: {  	_ =	swait.ge [sflag:s7], $0x4000  }
0x5b: {  	[sflag:s7] =	ssyncset.done $0x0  }
0x5c: {  	s25 =	rddreg [dreg:$0x8];
	[sflag:s7] =	ssyncadd.s32 $0xFFFFC000  }
0x5d: {  	[hbm4b:s25+s2] =	stream.linear.scatter [tilespmem:s2], [sflag:$0x4], $0x4000, $0x38;
	[tilespmem:$0x1CD80] =	vst v63  }
0x5e: {  	_ =	swait.ge [sflag:s7], $0x4000  }
0x5f: {  	[sflag:s7] =	ssyncset.done $0x0  }
0x60: {  	s29 =	rddreg [dreg:$0x13];
	[sflag:s7] =	ssyncadd.s32 $0xFFFFC000  }
0x61: {  	[tilespmem:s8], [sflag:$0x4] =	stream.linear.gather [spmem:s29], $0x800, $0x38;
	[tilespmem:$0x1CD80] =	vst v63  }
0x62: {  	_ =	swait.ge [sflag:s7], $0x800  }
0x63: {  	[sflag:s7] =	ssyncset.done $0x0  }
0x64: {  	s5 =	rddreg [dreg:$0xd];
	[sflag:s7] =	ssyncadd.s32 $0xFFFFF800  }
0x65: {  	[hbm4b:s5+s2] =	stream.linear.scatter [tilespmem:s8], [sflag:$0x4], $0x800, $0x38;
	[tilespmem:$0x1CD80] =	vst v63  }
0x66: {  	_ =	swait.ge [sflag:s7], $0x800  }
0x67: {  	[sflag:s7] =	ssyncset.done $0x0  }
0x68: {  	[sflag:s7] =	ssyncadd.s32 $0xFFFFF800  }
0x69: {  	[tilespmem:s2], [sflag:$0x4] =	stream.linear.gather [spmem:s23], $0x3C00, $0x38;
	[tilespmem:$0x1CD80] =	vst v63  }
0x6a: {  	_ =	swait.ge [sflag:s7], $0x3C00  }
0x6b: {  	[sflag:s7] =	ssyncset.done $0x0  }
0x6c: {  	s21 =	rddreg [dreg:$0x9];
	[sflag:s7] =	ssyncadd.s32 $0xFFFFC400  }
0x6d: {  	[hbm4b:s21+s2] =	stream.linear.scatter [tilespmem:s2], [sflag:$0x4], $0x3C00, $0x38;
	[tilespmem:$0x1CD80] =	vst v63  }
0x6e: {  	_ =	swait.ge [sflag:s7], $0x3C00  }
0x6f: {  	[sflag:s7] =	ssyncset.done $0x0  }
0x70: {  	s21 =	rddreg [dreg:$0x15];
	[sflag:s7] =	ssyncadd.s32 $0xFFFFC400  }
0x71: {  	[tilespmem:s8], [sflag:$0x4] =	stream.linear.gather [spmem:s21], $0x780, $0x38;
	[tilespmem:$0x1CD80] =	vst v63  }
0x72: {  	_ =	swait.ge [sflag:s7], $0x780  }
0x73: {  	[sflag:s7] =	ssyncset.done $0x0  }
0x74: {  	s24 =	rddreg [dreg:$0xe];
	[sflag:s7] =	ssyncadd.s32 $0xFFFFF880  }
0x75: {  	[hbm4b:s24+s2] =	stream.linear.scatter [tilespmem:s8], [sflag:$0x4], $0x780, $0x38;
	[tilespmem:$0x1CD80] =	vst v63  }
0x76: {  	_ =	swait.ge [sflag:s7], $0x780  }
0x77: {  	s25 =	rddreg [dreg:$0x19]  }
0x78: {  	s5 =	rddreg [dreg:$0x18];
	s6 =	sadd.s32 $0x1, s25  }
0x79: {  	p0 =	sne.s32 s6, s5  }
.Ltmp1:
0x7a: {  	_ = 	snop;
	(pc) =	sbr.rel @!p0 .LBB2_15-.Ltmp1, $3  }
0x7b: {  	_ =	sdelay $0x1  }
0x7c: {  	[sflag:s7] =	ssyncset.done $0x0  }
0x7d: {  	[sflag:s7] =	ssyncadd.s32 $0xFFFFF880  }
.LBB2_1:
0x7e: {  	[dreg:$0x19] =	wrdreg s6  }
0x7f: {  	s25 =	rddreg [dreg:$0xf]  }
0x80: {  	[tilespmem:s2], [sflag:$0x4] =	stream.linear.gather [hbm4b:s25+s2], $0x4000, $0x38;
	[tilespmem:$0x1CD80] =	vst v63  }
0x81: {  	_ =	swait.ge [sflag:s7], $0x4000  }
0x82: {  	[sflag:s7] =	ssyncset.done $0x0  }
0x83: {  	s5 =	rddreg [dreg:$0x10];
	[sflag:s7] =	ssyncadd.s32 $0xFFFFC000  }
0x84: {  	[tilespmem:s8], [sflag:$0x4] =	stream.linear.gather [hbm4b:s5+s2], $0x800, $0x38;
	[tilespmem:$0x1CD80] =	vst v63  }
0x85: {  	_ =	swait.ge [sflag:s7], $0x800  }
0x86: {  	[sflag:s7] =	ssyncset.done $0x0  }
0x87: {  	[sflag:s7] =	ssyncadd.s32 $0xFFFFF800  }
0x88: {  	[spmem:s9] =	stream.linear.scatter [tilespmem:s2], [sflag:$0x4], $0x4000, $0x38;
	[tilespmem:$0x1CD80] =	vst v63  }
0x89: {  	_ =	swait.ge [sflag:s7], $0x4000  }
0x8a: {  	[sflag:s7] =	ssyncset.done $0x0  }
0x8b: {  	[sflag:s7] =	ssyncadd.s32 $0xFFFFC000  }
0x8c: {  	[spmem:s30] =	stream.linear.scatter [tilespmem:s8], [sflag:$0x4], $0x800, $0x38;
	[tilespmem:$0x1CD80] =	vst v63  }
0x8d: {  	_ =	swait.ge [sflag:s7], $0x800  }
0x8e: {  	[sflag:s7] =	ssyncset.done $0x0  }
0x8f: {  	[sflag:s7] =	ssyncadd.s32 $0xFFFFF800  }
0x90: {  	[spmem:s31] =	stream.linear.scatter [tilespmem:s2], [sflag:$0x4], $0x4000, $0x38;
	[tilespmem:$0x1CD80] =	vst v63  }
0x91: {  	_ =	swait.ge [sflag:s7], $0x4000  }
0x92: {  	[sflag:s7] =	ssyncset.done $0x0  }
0x93: {  	[sflag:s7] =	ssyncadd.s32 $0xFFFFC000  }
0x94: {  	[spmem:s12] =	stream.linear.scatter [tilespmem:s8], [sflag:$0x4], $0x800, $0x38;
	[tilespmem:$0x1CD80] =	vst v63  }
0x95: {  	_ =	swait.ge [sflag:s7], $0x800  }
0x96: {  	[sflag:s7] =	ssyncset.done $0x0  }
0x97: {  	s25 =	smov.u32 s0;
	[sflag:s7] =	ssyncadd.s32 $0xFFFFF800  }
0x98: {  	[spmem:s25] =	stream.linear.scatter [tilespmem:s2], [sflag:$0x4], $0x4000, $0x38;
	[tilespmem:$0x1CD80] =	vst v63  }
0x99: {  	_ =	swait.ge [sflag:s7], $0x4000  }
0x9a: {  	[sflag:s7] =	ssyncset.done $0x0  }
0x9b: {  	[sflag:s7] =	ssyncadd.s32 $0xFFFFC000  }
0x9c: {  	[spmem:s26] =	stream.linear.scatter [tilespmem:s8], [sflag:$0x4], $0x800, $0x38;
	[tilespmem:$0x1CD80] =	vst v63  }
0x9d: {  	_ =	swait.ge [sflag:s7], $0x800  }
0x9e: {  	[sflag:s7] =	ssyncset.done $0x0  }
0x9f: {  	[sflag:s7] =	ssyncadd.s32 $0xFFFFF800  }
0xa0: {  	[spmem:s28] =	stream.linear.scatter [tilespmem:s2], [sflag:$0x4], $0x4000, $0x38;
	[tilespmem:$0x1CD80] =	vst v63  }
0xa1: {  	_ =	swait.ge [sflag:s7], $0x4000  }
0xa2: {  	[sflag:s7] =	ssyncset.done $0x0  }
0xa3: {  	[sflag:s7] =	ssyncadd.s32 $0xFFFFC000  }
0xa4: {  	[spmem:s29] =	stream.linear.scatter [tilespmem:s8], [sflag:$0x4], $0x800, $0x38;
	[tilespmem:$0x1CD80] =	vst v63  }
0xa5: {  	_ =	swait.ge [sflag:s7], $0x800  }
0xa6: {  	[sflag:s7] =	ssyncset.done $0x0  }
0xa7: {  	s5 =	smov.u32 s23;
	[sflag:s7] =	ssyncadd.s32 $0xFFFFF800  }
0xa8: {  	[spmem:s5] =	stream.linear.scatter [tilespmem:s2], [sflag:$0x4], $0x3C00, $0x38;
	[tilespmem:$0x1CD80] =	vst v63  }
0xa9: {  	_ =	swait.ge [sflag:s7], $0x3C00  }
0xaa: {  	[sflag:s7] =	ssyncset.done $0x0  }
0xab: {  	[sflag:s7] =	ssyncadd.s32 $0xFFFFC400  }
0xac: {  	[spmem:s21] =	stream.linear.scatter [tilespmem:s8], [sflag:$0x4], $0x780, $0x38;
	[tilespmem:$0x1CD80] =	vst v63  }
0xad: {  	_ =	swait.ge [sflag:s7], $0x780  }
0xae: {  	[sflag:s7] =	ssyncset.done $0x0  }
0xaf: {  	[sflag:s7] =	ssyncadd.s32 $0xFFFFF880  }
0xb0: {  	[bflag:$0x0] =	sbarrier.arrive $0xFFFF  }
0xb1: {  	s25 =	simm.s32 $0x6800;
	s24 =	rddreg [dreg:$0x16]  }
0xb2: {  	[tilespmem:s25], [sflag:$0x4] =	stream.linear.gather [hbm4b:s24+s2], $0x80, $0x38;
	[tilespmem:$0x1CD80] =	vst v63  }
0xb3: {  	_ =	swait.ge [sflag:s7], $0x80  }
0xb4: {  	[sflag:s7] =	ssyncset.done $0x0  }
0xb5: {  	s26 =	rddreg [dreg:$0x17];
	[sflag:s7] =	ssyncadd.s32 $0xFFFFFF80  }
0xb6: {  	[tilespmem:s10], [sflag:$0x4] =	stream.linear.gather [hbm4b:s26+s2], $0x80, $0x38;
	[tilespmem:$0x1CD80] =	vst v63  }
0xb7: {  	_ =	swait.ge [sflag:s7], $0x80  }
0xb8: {  	[sflag:s7] =	ssyncset.done $0x0  }
0xb9: {  	s28 =	simm.s32 $0x4000;
	[sflag:s7] =	ssyncadd.s32 $0xFFFFFF80  }
0xba: {  	[tilespmem:s28], [sflag:$0x2] =	stream.indirect.gather [hbm4b:s19+s11], $0x10, s25, s11, $0xb8;
	[tilespmem:$0x1CD80] =	vst v63  }
.Ltmp2:
0xbb: {  	_ = 	snop;
	(pc) =	sbr.rel .LBB2_2-.Ltmp2, $4  }
0xbc: {  	s29 =	simm.s32 $0x5000  }
0xbd: {  	[tilespmem:s29], [sflag:$0x2] =	stream.indirect.gather [hbm4b:s20+s11], $0x10, s10, s11, $0xb8;
	[tilespmem:$0x1CD80] =	vst v63  }
0xbe: {  	s6 =	simm.s32 $0x0;
	s0 =	smov.u32 s9;
	s21 =	simm.s32 $0x6880  }
0xbf: {  	[tilespmem:s2], [sflag:$0x1] =	stream.indirect.gather [hbm4b:s1+s11], $0x80, s25, s11, $0xb8;
	[tilespmem:$0x1CD80] =	vst v63  }
.LBB2_13:
0xc0: {  	s6 =	sadd.s32 $0x1, s6  }
0xc1: {  	p0 =	sne.s32 s6, $0x28  }
.Ltmp3:
0xc2: {  	_ = 	snop;
	(pc) =	sbr.rel @!p0 .LBB2_14-.Ltmp3, $1  }
0xc3: {  	_ =	sdelay $0x3  }
.LBB2_2:
0xc4: {  	s9 =	sshll.u32 s6, $0x6  }
0xc5: {  	s9 =	sor.u32 s3, s9  }
0xc6: {  	p0 =	sgt.u32 s9, $0x9C3  }
.Ltmp4:
0xc7: {  	_ = 	snop;
	(pc) =	sbr.rel @p0 .LBB2_13-.Ltmp4, $1  }
0xc8: {  	_ =	sdelay $0x3  }
0xc9: {  	_ =	swait.ge [sflag:s15], $0x800  }
0xca: {  	[sflag:s15] =	ssyncset.done $0x0  }
0xcb: {  	[sflag:s15] =	ssyncadd.s32 $0xFFFFF800  }
0xcc: {  	_ =	swait.ge [sflag:s15], $0x800  }
0xcd: {  	[sflag:s15] =	ssyncset.done $0x0  }
0xce: {  	s23 =	simm.s32 $0x4010;
	[sflag:s15] =	ssyncadd.s32 $0xFFFFF800  }
0xcf: {  	v0 =	vld [tilespmem:s23+$0x0]  }
0xd0: {  	s24 =	simm.s32 $0x5010;
	v1 =	vld [tilespmem:s23+$0xFFFFFFF0]  }
0xd1: {  	v2 =	vld [tilespmem:s24+$0xFFFFFFF0]  }
0xd2: {  	v3 =	vld [tilespmem:s24+$0x0]  }
0xd3: {  	s26 =	simm.s32 $0x4030  }
0xd4: {  	v4 =	vld [tilespmem:s26+$0x0]  }
0xd5: {  	s29 =	simm.s32 $0x5030;
	v5 =	vld [tilespmem:s26+$0xFFFFFFF0]  }
0xd6: {  	v1 =	vadd.f32 v2, v1;
	v2 =	vld [tilespmem:s29+$0xFFFFFFF0]  }
0xd7: {  	v0 =	vadd.f32 v3, v0;
	v3 =	vld [tilespmem:s29+$0x0]  }
0xd8: {  	s25 =	simm.s32 $0x4050  }
0xd9: {  	v7 =	vld [tilespmem:s25+$0x0];
	v6 =	vmul.f32 $2.000000030e-01, v1  }
0xda: {  	s26 =	simm.s32 $0x5050;
	v9 =	vld [tilespmem:s25+$0xFFFFFFF0];
	vm1 =	vgt.f32 v1, $0.0e+00;
	v8 =	vmul.f32 $2.000000030e-01, v0  }
0xdb: {  	v1 =	vsel vm1, v1, v6;
	vm1 =	vgt.f32 v0, $0.0e+00;
	v6 =	vld [tilespmem:s26+$0xFFFFFFF0];
	v2 =	vadd.f32 v2, v5  }
0xdc: {  	v1 =	vmul.f32 $1.442695020e+00, v1;
	v0 =	vsel vm1, v0, v8;
	v5 =	vld [tilespmem:s26+$0x0];
	v4 =	vadd.f32 v3, v4  }
0xdd: {  	v0 =	vmul.f32 $1.442695020e+00, v0;
	v3 =	vmul.f32 $2.000000030e-01, v2  }
0xde: {  	(erf) = vpow2.f32 v1;
	vm1 =	vgt.f32 v2, $0.0e+00;
	v1 =	vmul.f32 $2.000000030e-01, v4  }
0xdf: {  	(erf) = vpow2.f32 v0;
	v0 =	vsel vm1, v2, v3;
	vm1 =	vgt.f32 v4, $0.0e+00  }
0xe0: {  	s29 =	simm.s32 $0x4070;
	v8 =	vmul.f32 $1.442695020e+00, v0;
	v2 =	vsel vm1, v4, v1  }
0xe1: {  	v6 =	vadd.f32 v6, v9;
	v3 =	vld [tilespmem:s29+$0x0];
	v0 =	vadd.f32 v5, v7;
	v7 =	vmul.f32 $1.442695020e+00, v2  }
0xe2: {  	s25 =	simm.s32 $0x5070;
	v1 =	vld [tilespmem:s29+$0xFFFFFFF0];
	(erf) = vpow2.f32 v8  }
0xe3: {  	v9 =	vmul.f32 $2.000000030e-01, v6;
	v2 =	vld [tilespmem:s25+$0xFFFFFFF0];
	(erf) = vpow2.f32 v7  }
0xe4: {  	s28 =	simm.s32 $0x4090;
	v4 =	vld [tilespmem:s25+$0x0];
	vm1 =	vgt.f32 v6, $0.0e+00  }
0xe5: {  	s23 =	simm.s32 $0x6010;
	s24 =	simm.s32 $0x6010;
	s26 =	simm.s32 $0x6;
	v5 =	vmul.f32 $2.000000030e-01, v0;
	v6 =	vsel vm1, v6, v9;
	vm1 =	vgt.f32 v0, $0.0e+00  }
.LBB2_4:
0xe6: {  	s26 =	sadd.s32 $0x2, s26  }
0xe7: {  	v7 =	vld [tilespmem:s28+$0x0];
	s25 =	sadd.s32 $0x20, s25;
	v6 =	vmul.f32 $1.442695020e+00, v6;
	s23 =	sadd.s32 $0x20, s23;
	v8 =	vpop (erf);
	p0 =	slt.u32 s26, $0x7E  }
.Ltmp5:
0xe8: {  	v5 =	vsel vm1, v0, v5;
	v9 =	vadd.f32 v2, v1;
	v1 =	vld [tilespmem:s28+$0xFFFFFFF0];
	v8 =	vnsel vm0, $0x0, v8;
	v10 =	vpop (erf);
	(pc) =	sbr.rel @p0 .LBB2_4-.Ltmp5, $4  }
0xe9: {  	v11 =	vmul.f32 $1.442695020e+00, v5;
	v2 =	vld [tilespmem:s25+$0xFFFFFFF0];
	v0 =	vadd.f32 v4, v3;
	[tilespmem:s24+$0xFFFFFFF0] =	vst v8;
	v5 =	vnsel vm0, $0x0, v10  }
0xea: {  	v4 =	vld [tilespmem:s25+$0x0];
	v8 =	vmul.f32 $2.000000030e-01, v9;
	(erf) = vpow2.f32 v6;
	[tilespmem:s24+$0x0] =	vst v5;
	s24 =	smov.u32 s23  }
0xeb: {  	vm1 =	vgt.f32 v9, $0.0e+00;
	v5 =	vmul.f32 $2.000000030e-01, v0;
	(erf) = vpow2.f32 v11  }
0xec: {  	s28 =	sadd.s32 $0x20, s28;
	v6 =	vsel vm1, v9, v8;
	vm1 =	vgt.f32 v0, $0.0e+00;
	v3 =	vmov v7  }
0xed: {  	_ = 	snop  }
0xee: {  	v1 =	vadd.f32 v2, v1  }
0xef: {  	v2 =	vadd.f32 v4, v3  }
0xf0: {  	v0 =	vsel vm1, v0, v5;
	v4 =	vmul.f32 $2.000000030e-01, v1  }
0xf1: {  	v3 =	vmul.f32 $1.442695020e+00, v6;
	vm1 =	vgt.f32 v1, $0.0e+00;
	v5 =	vmul.f32 $2.000000030e-01, v2  }
0xf2: {  	v0 =	vmul.f32 $1.442695020e+00, v0;
	v1 =	vsel vm1, v1, v4;
	vm1 =	vgt.f32 v2, $0.0e+00  }
0xf3: {  	(erf) = vpow2.f32 v3;
	v1 =	vmul.f32 $1.442695020e+00, v1;
	v2 =	vsel vm1, v2, v5  }
0xf4: {  	(erf) = vpow2.f32 v0;
	v0 =	vmul.f32 $1.442695020e+00, v2  }
0xf5: {  	(erf) = vpow2.f32 v1  }
0xf6: {  	(erf) = vpow2.f32 v0;
	_ =	sdelay $0x1  }
0xf7: {  	v0 =	vpop (erf)  }
0xf8: {  	v1 =	vpop (erf);
	v0 =	vnsel vm0, $0x0, v0  }
0xf9: {  	v2 =	vpop (erf);
	[tilespmem:s24+$0xFFFFFFF0] =	vst v0;
	v0 =	vnsel vm0, $0x0, v1  }
0xfa: {  	s23 =	sadd.s32 $0x20, s23;
	v1 =	vpop (erf);
	[tilespmem:s24+$0x0] =	vst v0;
	v0 =	vnsel vm0, $0x0, v2  }
0xfb: {  	[tilespmem:s23+$0xFFFFFFF0] =	vst v0;
	v0 =	vnsel vm0, $0x0, v1;
	v1 =	vpop (erf)  }
0xfc: {  	s26 =	sadd.s32 $0x20, s23;
	[tilespmem:s23+$0x0] =	vst v0;
	v0 =	vnsel vm0, $0x0, v1;
	v1 =	vpop (erf)  }
0xfd: {  	s9 =	sor.u32 $0x20, s9;
	[tilespmem:s26+$0xFFFFFFF0] =	vst v0;
	v0 =	vnsel vm0, $0x0, v1;
	v1 =	vpop (erf)  }
0xfe: {  	p0 =	sgt.u32 s9, $0x9C3;
	s28 =	sadd.s32 $0x20, s26;
	[tilespmem:s26+$0x0] =	vst v0;
	v0 =	vnsel vm0, $0x0, v1;
	v1 =	vpop (erf)  }
0xff: {  	s24 =	sshll.u32 @!p0 s9, $0x4;
	[tilespmem:s28+$0xFFFFFFF0] =	vst v0;
	v0 =	vnsel vm0, $0x0, v1  }
0x100: {  	s25 =	simm.s32 @!p0 $0x0;
	s23 =	sadd.s32 @!p0 s17, s24;
	s26 =	simm.s32 @!p0 $0x6880;
	[tilespmem:s28+$0x0] =	vst v0  }
0x101: {  	[tilespmem:s26], [sflag:$0x4] =	stream.linear.gather @!p0 [hbm4b:s23+s25], $0x80, $0x38;
	[tilespmem:$0x1CD80] =	vst v63  }
0x102: {  	s23 =	simm.s32 @!p0 $0x4  }
0x103: {  	_ =	swait.ge @!p0 [sflag:s23], $0x80  }
0x104: {  	[sflag:s23] =	ssyncset.done @!p0 $0x0  }
0x105: {  	s24 =	sadd.s32 @!p0 s18, s24;
	s28 =	simm.s32 @!p0 $0x6980;
	[sflag:s23] =	ssyncadd.s32 @!p0 $0xFFFFFF80  }
0x106: {  	[tilespmem:s28], [sflag:$0x4] =	stream.linear.gather @!p0 [hbm4b:s24+s25], $0x80, $0x38;
	[tilespmem:$0x1CD80] =	vst v63  }
0x107: {  	_ =	swait.ge @!p0 [sflag:s23], $0x80  }
0x108: {  	[sflag:s23] =	ssyncset.done @!p0 $0x0  }
0x109: {  	s24 =	simm.s32 @!p0 $0x4800;
	[sflag:s23] =	ssyncadd.s32 @!p0 $0xFFFFFF80;
	s23 =	simm.s32 @!p0 $0x80  }
0x10a: {  	[tilespmem:s24], [sflag:$0x3] =	stream.indirect.gather @!p0 [hbm4b:s19+s23], $0x10, s26, s23, $0xb8;
	[tilespmem:$0x1CD80] =	vst v63  }
0x10b: {  	s24 =	simm.s32 @!p0 $0x5800  }
0x10c: {  	[tilespmem:s24], [sflag:$0x3] =	stream.indirect.gather @!p0 [hbm4b:s20+s23], $0x10, s28, s23, $0xb8;
	[tilespmem:$0x1CD80] =	vst v63  }
0x10d: {  	_ =	swait.ge [sflag:s16], $0x4000  }
0x10e: {  	[sflag:s16] =	ssyncset.done $0x0  }
0x10f: {  	s29 =	simm.s32 $0x6010;
	[sflag:s16] =	ssyncadd.s32 $0xFFFFC000  }
0x110: {  	v1 =	vld [tilespmem:s29+$0x0]  }
0x111: {  	s23 =	simm.s32 $0x80;
	v2 =	vld [tilespmem:s29+$0xFFFFFFF0]  }
0x112: {  	v3 =	vld [tilespmem:s23+$0x70]  }
0x113: {  	v4 =	vld [tilespmem:s23+$0xFFFFFF80]  }
0x114: {  	v5 =	vld [tilespmem:s23+$0xFFFFFF90]  }
0x115: {  	v6 =	vld [tilespmem:s23+$0xFFFFFFA0]  }
0x116: {  	v7 =	vld [tilespmem:s23+$0xFFFFFFB0];
	v0 =	vbroadcast v1, $0x3  }
0x117: {  	v9 =	vld [tilespmem:s23+$0xFFFFFFC0];
	v8 =	vbroadcast v2, $0x0  }
0x118: {  	v10 =	vld [tilespmem:s23+$0xFFFFFFD0];
	v11 =	vbroadcast v2, $0x1;
	v3 =	vmul.f32 v3, v0  }
0x119: {  	v12 =	vld [tilespmem:s23+$0xFFFFFFE0];
	v4 =	vmul.f32 v8, v4  }
0x11a: {  	v13 =	vld [tilespmem:s23+$0x0];
	v6 =	vmul.f32 v6, v11;
	[tilespmem:s23+$0x70] =	vst v3  }
0x11b: {  	v3 =	vmul.f32 v5, v8;
	v8 =	vld [tilespmem:s23+$0xFFFFFFF0];
	v5 =	vbroadcast v2, $0x2;
	[tilespmem:s23+$0xFFFFFF80] =	vst v4  }
0x11c: {  	v4 =	vmul.f32 v7, v11;
	v7 =	vld [tilespmem:s23+$0x10];
	[tilespmem:s23+$0xFFFFFFA0] =	vst v6  }
0x11d: {  	v11 =	vbroadcast v2, $0x3;
	[tilespmem:s23+$0xFFFFFF90] =	vst v3;
	v9 =	vmul.f32 v9, v5;
	v3 =	vld [tilespmem:s23+$0x20]  }
0x11e: {  	v14 =	vbroadcast v1, $0x0;
	v6 =	vmul.f32 v10, v5;
	[tilespmem:s23+$0xFFFFFFB0] =	vst v4;
	v4 =	vld [tilespmem:s23+$0x30]  }
0x11f: {  	v2 =	vbroadcast v1, $0x1;
	v12 =	vmul.f32 v12, v11;
	v5 =	vld [tilespmem:s23+$0x40];
	[tilespmem:s23+$0xFFFFFFC0] =	vst v9  }
0x120: {  	v1 =	vbroadcast v1, $0x2;
	[tilespmem:s23+$0xFFFFFFD0] =	vst v6;
	v6 =	vld [tilespmem:s23+$0x50];
	v8 =	vmul.f32 v8, v11  }
0x121: {  	s25 =	simm.s32 $0x0;
	s26 =	simm.s32 $0x6030;
	s24 =	simm.s32 $0x80;
	v10 =	vmul.f32 v14, v13;
	[tilespmem:s23+$0xFFFFFFE0] =	vst v12;
	v9 =	vmul.f32 v7, v14;
	v7 =	vld [tilespmem:s23+$0x60]  }
.LBB2_6:
0x122: {  	v11 =	vld [tilespmem:s26+$0x0];
	s25 =	sadd.s32 $0x2, s25;
	[tilespmem:s23+$0xFFFFFFF0] =	vst v8;
	v3 =	vmul.f32 v3, v2  }
0x123: {  	s23 =	sadd.s32 $0x100, s23;
	v8 =	vld [tilespmem:s26+$0xFFFFFFF0];
	p1 =	slt.u32 s25, $0x7E;
	[tilespmem:s24+$0x0] =	vst v10;
	v2 =	vmul.f32 v4, v2  }
0x124: {  	v4 =	vld [tilespmem:s23+$0x70];
	[tilespmem:s24+$0x10] =	vst v9;
	v5 =	vmul.f32 v5, v1  }
0x125: {  	v9 =	vld [tilespmem:s23+$0xFFFFFF80];
	[tilespmem:s24+$0x20] =	vst v3;
	v1 =	vmul.f32 v6, v1  }
0x126: {  	v3 =	vld [tilespmem:s23+$0xFFFFFF90];
	[tilespmem:s24+$0x30] =	vst v2;
	v2 =	vmul.f32 v7, v0  }
0x127: {  	v6 =	vld [tilespmem:s23+$0xFFFFFFA0];
	v7 =	vbroadcast v11, $0x0;
	v0 =	vbroadcast v11, $0x3;
	[tilespmem:s24+$0x40] =	vst v5  }
0x128: {  	v5 =	vbroadcast v8, $0x0;
	v10 =	vbroadcast v8, $0x1;
	v12 =	vld [tilespmem:s23+$0xFFFFFFB0];
	[tilespmem:s24+$0x50] =	vst v1  }
0x129: {  	v14 =	vbroadcast v8, $0x2;
	v13 =	vld [tilespmem:s23+$0xFFFFFFC0];
	v4 =	vmul.f32 v4, v0;
	[tilespmem:s24+$0x60] =	vst v2;
	s24 =	smov.u32 s23  }
0x12a: {  	v8 =	vbroadcast v8, $0x3;
	v2 =	vbroadcast v11, $0x1;
	v15 =	vld [tilespmem:s23+$0xFFFFFFD0]  }
0x12b: {  	v1 =	vbroadcast v11, $0x2;
	v9 =	vmul.f32 v5, v9;
	v16 =	vld [tilespmem:s23+$0xFFFFFFE0];
	[tilespmem:s23+$0x70] =	vst v4  }
0x12c: {  	v3 =	vmul.f32 v3, v5;
	v4 =	vmul.f32 v6, v10;
	v5 =	vld [tilespmem:s23+$0xFFFFFFF0]  }
0x12d: {  	[tilespmem:s23+$0xFFFFFF80] =	vst v9;
	v6 =	vmul.f32 v12, v10;
	v9 =	vld [tilespmem:s23+$0x0]  }
0x12e: {  	[tilespmem:s23+$0xFFFFFF90] =	vst v3;
	v10 =	vmul.f32 v13, v14;
	v11 =	vld [tilespmem:s23+$0x10]  }
.Ltmp6:
0x12f: {  	[tilespmem:s23+$0xFFFFFFA0] =	vst v4;
	v12 =	vmul.f32 v15, v14;
	v3 =	vld [tilespmem:s23+$0x20];
	(pc) =	sbr.rel @p1 .LBB2_6-.Ltmp6, $4  }
0x130: {  	[tilespmem:s23+$0xFFFFFFB0] =	vst v6;
	v13 =	vmul.f32 v16, v8;
	v4 =	vld [tilespmem:s23+$0x30]  }
0x131: {  	[tilespmem:s23+$0xFFFFFFC0] =	vst v10;
	v8 =	vmul.f32 v5, v8;
	v5 =	vld [tilespmem:s23+$0x40]  }
0x132: {  	[tilespmem:s23+$0xFFFFFFD0] =	vst v12;
	v10 =	vmul.f32 v7, v9;
	v6 =	vld [tilespmem:s23+$0x50]  }
0x133: {  	s26 =	sadd.s32 $0x20, s26;
	[tilespmem:s23+$0xFFFFFFE0] =	vst v13;
	v9 =	vmul.f32 v11, v7;
	v7 =	vld [tilespmem:s23+$0x60]  }
0x134: {  	[tilespmem:s23+$0xFFFFFFF0] =	vst v8  }
0x135: {  	v3 =	vmul.f32 v3, v2;
	[tilespmem:s24+$0x0] =	vst v10  }
0x136: {  	v61 =	vmul.f32 v4, v2;
	[tilespmem:s24+$0x10] =	vst v9  }
0x137: {  	v62 =	vmul.f32 v5, v1;
	[tilespmem:s24+$0x20] =	vst v3  }
0x138: {  	v63 =	vmul.f32 v6, v1;
	[tilespmem:s24+$0x30] =	vst v61  }
0x139: {  	v0 =	vmul.f32 v7, v0;
	[tilespmem:s24+$0x40] =	vst v62  }
0x13a: {  	[tilespmem:s24+$0x50] =	vst v63  }
0x13b: {  	[tilespmem:s24+$0x60] =	vst v0  }
0x13c: {  	[spmem:s13] =	stream.indirect.scatter.add.f32 [tilespmem:s2], [sflag:$0x4], $0x80, s10, s11, $0xb8;
	[tilespmem:$0x1CD80] =	vst v63  }
0x13d: {  	_ =	swait.ge [sflag:s7], $0x4000  }
0x13e: {  	[sflag:s7] =	ssyncset.done $0x0  }
.Ltmp7:
0x13f: {  	[sflag:s7] =	ssyncadd.s32 $0xFFFFC000;
	(pc) =	sbr.rel @p0 .LBB2_13-.Ltmp7, $4  }
0x140: {  	[spmem:s14] =	stream.indirect.scatter.add.f32 [tilespmem:s8], [sflag:$0x4], $0x10, s10, s11, $0xb8;
	[tilespmem:$0x1CD80] =	vst v63  }
0x141: {  	_ =	swait.ge [sflag:s7], $0x800  }
0x142: {  	[sflag:s7] =	ssyncset.done $0x0  }
0x143: {  	s23 =	smov.u32 s5;
	[sflag:s7] =	ssyncadd.s32 $0xFFFFF800  }
0x144: {  	[tilespmem:s2], [sflag:$0x1] =	stream.indirect.gather [hbm4b:s1+s11], $0x80, s21, s11, $0xb8;
	[tilespmem:$0x1CD80] =	vst v63  }
0x145: {  	_ =	swait.ge [sflag:s22], $0x800  }
0x146: {  	[sflag:s22] =	ssyncset.done $0x0  }
0x147: {  	[sflag:s22] =	ssyncadd.s32 $0xFFFFF800  }
0x148: {  	_ =	swait.ge [sflag:s22], $0x800  }
0x149: {  	[sflag:s22] =	ssyncset.done $0x0  }
0x14a: {  	s23 =	simm.s32 $0x4810;
	[sflag:s22] =	ssyncadd.s32 $0xFFFFF800  }
0x14b: {  	v0 =	vld [tilespmem:s23+$0x0]  }
0x14c: {  	s24 =	simm.s32 $0x5810;
	v1 =	vld [tilespmem:s23+$0xFFFFFFF0]  }
0x14d: {  	v2 =	vld [tilespmem:s24+$0xFFFFFFF0]  }
0x14e: {  	v3 =	vld [tilespmem:s24+$0x0]  }
0x14f: {  	s26 =	simm.s32 $0x4830  }
0x150: {  	v4 =	vld [tilespmem:s26+$0x0]  }
0x151: {  	s29 =	simm.s32 $0x5830;
	v5 =	vld [tilespmem:s26+$0xFFFFFFF0]  }
0x152: {  	v1 =	vadd.f32 v2, v1;
	v2 =	vld [tilespmem:s29+$0xFFFFFFF0]  }
0x153: {  	v0 =	vadd.f32 v3, v0;
	v3 =	vld [tilespmem:s29+$0x0]  }
0x154: {  	s25 =	simm.s32 $0x4850  }
0x155: {  	v7 =	vld [tilespmem:s25+$0x0];
	v6 =	vmul.f32 $2.000000030e-01, v1  }
0x156: {  	s26 =	simm.s32 $0x5850;
	v9 =	vld [tilespmem:s25+$0xFFFFFFF0];
	vm1 =	vgt.f32 v1, $0.0e+00;
	v8 =	vmul.f32 $2.000000030e-01, v0  }
0x157: {  	v1 =	vsel vm1, v1, v6;
	vm1 =	vgt.f32 v0, $0.0e+00;
	v6 =	vld [tilespmem:s26+$0xFFFFFFF0];
	v2 =	vadd.f32 v2, v5  }
0x158: {  	v1 =	vmul.f32 $1.442695020e+00, v1;
	v0 =	vsel vm1, v0, v8;
	v5 =	vld [tilespmem:s26+$0x0];
	v4 =	vadd.f32 v3, v4  }
0x159: {  	v0 =	vmul.f32 $1.442695020e+00, v0;
	v3 =	vmul.f32 $2.000000030e-01, v2  }
0x15a: {  	(erf) = vpow2.f32 v1;
	vm1 =	vgt.f32 v2, $0.0e+00;
	v1 =	vmul.f32 $2.000000030e-01, v4  }
0x15b: {  	(erf) = vpow2.f32 v0;
	v0 =	vsel vm1, v2, v3;
	vm1 =	vgt.f32 v4, $0.0e+00  }
0x15c: {  	s29 =	simm.s32 $0x4870;
	v8 =	vmul.f32 $1.442695020e+00, v0;
	v2 =	vsel vm1, v4, v1  }
0x15d: {  	v6 =	vadd.f32 v6, v9;
	v3 =	vld [tilespmem:s29+$0x0];
	v0 =	vadd.f32 v5, v7;
	v7 =	vmul.f32 $1.442695020e+00, v2  }
0x15e: {  	s25 =	simm.s32 $0x5870;
	v1 =	vld [tilespmem:s29+$0xFFFFFFF0];
	(erf) = vpow2.f32 v8  }
0x15f: {  	v9 =	vmul.f32 $2.000000030e-01, v6;
	v2 =	vld [tilespmem:s25+$0xFFFFFFF0];
	(erf) = vpow2.f32 v7  }
0x160: {  	s28 =	simm.s32 $0x4890;
	v4 =	vld [tilespmem:s25+$0x0];
	vm1 =	vgt.f32 v6, $0.0e+00  }
0x161: {  	s23 =	simm.s32 $0x6010;
	s24 =	simm.s32 $0x6010;
	s26 =	simm.s32 $0x6;
	v5 =	vmul.f32 $2.000000030e-01, v0;
	v6 =	vsel vm1, v6, v9;
	vm1 =	vgt.f32 v0, $0.0e+00  }
.LBB2_9:
0x162: {  	s26 =	sadd.s32 $0x2, s26  }
0x163: {  	v7 =	vld [tilespmem:s28+$0x0];
	s25 =	sadd.s32 $0x20, s25;
	v6 =	vmul.f32 $1.442695020e+00, v6;
	s23 =	sadd.s32 $0x20, s23;
	v8 =	vpop (erf);
	p0 =	slt.u32 s26, $0x7E  }
.Ltmp8:
0x164: {  	v5 =	vsel vm1, v0, v5;
	v9 =	vadd.f32 v2, v1;
	v1 =	vld [tilespmem:s28+$0xFFFFFFF0];
	v8 =	vnsel vm0, $0x0, v8;
	v10 =	vpop (erf);
	(pc) =	sbr.rel @p0 .LBB2_9-.Ltmp8, $4  }
0x165: {  	v11 =	vmul.f32 $1.442695020e+00, v5;
	v2 =	vld [tilespmem:s25+$0xFFFFFFF0];
	v0 =	vadd.f32 v4, v3;
	[tilespmem:s24+$0xFFFFFFF0] =	vst v8;
	v5 =	vnsel vm0, $0x0, v10  }
0x166: {  	v4 =	vld [tilespmem:s25+$0x0];
	v8 =	vmul.f32 $2.000000030e-01, v9;
	(erf) = vpow2.f32 v6;
	[tilespmem:s24+$0x0] =	vst v5;
	s24 =	smov.u32 s23  }
0x167: {  	vm1 =	vgt.f32 v9, $0.0e+00;
	v5 =	vmul.f32 $2.000000030e-01, v0;
	(erf) = vpow2.f32 v11  }
0x168: {  	s28 =	sadd.s32 $0x20, s28;
	v6 =	vsel vm1, v9, v8;
	vm1 =	vgt.f32 v0, $0.0e+00;
	v3 =	vmov v7  }
0x169: {  	_ = 	snop  }
0x16a: {  	v1 =	vadd.f32 v2, v1  }
0x16b: {  	v2 =	vadd.f32 v4, v3  }
0x16c: {  	v0 =	vsel vm1, v0, v5;
	v4 =	vmul.f32 $2.000000030e-01, v1  }
0x16d: {  	v3 =	vmul.f32 $1.442695020e+00, v6;
	vm1 =	vgt.f32 v1, $0.0e+00;
	v5 =	vmul.f32 $2.000000030e-01, v2  }
0x16e: {  	v0 =	vmul.f32 $1.442695020e+00, v0;
	v1 =	vsel vm1, v1, v4;
	vm1 =	vgt.f32 v2, $0.0e+00  }
0x16f: {  	(erf) = vpow2.f32 v3;
	v1 =	vmul.f32 $1.442695020e+00, v1;
	v2 =	vsel vm1, v2, v5  }
0x170: {  	(erf) = vpow2.f32 v0;
	v0 =	vmul.f32 $1.442695020e+00, v2  }
0x171: {  	(erf) = vpow2.f32 v1  }
0x172: {  	(erf) = vpow2.f32 v0;
	_ =	sdelay $0x1  }
0x173: {  	v0 =	vpop (erf)  }
0x174: {  	v1 =	vpop (erf);
	v0 =	vnsel vm0, $0x0, v0  }
0x175: {  	v2 =	vpop (erf);
	[tilespmem:s24+$0xFFFFFFF0] =	vst v0;
	v0 =	vnsel vm0, $0x0, v1  }
0x176: {  	s23 =	sadd.s32 $0x20, s23;
	v1 =	vpop (erf);
	[tilespmem:s24+$0x0] =	vst v0;
	v0 =	vnsel vm0, $0x0, v2  }
0x177: {  	[tilespmem:s23+$0xFFFFFFF0] =	vst v0;
	v0 =	vnsel vm0, $0x0, v1;
	v1 =	vpop (erf)  }
0x178: {  	s26 =	sadd.s32 $0x20, s23;
	[tilespmem:s23+$0x0] =	vst v0;
	v0 =	vnsel vm0, $0x0, v1;
	v1 =	vpop (erf)  }
0x179: {  	p0 =	sgt.u32 s9, $0x9A3;
	[tilespmem:s26+$0xFFFFFFF0] =	vst v0;
	v0 =	vnsel vm0, $0x0, v1;
	v1 =	vpop (erf)  }
0x17a: {  	s9 =	sshll.u32 @!p0 s9, $0x4;
	s28 =	sadd.s32 $0x20, s26;
	[tilespmem:s26+$0x0] =	vst v0;
	v0 =	vnsel vm0, $0x0, v1;
	v1 =	vpop (erf)  }
0x17b: {  	s9 =	sadd.s32 @!p0 $0x200, s9;
	[tilespmem:s28+$0xFFFFFFF0] =	vst v0;
	v0 =	vnsel vm0, $0x0, v1  }
0x17c: {  	s25 =	simm.s32 @!p0 $0x6800;
	s24 =	simm.s32 @!p0 $0x0;
	s23 =	sadd.s32 @!p0 s17, s9;
	[tilespmem:s28+$0x0] =	vst v0  }
0x17d: {  	[tilespmem:s25], [sflag:$0x4] =	stream.linear.gather @!p0 [hbm4b:s23+s24], $0x80, $0x38;
	[tilespmem:$0x1CD80] =	vst v63  }
0x17e: {  	s23 =	simm.s32 @!p0 $0x4  }
0x17f: {  	_ =	swait.ge @!p0 [sflag:s23], $0x80  }
0x180: {  	[sflag:s23] =	ssyncset.done @!p0 $0x0  }
0x181: {  	s9 =	sadd.s32 @!p0 s18, s9;
	s26 =	simm.s32 @!p0 $0x6900;
	[sflag:s23] =	ssyncadd.s32 @!p0 $0xFFFFFF80  }
0x182: {  	[tilespmem:s26], [sflag:$0x4] =	stream.linear.gather @!p0 [hbm4b:s9+s24], $0x80, $0x38;
	[tilespmem:$0x1CD80] =	vst v63  }
0x183: {  	_ =	swait.ge @!p0 [sflag:s23], $0x80  }
0x184: {  	[sflag:s23] =	ssyncset.done @!p0 $0x0  }
0x185: {  	s9 =	simm.s32 @!p0 $0x80;
	[sflag:s23] =	ssyncadd.s32 @!p0 $0xFFFFFF80;
	s23 =	simm.s32 @!p0 $0x4000  }
0x186: {  	[tilespmem:s23], [sflag:$0x2] =	stream.indirect.gather @!p0 [hbm4b:s19+s9], $0x10, s25, s9, $0xb8;
	[tilespmem:$0x1CD80] =	vst v63  }
0x187: {  	s23 =	simm.s32 @!p0 $0x5000  }
0x188: {  	[tilespmem:s23], [sflag:$0x2] =	stream.indirect.gather @!p0 [hbm4b:s20+s9], $0x10, s26, s9, $0xb8;
	[tilespmem:$0x1CD80] =	vst v63  }
0x189: {  	_ =	swait.ge [sflag:s16], $0x4000  }
0x18a: {  	[sflag:s16] =	ssyncset.done $0x0  }
0x18b: {  	s29 =	simm.s32 $0x6010;
	[sflag:s16] =	ssyncadd.s32 $0xFFFFC000  }
0x18c: {  	v1 =	vld [tilespmem:s29+$0x0]  }
0x18d: {  	s9 =	simm.s32 $0x80;
	v2 =	vld [tilespmem:s29+$0xFFFFFFF0]  }
0x18e: {  	v3 =	vld [tilespmem:s9+$0x70]  }
0x18f: {  	v4 =	vld [tilespmem:s9+$0xFFFFFF80]  }
0x190: {  	v5 =	vld [tilespmem:s9+$0xFFFFFF90]  }
0x191: {  	v6 =	vld [tilespmem:s9+$0xFFFFFFA0]  }
0x192: {  	v7 =	vld [tilespmem:s9+$0xFFFFFFB0];
	v0 =	vbroadcast v1, $0x3  }
0x193: {  	v9 =	vld [tilespmem:s9+$0xFFFFFFC0];
	v8 =	vbroadcast v2, $0x0  }
0x194: {  	v10 =	vld [tilespmem:s9+$0xFFFFFFD0];
	v11 =	vbroadcast v2, $0x1;
	v3 =	vmul.f32 v3, v0  }
0x195: {  	v12 =	vld [tilespmem:s9+$0xFFFFFFE0];
	v4 =	vmul.f32 v8, v4  }
0x196: {  	v13 =	vld [tilespmem:s9+$0x0];
	v6 =	vmul.f32 v6, v11;
	[tilespmem:s9+$0x70] =	vst v3  }
0x197: {  	v3 =	vmul.f32 v5, v8;
	v8 =	vld [tilespmem:s9+$0xFFFFFFF0];
	v5 =	vbroadcast v2, $0x2;
	[tilespmem:s9+$0xFFFFFF80] =	vst v4  }
0x198: {  	v4 =	vmul.f32 v7, v11;
	v7 =	vld [tilespmem:s9+$0x10];
	[tilespmem:s9+$0xFFFFFFA0] =	vst v6  }
0x199: {  	v11 =	vbroadcast v2, $0x3;
	[tilespmem:s9+$0xFFFFFF90] =	vst v3;
	v9 =	vmul.f32 v9, v5;
	v3 =	vld [tilespmem:s9+$0x20]  }
0x19a: {  	v14 =	vbroadcast v1, $0x0;
	v6 =	vmul.f32 v10, v5;
	[tilespmem:s9+$0xFFFFFFB0] =	vst v4;
	v4 =	vld [tilespmem:s9+$0x30]  }
0x19b: {  	v2 =	vbroadcast v1, $0x1;
	v12 =	vmul.f32 v12, v11;
	v5 =	vld [tilespmem:s9+$0x40];
	[tilespmem:s9+$0xFFFFFFC0] =	vst v9  }
0x19c: {  	v1 =	vbroadcast v1, $0x2;
	[tilespmem:s9+$0xFFFFFFD0] =	vst v6;
	v6 =	vld [tilespmem:s9+$0x50];
	v8 =	vmul.f32 v8, v11  }
0x19d: {  	s24 =	simm.s32 $0x0;
	s25 =	simm.s32 $0x6030;
	s23 =	simm.s32 $0x80;
	v10 =	vmul.f32 v14, v13;
	[tilespmem:s9+$0xFFFFFFE0] =	vst v12;
	v9 =	vmul.f32 v7, v14;
	v7 =	vld [tilespmem:s9+$0x60]  }
.LBB2_11:
0x19e: {  	v11 =	vld [tilespmem:s25+$0x0];
	s24 =	sadd.s32 $0x2, s24;
	[tilespmem:s9+$0xFFFFFFF0] =	vst v8;
	v3 =	vmul.f32 v3, v2  }
0x19f: {  	s9 =	sadd.s32 $0x100, s9;
	v8 =	vld [tilespmem:s25+$0xFFFFFFF0];
	p1 =	slt.u32 s24, $0x7E;
	[tilespmem:s23+$0x0] =	vst v10;
	v2 =	vmul.f32 v4, v2  }
0x1a0: {  	v4 =	vld [tilespmem:s9+$0x70];
	[tilespmem:s23+$0x10] =	vst v9;
	v5 =	vmul.f32 v5, v1  }
0x1a1: {  	v9 =	vld [tilespmem:s9+$0xFFFFFF80];
	[tilespmem:s23+$0x20] =	vst v3;
	v1 =	vmul.f32 v6, v1  }
0x1a2: {  	v3 =	vld [tilespmem:s9+$0xFFFFFF90];
	[tilespmem:s23+$0x30] =	vst v2;
	v2 =	vmul.f32 v7, v0  }
0x1a3: {  	v6 =	vld [tilespmem:s9+$0xFFFFFFA0];
	v7 =	vbroadcast v11, $0x0;
	v0 =	vbroadcast v11, $0x3;
	[tilespmem:s23+$0x40] =	vst v5  }
0x1a4: {  	v5 =	vbroadcast v8, $0x0;
	v10 =	vbroadcast v8, $0x1;
	v12 =	vld [tilespmem:s9+$0xFFFFFFB0];
	[tilespmem:s23+$0x50] =	vst v1  }
0x1a5: {  	v14 =	vbroadcast v8, $0x2;
	v13 =	vld [tilespmem:s9+$0xFFFFFFC0];
	v4 =	vmul.f32 v4, v0;
	[tilespmem:s23+$0x60] =	vst v2;
	s23 =	smov.u32 s9  }
0x1a6: {  	v8 =	vbroadcast v8, $0x3;
	v2 =	vbroadcast v11, $0x1;
	v15 =	vld [tilespmem:s9+$0xFFFFFFD0]  }
0x1a7: {  	v1 =	vbroadcast v11, $0x2;
	v9 =	vmul.f32 v5, v9;
	v16 =	vld [tilespmem:s9+$0xFFFFFFE0];
	[tilespmem:s9+$0x70] =	vst v4  }
0x1a8: {  	v3 =	vmul.f32 v3, v5;
	v4 =	vmul.f32 v6, v10;
	v5 =	vld [tilespmem:s9+$0xFFFFFFF0]  }
0x1a9: {  	[tilespmem:s9+$0xFFFFFF80] =	vst v9;
	v6 =	vmul.f32 v12, v10;
	v9 =	vld [tilespmem:s9+$0x0]  }
0x1aa: {  	[tilespmem:s9+$0xFFFFFF90] =	vst v3;
	v10 =	vmul.f32 v13, v14;
	v11 =	vld [tilespmem:s9+$0x10]  }
.Ltmp9:
0x1ab: {  	[tilespmem:s9+$0xFFFFFFA0] =	vst v4;
	v12 =	vmul.f32 v15, v14;
	v3 =	vld [tilespmem:s9+$0x20];
	(pc) =	sbr.rel @p1 .LBB2_11-.Ltmp9, $4  }
0x1ac: {  	[tilespmem:s9+$0xFFFFFFB0] =	vst v6;
	v13 =	vmul.f32 v16, v8;
	v4 =	vld [tilespmem:s9+$0x30]  }
0x1ad: {  	[tilespmem:s9+$0xFFFFFFC0] =	vst v10;
	v8 =	vmul.f32 v5, v8;
	v5 =	vld [tilespmem:s9+$0x40]  }
0x1ae: {  	[tilespmem:s9+$0xFFFFFFD0] =	vst v12;
	v10 =	vmul.f32 v7, v9;
	v6 =	vld [tilespmem:s9+$0x50]  }
0x1af: {  	s25 =	sadd.s32 $0x20, s25;
	[tilespmem:s9+$0xFFFFFFE0] =	vst v13;
	v9 =	vmul.f32 v11, v7;
	v7 =	vld [tilespmem:s9+$0x60]  }
0x1b0: {  	[tilespmem:s9+$0xFFFFFFF0] =	vst v8  }
0x1b1: {  	v3 =	vmul.f32 v3, v2;
	[tilespmem:s23+$0x0] =	vst v10  }
0x1b2: {  	v61 =	vmul.f32 v4, v2;
	[tilespmem:s23+$0x10] =	vst v9  }
0x1b3: {  	v62 =	vmul.f32 v5, v1;
	[tilespmem:s23+$0x20] =	vst v3  }
0x1b4: {  	v63 =	vmul.f32 v6, v1;
	[tilespmem:s23+$0x30] =	vst v61  }
0x1b5: {  	v0 =	vmul.f32 v7, v0;
	[tilespmem:s23+$0x40] =	vst v62  }
0x1b6: {  	[tilespmem:s23+$0x50] =	vst v63  }
0x1b7: {  	[tilespmem:s23+$0x60] =	vst v0  }
0x1b8: {  	[spmem:s13] =	stream.indirect.scatter.add.f32 [tilespmem:s2], [sflag:$0x4], $0x80, s4, s11, $0xb8;
	[tilespmem:$0x1CD80] =	vst v63  }
0x1b9: {  	_ =	swait.ge [sflag:s7], $0x4000  }
0x1ba: {  	[sflag:s7] =	ssyncset.done $0x0  }
0x1bb: {  	[sflag:s7] =	ssyncadd.s32 $0xFFFFC000  }
0x1bc: {  	[spmem:s14] =	stream.indirect.scatter.add.f32 [tilespmem:s8], [sflag:$0x4], $0x10, s4, s11, $0xb8;
	[tilespmem:$0x1CD80] =	vst v63  }
.Ltmp10:
0x1bd: {  	_ =	swait.ge [sflag:s7], $0x800;
	(pc) =	sbr.rel .LBB2_13-.Ltmp10, $4  }
0x1be: {  	s9 =	simm.s32 @!p0 $0x80;
	[sflag:s7] =	ssyncset.done $0x0  }
0x1bf: {  	s24 =	simm.s32 @!p0 $0x0;
	s23 =	simm.s32 @!p0 $0x6800;
	[sflag:s7] =	ssyncadd.s32 $0xFFFFF800  }
0x1c0: {  	[tilespmem:s24], [sflag:$0x1] =	stream.indirect.gather @!p0 [hbm4b:s1+s9], $0x80, s23, s9, $0xb8;
	[tilespmem:$0x1CD80] =	vst v63  }
0x1c1: {  	s23 =	smov.u32 s5  }
.LBB2_15:
0x1c2: {  	_ =	sfence.sel $0x180000  }
0x1c3: {  	[bflag:$0x0] =	sbarrier.arrive $0xFFFF  }
0x1c4: {  	_ =	strace $0x90000047  }
0x1c5: {  	s0 =	stileid.u32;
	[bflag:$0x2] =	sbarrier.arrive $0xFFFF  }
0x1c6: {  	p0 =	sne.s32 s0, $0x0;
	s0 =	rddreg [dreg:$0x4]  }
0x1c7: {  	s0 =	sadd.s32 @!p0 $0x100000, s0  }
0x1c8: {  	[sflag:s0] =	ssyncadd.tile.s32 @!p0 $0x1;
	_ =	shalt  }
.Lfunc_end2:
_tile_overlayer_lowered:
.L_overlay_start_2:
0x1c9: {  	(tag) =	ssettag $0x2  }
0x1ca: {  	s0 =	rddreg [dreg:$0x0];
	s2 =	stileid.u32  }
0x1cb: {  	s1 =	rddreg [dreg:$0x1];
	p0 =	sne.s32 s2, $0x0  }
0x1cc: {  	s3 =	rddreg [dreg:$0x2];
	[bflag:$0x3] =	sbarrier.arrive $0xFFFF;
	s2 =	simm.s32 @!p0 $0x1C04  }
0x1cd: {  	[timem:s3], [sflag:s2] =	dma.local @!p0 [hbm:s0], s1  }
0x1ce: {  	s0 =	simm.s32 @!p0 $0x4  }
0x1cf: {  	_ =	swait.ge @!p0 [sflag:s0], s1  }
0x1d0: {  	s1 =	ssub.s32 @!p0 $0x0, s1;
	[sflag:s0] =	ssyncset.done @!p0 $0x0  }
0x1d1: {  	[sflag:s0] =	ssyncadd.s32 @!p0 s1  }
0x1d2: {  	[bflag:$0x3] =	sbarrier.arrive $0xFFFF  }
0x1d3: {  	_ =	shalt  }

</sc_bundles>
